<compile_context>
chip_gen: v7x
topology: tpu7x:2x2x1
jax: 0.10.2.dev20260603
libtpu: 0.0.44.dev20260713+nightly
codegen_flags: <defaults>
</compile_context>

<pallas_src>
import functools

import jax
import jax.numpy as jnp
from jax import lax
from jax.experimental import pallas as pl
from jax.experimental.pallas import tpu as pltpu
from jax.experimental.pallas import tpu_sc as plsc

H = 16
_PACK = 8
_LANES = _PACK * H
_EDGE_PBLOCK = 5000


def _ln_relu_packed(h, m_ref, g_t, bt_t):
    mavg = m_ref[...]
    mu = h @ mavg
    d = h - mu
    var = (d * d) @ mavg
    return jax.nn.relu(d * lax.rsqrt(var + 1e-5) * g_t + bt_t)


def _node_encode_body(xr_ref, u_ref, wnbd_ref, bn_ref, gn_ref, btn_ref,
                      mavg_ref, w2bd_ref, w3bd_ref,
                      wg_ref, bg_ref, gg_ref, btg_ref, w4t_ref, bce_ref,
                      n_ref, p2_ref, p3_ref, c_ref):
    h = xr_ref[...] @ wnbd_ref[...] + bn_ref[...]
    n = _ln_relu_packed(h, mavg_ref, gn_ref[...], btn_ref[...])
    n_ref[...] = n
    p2_ref[...] = n @ w2bd_ref[...]
    p3_ref[...] = n @ w3bd_ref[...]
    hg = u_ref[...] @ wg_ref[...] + bg_ref[...]
    mu = jnp.mean(hg, axis=-1, keepdims=True)
    var = jnp.mean((hg - mu) ** 2, axis=-1, keepdims=True)
    g = jax.nn.relu((hg - mu) * lax.rsqrt(var + 1e-5) * gg_ref[...]
                    + btg_ref[...])
    c_ref[...] = g @ w4t_ref[...] + bce_ref[...]


def _node_encode(xr, u, wnbd, bn, gn, btn, mavg, w2bd, w3bd,
                 wg, bg, gg, btg, w4t, bce, interpret=False):
    rows = xr.shape[0]
    out_shape = [
        jax.ShapeDtypeStruct((rows, _LANES), jnp.float32),
        jax.ShapeDtypeStruct((rows, _LANES), jnp.float32),
        jax.ShapeDtypeStruct((rows, _LANES), jnp.float32),
        jax.ShapeDtypeStruct((1, _LANES), jnp.float32),
    ]
    return pl.pallas_call(_node_encode_body, out_shape=out_shape,
                          interpret=interpret)(
        xr, u, wnbd, bn, gn, btn, mavg, w2bd, w3bd,
        wg, bg, gg, btg, w4t, bce)


@functools.cache
def _make_gather(n_edges):
    nw = 32
    per = n_edges // nw
    ch = 1000
    nch = per // ch
    mesh = plsc.VectorSubcoreMesh(core_axis_name="c", subcore_axis_name="s")

    @functools.partial(
        pl.kernel, mesh=mesh,
        compiler_params=pltpu.CompilerParams(use_tc_tiling_on_sc=False,
                                             needs_layout_passes=False),
        out_type=[jax.ShapeDtypeStruct((n_edges, H), jnp.float32),
                  jax.ShapeDtypeStruct((n_edges, H), jnp.float32),
                  jax.ShapeDtypeStruct((n_edges, H), jnp.float32)],
        scratch_types=[pltpu.VMEM((2, ch), jnp.int32),
                       pltpu.VMEM((2, ch), jnp.int32),
                       pltpu.VMEM((2, ch, H), jnp.float32),
                       pltpu.VMEM((2, ch, H), jnp.float32),
                       pltpu.VMEM((2, H, ch), jnp.float32),
                       pltpu.VMEM((ch, H), jnp.float32),
                       pltpu.SemaphoreType.DMA,
                       pltpu.SemaphoreType.DMA,
                       pltpu.SemaphoreType.DMA,
                       pltpu.SemaphoreType.DMA,
                       pltpu.SemaphoreType.DMA,
                       pltpu.SemaphoreType.DMA],
    )
    def gather(p2_hbm, p3_hbm, src_hbm, dst_hbm, eat_hbm,
               gs_hbm, gd_hbm, ea_out_hbm,
               idxa, idxb, rowsa, rowsb, sbuf, rowse,
               sa0, sa1, sb0, sb1, se0, se1):
        wid = lax.axis_index("s") * 2 + lax.axis_index("c")
        base = wid * per
        lanes = lax.iota(jnp.int32, 16)
        sems = ((sa0, sb0, se0), (sa1, sb1, se1))

        def start(c, p):
            off = base + c * ch
            sa, sb, se = sems[p]
            pltpu.sync_copy(src_hbm.at[pl.ds(off, ch)], idxa.at[p])
            pltpu.sync_copy(dst_hbm.at[pl.ds(off, ch)], idxb.at[p])
            pltpu.async_copy(p2_hbm.at[idxa.at[p]], rowsa.at[p], sa)
            pltpu.async_copy(p3_hbm.at[idxb.at[p]], rowsb.at[p], sb)
            pltpu.async_copy(eat_hbm.at[:, pl.ds(off, ch)], sbuf.at[p], se)

        def finish(c, p):
            off = base + c * ch
            sa, sb, se = sems[p]
            pltpu.make_async_copy(eat_hbm.at[:, pl.ds(off, ch)],
                                  sbuf.at[p], se).wait()

            def trans8(e8, carry2):
                e = e8 * 8
                for t in range(8):
                    col = jnp.full((16,), e + t, jnp.int32)
                    rowse[e + t, :] = plsc.load_gather(sbuf.at[p],
                                                       [lanes, col])
                return carry2

            lax.fori_loop(0, ch // 8, trans8, 0)
            pltpu.sync_copy(rowse, ea_out_hbm.at[pl.ds(off, ch)])
            pltpu.make_async_copy(p2_hbm.at[idxa.at[p]],
                                  rowsa.at[p], sa).wait()
            pltpu.sync_copy(rowsa.at[p], gs_hbm.at[pl.ds(off, ch)])
            pltpu.make_async_copy(p3_hbm.at[idxb.at[p]],
                                  rowsb.at[p], sb).wait()
            pltpu.sync_copy(rowsb.at[p], gd_hbm.at[pl.ds(off, ch)])

        start(0, 0)

        def body(c2, carry):
            c = c2 * 2
            start(c + 1, 1)
            finish(c, 0)

            @pl.when(c2 < nch // 2 - 1)
            def _():
                start(c + 2, 0)

            finish(c + 1, 1)
            return carry

        lax.fori_loop(0, nch // 2, body, 0)

    return gather


@functools.cache
def _make_scatter(n_edges, n_nodes):
    nw = 32
    per = n_edges // nw
    ch = 1000
    nch = per // ch
    zrows = n_nodes // 16
    mesh = plsc.VectorSubcoreMesh(core_axis_name="c", subcore_axis_name="s")

    @functools.partial(
        pl.kernel, mesh=mesh,
        compiler_params=pltpu.CompilerParams(use_tc_tiling_on_sc=False),
        out_type=jax.ShapeDtypeStruct((2, n_nodes, H), jnp.float32),
        scratch_types=[pltpu.VMEM((2, ch), jnp.int32),
                       pltpu.VMEM((2, ch, H), jnp.float32),
                       pltpu.VMEM((zrows, H), jnp.float32),
                       pltpu.VMEM_SHARED((n_nodes, H), jnp.float32),
                       pltpu.SemaphoreType.DMA,
                       pltpu.SemaphoreType.DMA],
    )
    def scatter(e2_hbm, dst_hbm, out_hbm, idx, rows, tbuf, acc_sh, s0, s1):
        cid = lax.axis_index("c")
        sid = lax.axis_index("s")

        def zero_row(r, carry):
            tbuf[r, :] = jnp.zeros((H,), jnp.float32)
            return carry

        lax.fori_loop(0, zrows, zero_row, 0)
        pltpu.sync_copy(tbuf, acc_sh.at[pl.ds(sid * zrows, zrows)])
        plsc.subcore_barrier()

        wid = sid * 2 + cid
        base = wid * per
        sems = (s0, s1)

        def start(c, p):
            off = base + c * ch
            pltpu.sync_copy(dst_hbm.at[pl.ds(off, ch)], idx.at[p])
            pltpu.async_copy(e2_hbm.at[pl.ds(off, ch)], rows.at[p], sems[p])

        def finish(c, p):
            off = base + c * ch
            pltpu.make_async_copy(e2_hbm.at[pl.ds(off, ch)],
                                  rows.at[p], sems[p]).wait()
            pltpu.sync_copy(rows.at[p], acc_sh.at[idx.at[p]], add=True)

        start(0, 0)

        def body(c2, carry):
            c = c2 * 2
            start(c + 1, 1)
            finish(c, 0)

            @pl.when(c2 < nch // 2 - 1)
            def _():
                start(c + 2, 0)

            finish(c + 1, 1)
            return carry

        lax.fori_loop(0, nch // 2, body, 0)
        plsc.subcore_barrier()
        pltpu.sync_copy(acc_sh.at[pl.ds(sid * zrows, zrows)], tbuf)
        pltpu.sync_copy(tbuf, out_hbm.at[cid].at[pl.ds(sid * zrows, zrows)])

    return scatter


def _edge_core_body(ea_ref, gs_ref, gd_ref, c_ref,
                    webd_ref, be_ref, ge_ref, bte_ref, mavg_ref,
                    w1bd_ref, gc_ref, btc_ref, woebd_ref, boe_ref,
                    e2_ref, ze_ref, m_ref, s_ref):
    i = pl.program_id(0)
    e_enc = _ln_relu_packed(ea_ref[...] @ webd_ref[...] + be_ref[...],
                            mavg_ref, ge_ref[...], bte_ref[...])
    h = e_enc @ w1bd_ref[...] + gs_ref[...] + gd_ref[...] + c_ref[...]
    e2 = _ln_relu_packed(h, mavg_ref, gc_ref[...], btc_ref[...])
    e2_ref[...] = e2
    ze = e2 @ woebd_ref[...] + boe_ref[...]
    ze_ref[...] = jnp.transpose(ze)[None]

    @pl.when(i == 0)
    def _():
        m_ref[...] = jnp.full((1, H), -jnp.inf, jnp.float32)
        s_ref[...] = jnp.zeros((1, H), jnp.float32)

    bm = jnp.max(ze, axis=0, keepdims=True)
    m_old = m_ref[...]
    m_new = jnp.maximum(m_old, bm)
    s_ref[...] = (s_ref[...] * jnp.exp(m_old - m_new)
                  + jnp.sum(jnp.exp(ze - m_new), axis=0, keepdims=True))
    m_ref[...] = m_new


def _edge_core(ea, gs, gd, c, webd, be, ge, bte, mavg, w1bd, gc, btc,
               woebd, boe, interpret=False):
    rows = ea.shape[0]
    blk = _EDGE_PBLOCK
    grid = rows // blk
    row_spec = pl.BlockSpec((blk, _LANES), lambda i: (i, 0))
    full = lambda a: pl.BlockSpec(a.shape, lambda i: tuple(0 for _ in a.shape))
    out_shape = [
        jax.ShapeDtypeStruct((rows, _LANES), jnp.float32),
        jax.ShapeDtypeStruct((grid, H, blk), jnp.float32),
        jax.ShapeDtypeStruct((1, H), jnp.float32),
        jax.ShapeDtypeStruct((1, H), jnp.float32),
    ]
    return pl.pallas_call(
        _edge_core_body,
        grid=(grid,),
        in_specs=[row_spec, row_spec, row_spec, full(c), full(webd), full(be),
                  full(ge), full(bte), full(mavg), full(w1bd), full(gc),
                  full(btc), full(woebd), full(boe)],
        out_specs=[row_spec, pl.BlockSpec((1, H, blk), lambda i: (i, 0, 0)),
                   pl.BlockSpec((1, H), lambda i: (0, 0)),
                   pl.BlockSpec((1, H), lambda i: (0, 0))],
        out_shape=out_shape,
        interpret=interpret,
    )(ea, gs, gd, c, webd, be, ge, bte, mavg, w1bd, gc, btc, woebd, boe)


def _node_core_body(n_ref, a0_ref, a1_ref, wnnbd_ref, wnabd_ref, bcn_ref,
                    gcn_ref, btcn_ref, mavg_ref, wonbd_ref, bon_ref,
                    zn_ref, m_ref, s_ref):
    agg = a0_ref[...] + a1_ref[...]
    h = n_ref[...] @ wnnbd_ref[...] + agg @ wnabd_ref[...] + bcn_ref[...]
    n2 = _ln_relu_packed(h, mavg_ref, gcn_ref[...], btcn_ref[...])
    zn = n2 @ wonbd_ref[...] + bon_ref[...]
    zn_ref[...] = jnp.transpose(zn)
    m = jnp.max(zn, axis=0, keepdims=True)
    m_ref[...] = m
    s_ref[...] = jnp.sum(jnp.exp(zn - m), axis=0, keepdims=True)


def _node_core(n, a0, a1, wnnbd, wnabd, bcn, gcn, btcn, mavg, wonbd, bon,
               interpret=False):
    rows = n.shape[0]
    out_shape = [
        jax.ShapeDtypeStruct((H, rows), jnp.float32),
        jax.ShapeDtypeStruct((1, H), jnp.float32),
        jax.ShapeDtypeStruct((1, H), jnp.float32),
    ]
    return pl.pallas_call(_node_core_body, out_shape=out_shape,
                          interpret=interpret)(
        n, a0, a1, wnnbd, wnabd, bcn, gcn, btcn, mavg, wonbd, bon)


def _finish_softmax(z_t, mg, sg, n_rows):
    m8 = mg[0].reshape(_PACK, 2)
    s8 = sg[0].reshape(_PACK, 2)
    m2 = jnp.max(m8, axis=0)
    s2 = jnp.sum(s8 * jnp.exp(m8 - m2[None, :]), axis=0)
    g, _, b = z_t.shape
    z5 = z_t.reshape(g, _PACK, 2, b)
    ex = (jnp.exp(z5 - m2[None, None, :, None])
          * (1.0 / s2)[None, None, :, None])
    return jnp.transpose(ex, (0, 3, 1, 2)).reshape(n_rows, 2)


def kernel(x, edge_index, edge_attr, u, params):
    n_nodes, n_edges = x.shape[0], edge_attr.shape[0]
    src = edge_index[0].astype(jnp.int32)
    dst = edge_index[1].astype(jnp.int32)
    f32 = jnp.float32
    r = lambda v: jnp.reshape(v, (1, -1))
    eye8 = jnp.eye(_PACK, dtype=f32)
    bd = lambda w: jnp.kron(eye8, w)
    t8 = lambda v: jnp.tile(jnp.reshape(v, (1, -1)), (1, _PACK))
    mavg = jnp.kron(eye8, jnp.full((H, H), 1.0 / H, f32))

    pe, pn, pg = params["enc_e"], params["enc_n"], params["enc_g"]
    ce, cn = params["core_e"], params["core_n"]
    oe, on = params["out_e"], params["out_n"]
    w1, w2, w3, w4 = (ce["W"][0:16], ce["W"][16:32], ce["W"][32:48],
                      ce["W"][48:64])
    wnn, wna = cn["W"][0:16], cn["W"][16:32]

    xr = jnp.reshape(x, (n_nodes // _PACK, _PACK * x.shape[1]))
    n_p, p2_p, p3_p, c_t = _node_encode(
        xr, u, bd(pn["W"]), t8(pn["b"]), t8(pn["g"]), t8(pn["bt"]), mavg,
        bd(w2), bd(w3),
        pg["W"], r(pg["b"]), r(pg["g"]), r(pg["bt"]),
        jnp.tile(w4, (1, _PACK)), t8(ce["b"]))

    p2 = jnp.reshape(p2_p, (n_nodes, H))
    p3 = jnp.reshape(p3_p, (n_nodes, H))
    ea_t = jnp.swapaxes(edge_attr, 0, 1)
    gs, gd, ea_lin = _make_gather(n_edges)(p2, p3, src, dst, ea_t)

    ea_p = jnp.reshape(ea_lin, (n_edges // _PACK, _LANES))
    gs_p = jnp.reshape(gs, (n_edges // _PACK, _LANES))
    gd_p = jnp.reshape(gd, (n_edges // _PACK, _LANES))
    e2_p, ze_t, mg_e, sg_e = _edge_core(
        ea_p, gs_p, gd_p, c_t, bd(pe["W"]), t8(pe["b"]), t8(pe["g"]),
        t8(pe["bt"]), mavg, bd(w1), t8(ce["g"]), t8(ce["bt"]),
        bd(oe["W"]), t8(oe["b"]))

    edge_out = _finish_softmax(ze_t, mg_e, sg_e, n_edges)

    e2 = jnp.reshape(e2_p, (n_edges, H))
    aggp = _make_scatter(n_edges, n_nodes)(e2, dst)
    agg_p = jnp.reshape(aggp, (2, n_nodes // _PACK, _LANES))

    zn_t, mg_n, sg_n = _node_core(
        n_p, agg_p[0], agg_p[1], bd(wnn), bd(wna), t8(cn["b"]), t8(cn["g"]),
        t8(cn["bt"]), mavg, bd(on["W"]), t8(on["b"]))

    node_out = _finish_softmax(zn_t[None], mg_n, sg_n, n_nodes)

    glob_out = jnp.ones((1, 1), f32)
    return edge_out, node_out, glob_out

# --- scband reference (transcript-rebuilt; emitter-appended) ---
"""Pipeline reference for scband-network-1434519077460 (READ-ONLY COPY).

The authoritative reference and input builder live on the scoring server;
editing this copy changes nothing except your own understanding.
"""

import jax, jax.numpy as jnp
import numpy as np

N = 10000
E = 320000
D_FEAT = 128
D_EDGE = 16
D_GLOB = 128
H = 16


def _dense_params(key, din, dout):
    return {"W": jax.random.normal(key, (din, dout), dtype=jnp.float32) * 0.05,
            "b": jnp.zeros((dout,), jnp.float32),
            "g": jnp.ones((dout,), jnp.float32),
            "bt": jnp.zeros((dout,), jnp.float32)}


def _lin_params(key, din, dout):
    return {"W": jax.random.normal(key, (din, dout), dtype=jnp.float32) * 0.05,
            "b": jnp.zeros((dout,), jnp.float32)}


def setup_inputs(seed: int = 0) -> dict:
    key = jax.random.key(seed)
    ks = jax.random.split(key, 13)
    x = jax.random.normal(ks[0], (N, D_FEAT), dtype=jnp.float32)
    edge_index = jax.random.randint(ks[1], (2, E), 0, N)
    edge_attr = jax.random.normal(ks[2], (E, D_EDGE), dtype=jnp.float32)
    u = jax.random.normal(ks[3], (1, D_GLOB), dtype=jnp.float32)
    params = {
        "enc_e": _dense_params(ks[4], D_EDGE, H),
        "enc_n": _dense_params(ks[5], D_FEAT, H),
        "enc_g": _dense_params(ks[6], D_GLOB, H),
        "core_e": _dense_params(ks[7], 4 * H, H),
        "core_n": _dense_params(ks[8], 2 * H, H),
        "core_g": _dense_params(ks[9], 3 * H, H),
        "out_e": _lin_params(ks[10], H, 2),
        "out_n": _lin_params(ks[11], H, 2),
        "out_g": _lin_params(ks[12], H, 1),
    }
    return {"x": x, "edge_index": edge_index, "edge_attr": edge_attr, "u": u, "params": params}


def _dense(p, h):
    # Linear -> LayerNorm -> ReLU  (dropout 0.2 is identity at inference)
    h = h @ p["W"] + p["b"]
    mu = jnp.mean(h, axis=-1, keepdims=True)
    var = jnp.var(h, axis=-1, keepdims=True)
    h = (h - mu) / jnp.sqrt(var + 1e-5) * p["g"] + p["bt"]
    return jax.nn.relu(h)


def _graph_net(x, edge_index, edge_attr, u, params):
    src = edge_index[0]
    dst = edge_index[1]
    # --- encode: independent edge / node / global blocks ---
    e = _dense(params["enc_e"], edge_attr)
    n = _dense(params["enc_n"], x)
    g = _dense(params["enc_g"], u)
    # --- core: aggregating graph-network step ---
    gb = jnp.broadcast_to(g, (e.shape[0], g.shape[-1]))
    e2 = _dense(params["core_e"], jnp.concatenate([e, n[src], n[dst], gb], axis=-1))
    agg_e = jax.ops.segment_sum(e2, dst, num_segments=n.shape[0])
    n2 = _dense(params["core_n"], jnp.concatenate([n, agg_e], axis=-1))
    e_g = jnp.sum(e2, axis=0, keepdims=True)
    n_g = jnp.sum(n2, axis=0, keepdims=True)
    g2 = _dense(params["core_g"], jnp.concatenate([g, e_g, n_g], axis=-1))
    # --- out: linear + Softmax(dim=0) per block ---
    edge_out = jax.nn.softmax(e2 @ params["out_e"]["W"] + params["out_e"]["b"], axis=0)
    node_out = jax.nn.softmax(n2 @ params["out_n"]["W"] + params["out_n"]["b"], axis=0)
    glob_out = jax.nn.softmax(g2 @ params["out_g"]["W"] + params["out_g"]["b"], axis=0)
    return edge_out, node_out, glob_out


def reference(x, edge_index, edge_attr, u, params):
    return _graph_net(x, edge_index, edge_attr, u, params)

if __name__ == "__main__":
    import jax
    _d = setup_inputs()
    print(jax.jit(kernel)(*tuple(_d.values())))

</pallas_src>

<mosaic_0001>
#map = affine_map<(d0, d1) -> (0, 0)>
#map1 = affine_map<(d0, d1) -> (0)>
#map2 = affine_map<(d0, d1) -> (0, 0, 0)>
module attributes {stable_mosaic.version = 14 : i64} {
  func.func @scatter(%arg0: i32, %arg1: i32, %arg2: memref<320000x16xf32, #tpu.memory_space<hbm>>, %arg3: memref<320000xi32, #tpu.memory_space<hbm>>, %arg4: memref<2x10000x16xf32, #tpu.memory_space<hbm>>, %arg5: memref<2x1000xi32, #tpu.memory_space<vmem>>, %arg6: memref<2x1000x16xf32, #tpu.memory_space<vmem>>, %arg7: memref<625x16xf32, #tpu.memory_space<vmem>>, %arg8: memref<10000x16xf32, #tpu.memory_space<vmem_shared>>, %arg9: memref<!tpu.dma_semaphore, #tpu.memory_space<semaphore_mem>>, %arg10: memref<!tpu.dma_semaphore, #tpu.memory_space<semaphore_mem>>) attributes {dimension_semantics = [#tpu.dimension_semantics<core_parallel>, #tpu.dimension_semantics<subcore_parallel>], iteration_bounds = array<i64: 2, 16>, scalar_prefetch = 0 : i64, scratch_operands = 6 : i64, tpu.core_type = #tpu.core_type<sc_vector_subcore>, window_params = [{transform_indices = #map}, {transform_indices = #map1}, {transform_indices = #map2}]} {
    %scan3A = arith.constant 0 : i32
    %scan3A_0 = arith.constant 0 : i32
    %scan3A_1 = arith.constant 625 : i32
    %scan3A_2 = arith.addi %scan3A_0, %scan3A_1 : i32
    %scan3A_3 = arith.constant 1 : i32
    scf.for %scan3A_35 = %scan3A_0 to %scan3A_2 step %scan3A_3  : i32 {
      %broadcast_in_dim3A = arith.constant 0.000000e+00 : f32
      %broadcast_in_dim3A_36 = vector.broadcast %broadcast_in_dim3A : f32 to vector<16xf32>
      %swap3A = arith.index_cast %scan3A_35 : i32 to index
      %swap3A_37 = arith.constant 0 : index
      %swap3A_38 = tpu.vector_load %arg7[%swap3A, %swap3A_37] {strides = array<i32>} : memref<625x16xf32, #tpu.memory_space<vmem>>, vector<1x16xf32>,
      %swap3A_39 = vector.shape_cast %swap3A_38 : vector<1x16xf32> to vector<16xf32>
      %swap3A_40 = vector.shape_cast %broadcast_in_dim3A_36 : vector<16xf32> to vector<1x16xf32>
      tpu.vector_store %arg7[%swap3A, %swap3A_37], %swap3A_40 {strides = array<i32>} : memref<625x16xf32, #tpu.memory_space<vmem>>, vector<1x16xf32>,
    }
    %scan3A_4 = arith.constant 625 : i32
    %mul3A = arith.constant 625 : i32
    %mul3A_5 = arith.muli %arg1, %mul3A : i32
    "tpu.region"() ({
      %run_scoped3A_35 = tpu.sem_alloc : memref<!tpu.dma_semaphore, #tpu.memory_space<semaphore_mem>>
      %dma_start3A_36 = arith.constant 0 : i32
      %dma_start3A_37 = tpu.memref_slice %arg8[%mul3A_5, %dma_start3A_36] : memref<10000x16xf32, #tpu.memory_space<vmem_shared>> -> memref<625x16xf32, #tpu.memory_space<vmem_shared>>
      %dma_start3A_38 = arith.constant 0 : i32
      %dma_start3A_39 = tpu.memref_slice %arg8[%mul3A_5, %dma_start3A_38] : memref<10000x16xf32, #tpu.memory_space<vmem_shared>> -> memref<625x16xf32, #tpu.memory_space<vmem_shared>>
      tpu.enqueue_dma source(%arg7 : memref<625x16xf32, #tpu.memory_space<vmem>>) target(%dma_start3A_39 : memref<625x16xf32, #tpu.memory_space<vmem_shared>>) target_semaphore(%run_scoped3A_35 : memref<!tpu.dma_semaphore, #tpu.memory_space<semaphore_mem>>)
      %dma_wait3A = arith.constant 0 : i32
      %dma_wait3A_40 = tpu.memref_slice %arg8[%mul3A_5, %dma_wait3A] : memref<10000x16xf32, #tpu.memory_space<vmem_shared>> -> memref<625x16xf32, #tpu.memory_space<vmem_shared>>
      %dma_wait3A_41 = arith.constant 0 : i32
      %dma_wait3A_42 = tpu.memref_slice %arg8[%mul3A_5, %dma_wait3A_41] : memref<10000x16xf32, #tpu.memory_space<vmem_shared>> -> memref<625x16xf32, #tpu.memory_space<vmem_shared>>
      tpu.wait_dma2 semaphore(%run_scoped3A_35 : memref<!tpu.dma_semaphore, #tpu.memory_space<semaphore_mem>>) src(%arg7 : memref<625x16xf32, #tpu.memory_space<vmem>>) dst(%dma_wait3A_42 : memref<625x16xf32, #tpu.memory_space<vmem_shared>>)
      tpu.yield
    }) : () -> ()
    %barrier3A = arith.constant 0 : index
    tpu.barrier barrier_id(%barrier3A)
    %mul3A_6 = arith.constant 2 : i32
    %mul3A_7 = arith.muli %arg1, %mul3A_6 : i32
    %add3A = arith.addi %mul3A_7, %arg0 : i32
    %mul3A_8 = arith.constant 10000 : i32
    %mul3A_9 = arith.muli %add3A, %mul3A_8 : i32
    %add3A_10 = arith.constant 0 : i32
    %add3A_11 = arith.addi %mul3A_9, %add3A_10 : i32
    %run_scoped3A = arith.constant 0 : i32
    "tpu.region"() ({
      %run_scoped3A_35 = tpu.sem_alloc : memref<!tpu.dma_semaphore, #tpu.memory_space<semaphore_mem>>
      %dma_start3A_36 = arith.constant 0 : i32
      %dma_start3A_37 = tpu.memref_slice %arg5[%run_scoped3A, %dma_start3A_36] : memref<2x1000xi32, #tpu.memory_space<vmem>> -> memref<1x1000xi32, #tpu.memory_space<vmem>>
      %dma_start3A_38 = tpu.memref_squeeze %dma_start3A_37 : memref<1x1000xi32, #tpu.memory_space<vmem>> -> memref<1000xi32, #tpu.memory_space<vmem>>
      %dma_start3A_39 = tpu.memref_slice %arg3[%add3A_11] : memref<320000xi32, #tpu.memory_space<hbm>> -> memref<1000xi32, #tpu.memory_space<hbm>>
      %dma_start3A_40 = arith.constant 0 : i32
      %dma_start3A_41 = tpu.memref_slice %arg5[%run_scoped3A, %dma_start3A_40] : memref<2x1000xi32, #tpu.memory_space<vmem>> -> memref<1x1000xi32, #tpu.memory_space<vmem>>
      %dma_start3A_42 = tpu.memref_squeeze %dma_start3A_41 : memref<1x1000xi32, #tpu.memory_space<vmem>> -> memref<1000xi32, #tpu.memory_space<vmem>>
      %dma_start3A_43 = tpu.memref_slice %arg3[%add3A_11] : memref<320000xi32, #tpu.memory_space<hbm>> -> memref<1000xi32, #tpu.memory_space<hbm>>
      tpu.enqueue_dma source(%dma_start3A_43 : memref<1000xi32, #tpu.memory_space<hbm>>) target(%dma_start3A_42 : memref<1000xi32, #tpu.memory_space<vmem>>) target_semaphore(%run_scoped3A_35 : memref<!tpu.dma_semaphore, #tpu.memory_space<semaphore_mem>>)
      %dma_wait3A = arith.constant 0 : i32
      %dma_wait3A_44 = tpu.memref_slice %arg5[%run_scoped3A, %dma_wait3A] : memref<2x1000xi32, #tpu.memory_space<vmem>> -> memref<1x1000xi32, #tpu.memory_space<vmem>>
      %dma_wait3A_45 = tpu.memref_squeeze %dma_wait3A_44 : memref<1x1000xi32, #tpu.memory_space<vmem>> -> memref<1000xi32, #tpu.memory_space<vmem>>
      %dma_wait3A_46 = tpu.memref_slice %arg3[%add3A_11] : memref<320000xi32, #tpu.memory_space<hbm>> -> memref<1000xi32, #tpu.memory_space<hbm>>
      %dma_wait3A_47 = arith.constant 0 : i32
      %dma_wait3A_48 = tpu.memref_slice %arg5[%run_scoped3A, %dma_wait3A_47] : memref<2x1000xi32, #tpu.memory_space<vmem>> -> memref<1x1000xi32, #tpu.memory_space<vmem>>
      %dma_wait3A_49 = tpu.memref_squeeze %dma_wait3A_48 : memref<1x1000xi32, #tpu.memory_space<vmem>> -> memref<1000xi32, #tpu.memory_space<vmem>>
      %dma_wait3A_50 = tpu.memref_slice %arg3[%add3A_11] : memref<320000xi32, #tpu.memory_space<hbm>> -> memref<1000xi32, #tpu.memory_space<hbm>>
      tpu.wait_dma2 semaphore(%run_scoped3A_35 : memref<!tpu.dma_semaphore, #tpu.memory_space<semaphore_mem>>) src(%dma_wait3A_50 : memref<1000xi32, #tpu.memory_space<hbm>>) dst(%dma_wait3A_49 : memref<1000xi32, #tpu.memory_space<vmem>>)
      tpu.yield
    }) : () -> ()
    %dma_start3A = arith.constant 0 : i32
    %dma_start3A_12 = arith.constant 0 : i32
    %dma_start3A_13 = arith.constant 0 : i32
    %dma_start3A_14 = tpu.memref_slice %arg6[%dma_start3A, %dma_start3A_12, %dma_start3A_13] : memref<2x1000x16xf32, #tpu.memory_space<vmem>> -> memref<1x1000x16xf32, #tpu.memory_space<vmem>>
    %dma_start3A_15 = tpu.memref_squeeze %dma_start3A_14 : memref<1x1000x16xf32, #tpu.memory_space<vmem>> -> memref<1000x16xf32, #tpu.memory_space<vmem>>
    %dma_start3A_16 = arith.constant 0 : i32
    %dma_start3A_17 = tpu.memref_slice %arg2[%add3A_11, %dma_start3A_16] : memref<320000x16xf32, #tpu.memory_space<hbm>> -> memref<1000x16xf32, #tpu.memory_space<hbm>>
    %dma_start3A_18 = arith.constant 0 : i32
    %dma_start3A_19 = arith.constant 0 : i32
    %dma_start3A_20 = tpu.memref_slice %arg6[%dma_start3A, %dma_start3A_18, %dma_start3A_19] : memref<2x1000x16xf32, #tpu.memory_space<vmem>> -> memref<1x1000x16xf32, #tpu.memory_space<vmem>>
    %dma_start3A_21 = tpu.memref_squeeze %dma_start3A_20 : memref<1x1000x16xf32, #tpu.memory_space<vmem>> -> memref<1000x16xf32, #tpu.memory_space<vmem>>
    %dma_start3A_22 = arith.constant 0 : i32
    %dma_start3A_23 = tpu.memref_slice %arg2[%add3A_11, %dma_start3A_22] : memref<320000x16xf32, #tpu.memory_space<hbm>> -> memref<1000x16xf32, #tpu.memory_space<hbm>>
    tpu.enqueue_dma source(%dma_start3A_23 : memref<1000x16xf32, #tpu.memory_space<hbm>>) target(%dma_start3A_21 : memref<1000x16xf32, #tpu.memory_space<vmem>>) target_semaphore(%arg9 : memref<!tpu.dma_semaphore, #tpu.memory_space<semaphore_mem>>)
    %scan3A_24 = arith.constant 0 : i32
    %scan3A_25 = arith.constant 0 : i32
    %scan3A_26 = arith.constant 5 : i32
    %scan3A_27 = arith.addi %scan3A_25, %scan3A_26 : i32
    %scan3A_28 = arith.constant 1 : i32
    scf.for %scan3A_35 = %scan3A_25 to %scan3A_27 step %scan3A_28  : i32 {
      %mul3A_36 = arith.constant 2 : i32
      %mul3A_37 = arith.muli %scan3A_35, %mul3A_36 : i32
      %add3A_38 = arith.constant 1 : i32
      %add3A_39 = arith.addi %mul3A_37, %add3A_38 : i32
      %mul3A_40 = arith.constant 1000 : i32
      %mul3A_41 = arith.muli %add3A_39, %mul3A_40 : i32
      %add3A_42 = arith.addi %mul3A_9, %mul3A_41 : i32
      %run_scoped3A_43 = arith.constant 1 : i32
      "tpu.region"() ({
        %run_scoped3A_96 = tpu.sem_alloc : memref<!tpu.dma_semaphore, #tpu.memory_space<semaphore_mem>>
        %dma_start3A_97 = arith.constant 0 : i32
        %dma_start3A_98 = tpu.memref_slice %arg5[%run_scoped3A_43, %dma_start3A_97] : memref<2x1000xi32, #tpu.memory_space<vmem>> -> memref<1x1000xi32, #tpu.memory_space<vmem>>
        %dma_start3A_99 = tpu.memref_squeeze %dma_start3A_98 : memref<1x1000xi32, #tpu.memory_space<vmem>> -> memref<1000xi32, #tpu.memory_space<vmem>>
        %dma_start3A_100 = tpu.memref_slice %arg3[%add3A_42] : memref<320000xi32, #tpu.memory_space<hbm>> -> memref<1000xi32, #tpu.memory_space<hbm>>
        %dma_start3A_101 = arith.constant 0 : i32
        %dma_start3A_102 = tpu.memref_slice %arg5[%run_scoped3A_43, %dma_start3A_101] : memref<2x1000xi32, #tpu.memory_space<vmem>> -> memref<1x1000xi32, #tpu.memory_space<vmem>>
        %dma_start3A_103 = tpu.memref_squeeze %dma_start3A_102 : memref<1x1000xi32, #tpu.memory_space<vmem>> -> memref<1000xi32, #tpu.memory_space<vmem>>
        %dma_start3A_104 = tpu.memref_slice %arg3[%add3A_42] : memref<320000xi32, #tpu.memory_space<hbm>> -> memref<1000xi32, #tpu.memory_space<hbm>>
        tpu.enqueue_dma source(%dma_start3A_104 : memref<1000xi32, #tpu.memory_space<hbm>>) target(%dma_start3A_103 : memref<1000xi32, #tpu.memory_space<vmem>>) target_semaphore(%run_scoped3A_96 : memref<!tpu.dma_semaphore, #tpu.memory_space<semaphore_mem>>)
        %dma_wait3A_105 = arith.constant 0 : i32
        %dma_wait3A_106 = tpu.memref_slice %arg5[%run_scoped3A_43, %dma_wait3A_105] : memref<2x1000xi32, #tpu.memory_space<vmem>> -> memref<1x1000xi32, #tpu.memory_space<vmem>>
        %dma_wait3A_107 = tpu.memref_squeeze %dma_wait3A_106 : memref<1x1000xi32, #tpu.memory_space<vmem>> -> memref<1000xi32, #tpu.memory_space<vmem>>
        %dma_wait3A_108 = tpu.memref_slice %arg3[%add3A_42] : memref<320000xi32, #tpu.memory_space<hbm>> -> memref<1000xi32, #tpu.memory_space<hbm>>
        %dma_wait3A_109 = arith.constant 0 : i32
        %dma_wait3A_110 = tpu.memref_slice %arg5[%run_scoped3A_43, %dma_wait3A_109] : memref<2x1000xi32, #tpu.memory_space<vmem>> -> memref<1x1000xi32, #tpu.memory_space<vmem>>
        %dma_wait3A_111 = tpu.memref_squeeze %dma_wait3A_110 : memref<1x1000xi32, #tpu.memory_space<vmem>> -> memref<1000xi32, #tpu.memory_space<vmem>>
        %dma_wait3A_112 = tpu.memref_slice %arg3[%add3A_42] : memref<320000xi32, #tpu.memory_space<hbm>> -> memref<1000xi32, #tpu.memory_space<hbm>>
        tpu.wait_dma2 semaphore(%run_scoped3A_96 : memref<!tpu.dma_semaphore, #tpu.memory_space<semaphore_mem>>) src(%dma_wait3A_112 : memref<1000xi32, #tpu.memory_space<hbm>>) dst(%dma_wait3A_111 : memref<1000xi32, #tpu.memory_space<vmem>>)
        tpu.yield
      }) : () -> ()
      %dma_start3A_44 = arith.constant 1 : i32
      %dma_start3A_45 = arith.constant 0 : i32
      %dma_start3A_46 = arith.constant 0 : i32
      %dma_start3A_47 = tpu.memref_slice %arg6[%dma_start3A_44, %dma_start3A_45, %dma_start3A_46] : memref<2x1000x16xf32, #tpu.memory_space<vmem>> -> memref<1x1000x16xf32, #tpu.memory_space<vmem>>
      %dma_start3A_48 = tpu.memref_squeeze %dma_start3A_47 : memref<1x1000x16xf32, #tpu.memory_space<vmem>> -> memref<1000x16xf32, #tpu.memory_space<vmem>>
      %dma_start3A_49 = arith.constant 0 : i32
      %dma_start3A_50 = tpu.memref_slice %arg2[%add3A_42, %dma_start3A_49] : memref<320000x16xf32, #tpu.memory_space<hbm>> -> memref<1000x16xf32, #tpu.memory_space<hbm>>
      %dma_start3A_51 = arith.constant 0 : i32
      %dma_start3A_52 = arith.constant 0 : i32
      %dma_start3A_53 = tpu.memref_slice %arg6[%dma_start3A_44, %dma_start3A_51, %dma_start3A_52] : memref<2x1000x16xf32, #tpu.memory_space<vmem>> -> memref<1x1000x16xf32, #tpu.memory_space<vmem>>
      %dma_start3A_54 = tpu.memref_squeeze %dma_start3A_53 : memref<1x1000x16xf32, #tpu.memory_space<vmem>> -> memref<1000x16xf32, #tpu.memory_space<vmem>>
      %dma_start3A_55 = arith.constant 0 : i32
      %dma_start3A_56 = tpu.memref_slice %arg2[%add3A_42, %dma_start3A_55] : memref<320000x16xf32, #tpu.memory_space<hbm>> -> memref<1000x16xf32, #tpu.memory_space<hbm>>
      tpu.enqueue_dma source(%dma_start3A_56 : memref<1000x16xf32, #tpu.memory_space<hbm>>) target(%dma_start3A_54 : memref<1000x16xf32, #tpu.memory_space<vmem>>) target_semaphore(%arg10 : memref<!tpu.dma_semaphore, #tpu.memory_space<semaphore_mem>>)
      %mul3A_57 = arith.constant 1000 : i32
      %mul3A_58 = arith.muli %mul3A_37, %mul3A_57 : i32
      %add3A_59 = arith.addi %mul3A_9, %mul3A_58 : i32
      %dma_wait3A = arith.constant 0 : i32
      %dma_wait3A_60 = arith.constant 0 : i32
      %dma_wait3A_61 = arith.constant 0 : i32
      %dma_wait3A_62 = tpu.memref_slice %arg6[%dma_wait3A, %dma_wait3A_60, %dma_wait3A_61] : memref<2x1000x16xf32, #tpu.memory_space<vmem>> -> memref<1x1000x16xf32, #tpu.memory_space<vmem>>
      %dma_wait3A_63 = tpu.memref_squeeze %dma_wait3A_62 : memref<1x1000x16xf32, #tpu.memory_space<vmem>> -> memref<1000x16xf32, #tpu.memory_space<vmem>>
      %dma_wait3A_64 = arith.constant 0 : i32
      %dma_wait3A_65 = tpu.memref_slice %arg2[%add3A_59, %dma_wait3A_64] : memref<320000x16xf32, #tpu.memory_space<hbm>> -> memref<1000x16xf32, #tpu.memory_space<hbm>>
      %dma_wait3A_66 = arith.constant 0 : i32
      %dma_wait3A_67 = arith.constant 0 : i32
      %dma_wait3A_68 = tpu.memref_slice %arg6[%dma_wait3A, %dma_wait3A_66, %dma_wait3A_67] : memref<2x1000x16xf32, #tpu.memory_space<vmem>> -> memref<1x1000x16xf32, #tpu.memory_space<vmem>>
      %dma_wait3A_69 = tpu.memref_squeeze %dma_wait3A_68 : memref<1x1000x16xf32, #tpu.memory_space<vmem>> -> memref<1000x16xf32, #tpu.memory_space<vmem>>
      %dma_wait3A_70 = arith.constant 0 : i32
      %dma_wait3A_71 = tpu.memref_slice %arg2[%add3A_59, %dma_wait3A_70] : memref<320000x16xf32, #tpu.memory_space<hbm>> -> memref<1000x16xf32, #tpu.memory_space<hbm>>
      tpu.wait_dma2 semaphore(%arg9 : memref<!tpu.dma_semaphore, #tpu.memory_space<semaphore_mem>>) src(%dma_wait3A_71 : memref<1000x16xf32, #tpu.memory_space<hbm>>) dst(%dma_wait3A_69 : memref<1000x16xf32, #tpu.memory_space<vmem>>)
      %run_scoped3A_72 = arith.constant 0 : i32
      %run_scoped3A_73 = arith.constant 0 : i32
      "tpu.region"() ({
        %run_scoped3A_96 = tpu.sem_alloc : memref<!tpu.dma_semaphore, #tpu.memory_space<semaphore_mem>>
        %dma_start3A_97 = arith.constant 0 : i32
        %dma_start3A_98 = arith.constant 0 : i32
        %dma_start3A_99 = tpu.memref_slice %arg6[%run_scoped3A_72, %dma_start3A_97, %dma_start3A_98] : memref<2x1000x16xf32, #tpu.memory_space<vmem>> -> memref<1x1000x16xf32, #tpu.memory_space<vmem>>
        %dma_start3A_100 = tpu.memref_squeeze %dma_start3A_99 : memref<1x1000x16xf32, #tpu.memory_space<vmem>> -> memref<1000x16xf32, #tpu.memory_space<vmem>>
        %dma_start3A_101 = arith.constant 0 : i32
        %dma_start3A_102 = tpu.memref_slice %arg5[%run_scoped3A_73, %dma_start3A_101] : memref<2x1000xi32, #tpu.memory_space<vmem>> -> memref<1x1000xi32, #tpu.memory_space<vmem>>
        %dma_start3A_103 = tpu.memref_squeeze %dma_start3A_102 : memref<1x1000xi32, #tpu.memory_space<vmem>> -> memref<1000xi32, #tpu.memory_space<vmem>>
        %dma_start3A_104 = arith.constant 0 : i32
        %dma_start3A_105 = arith.constant 0 : i32
        %dma_start3A_106 = tpu.memref_slice %arg8[%dma_start3A_104, %dma_start3A_105] : memref<10000x16xf32, #tpu.memory_space<vmem_shared>> -> memref<10000x16xf32, #tpu.memory_space<vmem_shared>>
        tpu.enqueue_indirect_dma source(%dma_start3A_100 : memref<1000x16xf32, #tpu.memory_space<vmem>>) target(%dma_start3A_106 : memref<10000x16xf32, #tpu.memory_space<vmem_shared>>) offsets(%dma_start3A_103 : memref<1000xi32, #tpu.memory_space<vmem>>) semaphore(%run_scoped3A_96 : memref<!tpu.dma_semaphore, #tpu.memory_space<semaphore_mem>>) {add = true}
        %dma_wait3A_107 = arith.constant 0 : i32
        %dma_wait3A_108 = arith.constant 0 : i32
        %dma_wait3A_109 = tpu.memref_slice %arg6[%run_scoped3A_72, %dma_wait3A_107, %dma_wait3A_108] : memref<2x1000x16xf32, #tpu.memory_space<vmem>> -> memref<1x1000x16xf32, #tpu.memory_space<vmem>>
        %dma_wait3A_110 = tpu.memref_squeeze %dma_wait3A_109 : memref<1x1000x16xf32, #tpu.memory_space<vmem>> -> memref<1000x16xf32, #tpu.memory_space<vmem>>
        %dma_wait3A_111 = arith.constant 0 : i32
        %dma_wait3A_112 = tpu.memref_slice %arg5[%run_scoped3A_73, %dma_wait3A_111] : memref<2x1000xi32, #tpu.memory_space<vmem>> -> memref<1x1000xi32, #tpu.memory_space<vmem>>
        %dma_wait3A_113 = tpu.memref_squeeze %dma_wait3A_112 : memref<1x1000xi32, #tpu.memory_space<vmem>> -> memref<1000xi32, #tpu.memory_space<vmem>>
        %dma_wait3A_114 = arith.constant 0 : i32
        %dma_wait3A_115 = arith.constant 0 : i32
        %dma_wait3A_116 = tpu.memref_slice %arg8[%dma_wait3A_114, %dma_wait3A_115] : memref<10000x16xf32, #tpu.memory_space<vmem_shared>> -> memref<10000x16xf32, #tpu.memory_space<vmem_shared>>
        tpu.wait_indirect_dma semaphore(%run_scoped3A_96 : memref<!tpu.dma_semaphore, #tpu.memory_space<semaphore_mem>>) src(%dma_wait3A_110 : memref<1000x16xf32, #tpu.memory_space<vmem>>) dst(%dma_wait3A_116 : memref<10000x16xf32, #tpu.memory_space<vmem_shared>>)
        tpu.yield
      }) : () -> ()
      %lt3A = arith.constant 4 : i32
      %lt3A_74 = arith.cmpi slt, %scan3A_35, %lt3A : i32
      %convert_element_type3A = arith.extui %lt3A_74 : i1 to i32
      %cond3A = arith.constant 0 : i32
      %cond3A_75 = arith.cmpi ne, %convert_element_type3A, %cond3A : i32
      scf.if %cond3A_75 {
        %add3A_96 = arith.constant 2 : i32
        %add3A_97 = arith.addi %mul3A_37, %add3A_96 : i32
        %mul3A_98 = arith.constant 1000 : i32
        %mul3A_99 = arith.muli %add3A_97, %mul3A_98 : i32
        %add3A_100 = arith.addi %mul3A_9, %mul3A_99 : i32
        %run_scoped3A_101 = arith.constant 0 : i32
        "tpu.region"() ({
          %run_scoped3A_115 = tpu.sem_alloc : memref<!tpu.dma_semaphore, #tpu.memory_space<semaphore_mem>>
          %dma_start3A_116 = arith.constant 0 : i32
          %dma_start3A_117 = tpu.memref_slice %arg5[%run_scoped3A_101, %dma_start3A_116] : memref<2x1000xi32, #tpu.memory_space<vmem>> -> memref<1x1000xi32, #tpu.memory_space<vmem>>
          %dma_start3A_118 = tpu.memref_squeeze %dma_start3A_117 : memref<1x1000xi32, #tpu.memory_space<vmem>> -> memref<1000xi32, #tpu.memory_space<vmem>>
          %dma_start3A_119 = tpu.memref_slice %arg3[%add3A_100] : memref<320000xi32, #tpu.memory_space<hbm>> -> memref<1000xi32, #tpu.memory_space<hbm>>
          %dma_start3A_120 = arith.constant 0 : i32
          %dma_start3A_121 = tpu.memref_slice %arg5[%run_scoped3A_101, %dma_start3A_120] : memref<2x1000xi32, #tpu.memory_space<vmem>> -> memref<1x1000xi32, #tpu.memory_space<vmem>>
          %dma_start3A_122 = tpu.memref_squeeze %dma_start3A_121 : memref<1x1000xi32, #tpu.memory_space<vmem>> -> memref<1000xi32, #tpu.memory_space<vmem>>
          %dma_start3A_123 = tpu.memref_slice %arg3[%add3A_100] : memref<320000xi32, #tpu.memory_space<hbm>> -> memref<1000xi32, #tpu.memory_space<hbm>>
          tpu.enqueue_dma source(%dma_start3A_123 : memref<1000xi32, #tpu.memory_space<hbm>>) target(%dma_start3A_122 : memref<1000xi32, #tpu.memory_space<vmem>>) target_semaphore(%run_scoped3A_115 : memref<!tpu.dma_semaphore, #tpu.memory_space<semaphore_mem>>)
          %dma_wait3A_124 = arith.constant 0 : i32
          %dma_wait3A_125 = tpu.memref_slice %arg5[%run_scoped3A_101, %dma_wait3A_124] : memref<2x1000xi32, #tpu.memory_space<vmem>> -> memref<1x1000xi32, #tpu.memory_space<vmem>>
          %dma_wait3A_126 = tpu.memref_squeeze %dma_wait3A_125 : memref<1x1000xi32, #tpu.memory_space<vmem>> -> memref<1000xi32, #tpu.memory_space<vmem>>
          %dma_wait3A_127 = tpu.memref_slice %arg3[%add3A_100] : memref<320000xi32, #tpu.memory_space<hbm>> -> memref<1000xi32, #tpu.memory_space<hbm>>
          %dma_wait3A_128 = arith.constant 0 : i32
          %dma_wait3A_129 = tpu.memref_slice %arg5[%run_scoped3A_101, %dma_wait3A_128] : memref<2x1000xi32, #tpu.memory_space<vmem>> -> memref<1x1000xi32, #tpu.memory_space<vmem>>
          %dma_wait3A_130 = tpu.memref_squeeze %dma_wait3A_129 : memref<1x1000xi32, #tpu.memory_space<vmem>> -> memref<1000xi32, #tpu.memory_space<vmem>>
          %dma_wait3A_131 = tpu.memref_slice %arg3[%add3A_100] : memref<320000xi32, #tpu.memory_space<hbm>> -> memref<1000xi32, #tpu.memory_space<hbm>>
          tpu.wait_dma2 semaphore(%run_scoped3A_115 : memref<!tpu.dma_semaphore, #tpu.memory_space<semaphore_mem>>) src(%dma_wait3A_131 : memref<1000xi32, #tpu.memory_space<hbm>>) dst(%dma_wait3A_130 : memref<1000xi32, #tpu.memory_space<vmem>>)
          tpu.yield
        }) : () -> ()
        %dma_start3A_102 = arith.constant 0 : i32
        %dma_start3A_103 = arith.constant 0 : i32
        %dma_start3A_104 = arith.constant 0 : i32
        %dma_start3A_105 = tpu.memref_slice %arg6[%dma_start3A_102, %dma_start3A_103, %dma_start3A_104] : memref<2x1000x16xf32, #tpu.memory_space<vmem>> -> memref<1x1000x16xf32, #tpu.memory_space<vmem>>
        %dma_start3A_106 = tpu.memref_squeeze %dma_start3A_105 : memref<1x1000x16xf32, #tpu.memory_space<vmem>> -> memref<1000x16xf32, #tpu.memory_space<vmem>>
        %dma_start3A_107 = arith.constant 0 : i32
        %dma_start3A_108 = tpu.memref_slice %arg2[%add3A_100, %dma_start3A_107] : memref<320000x16xf32, #tpu.memory_space<hbm>> -> memref<1000x16xf32, #tpu.memory_space<hbm>>
        %dma_start3A_109 = arith.constant 0 : i32
        %dma_start3A_110 = arith.constant 0 : i32
        %dma_start3A_111 = tpu.memref_slice %arg6[%dma_start3A_102, %dma_start3A_109, %dma_start3A_110] : memref<2x1000x16xf32, #tpu.memory_space<vmem>> -> memref<1x1000x16xf32, #tpu.memory_space<vmem>>
        %dma_start3A_112 = tpu.memref_squeeze %dma_start3A_111 : memref<1x1000x16xf32, #tpu.memory_space<vmem>> -> memref<1000x16xf32, #tpu.memory_space<vmem>>
        %dma_start3A_113 = arith.constant 0 : i32
        %dma_start3A_114 = tpu.memref_slice %arg2[%add3A_100, %dma_start3A_113] : memref<320000x16xf32, #tpu.memory_space<hbm>> -> memref<1000x16xf32, #tpu.memory_space<hbm>>
        tpu.enqueue_dma source(%dma_start3A_114 : memref<1000x16xf32, #tpu.memory_space<hbm>>) target(%dma_start3A_112 : memref<1000x16xf32, #tpu.memory_space<vmem>>) target_semaphore(%arg9 : memref<!tpu.dma_semaphore, #tpu.memory_space<semaphore_mem>>)
      } else {
      }
      %add3A_76 = arith.constant 1 : i32
      %add3A_77 = arith.addi %mul3A_37, %add3A_76 : i32
      %mul3A_78 = arith.constant 1000 : i32
      %mul3A_79 = arith.muli %add3A_77, %mul3A_78 : i32
      %add3A_80 = arith.addi %mul3A_9, %mul3A_79 : i32
      %dma_wait3A_81 = arith.constant 1 : i32
      %dma_wait3A_82 = arith.constant 0 : i32
      %dma_wait3A_83 = arith.constant 0 : i32
      %dma_wait3A_84 = tpu.memref_slice %arg6[%dma_wait3A_81, %dma_wait3A_82, %dma_wait3A_83] : memref<2x1000x16xf32, #tpu.memory_space<vmem>> -> memref<1x1000x16xf32, #tpu.memory_space<vmem>>
      %dma_wait3A_85 = tpu.memref_squeeze %dma_wait3A_84 : memref<1x1000x16xf32, #tpu.memory_space<vmem>> -> memref<1000x16xf32, #tpu.memory_space<vmem>>
      %dma_wait3A_86 = arith.constant 0 : i32
      %dma_wait3A_87 = tpu.memref_slice %arg2[%add3A_80, %dma_wait3A_86] : memref<320000x16xf32, #tpu.memory_space<hbm>> -> memref<1000x16xf32, #tpu.memory_space<hbm>>
      %dma_wait3A_88 = arith.constant 0 : i32
      %dma_wait3A_89 = arith.constant 0 : i32
      %dma_wait3A_90 = tpu.memref_slice %arg6[%dma_wait3A_81, %dma_wait3A_88, %dma_wait3A_89] : memref<2x1000x16xf32, #tpu.memory_space<vmem>> -> memref<1x1000x16xf32, #tpu.memory_space<vmem>>
      %dma_wait3A_91 = tpu.memref_squeeze %dma_wait3A_90 : memref<1x1000x16xf32, #tpu.memory_space<vmem>> -> memref<1000x16xf32, #tpu.memory_space<vmem>>
      %dma_wait3A_92 = arith.constant 0 : i32
      %dma_wait3A_93 = tpu.memref_slice %arg2[%add3A_80, %dma_wait3A_92] : memref<320000x16xf32, #tpu.memory_space<hbm>> -> memref<1000x16xf32, #tpu.memory_space<hbm>>
      tpu.wait_dma2 semaphore(%arg10 : memref<!tpu.dma_semaphore, #tpu.memory_space<semaphore_mem>>) src(%dma_wait3A_93 : memref<1000x16xf32, #tpu.memory_space<hbm>>) dst(%dma_wait3A_91 : memref<1000x16xf32, #tpu.memory_space<vmem>>)
      %run_scoped3A_94 = arith.constant 1 : i32
      %run_scoped3A_95 = arith.constant 1 : i32
      "tpu.region"() ({
        %run_scoped3A_96 = tpu.sem_alloc : memref<!tpu.dma_semaphore, #tpu.memory_space<semaphore_mem>>
        %dma_start3A_97 = arith.constant 0 : i32
        %dma_start3A_98 = arith.constant 0 : i32
        %dma_start3A_99 = tpu.memref_slice %arg6[%run_scoped3A_94, %dma_start3A_97, %dma_start3A_98] : memref<2x1000x16xf32, #tpu.memory_space<vmem>> -> memref<1x1000x16xf32, #tpu.memory_space<vmem>>
        %dma_start3A_100 = tpu.memref_squeeze %dma_start3A_99 : memref<1x1000x16xf32, #tpu.memory_space<vmem>> -> memref<1000x16xf32, #tpu.memory_space<vmem>>
        %dma_start3A_101 = arith.constant 0 : i32
        %dma_start3A_102 = tpu.memref_slice %arg5[%run_scoped3A_95, %dma_start3A_101] : memref<2x1000xi32, #tpu.memory_space<vmem>> -> memref<1x1000xi32, #tpu.memory_space<vmem>>
        %dma_start3A_103 = tpu.memref_squeeze %dma_start3A_102 : memref<1x1000xi32, #tpu.memory_space<vmem>> -> memref<1000xi32, #tpu.memory_space<vmem>>
        %dma_start3A_104 = arith.constant 0 : i32
        %dma_start3A_105 = arith.constant 0 : i32
        %dma_start3A_106 = tpu.memref_slice %arg8[%dma_start3A_104, %dma_start3A_105] : memref<10000x16xf32, #tpu.memory_space<vmem_shared>> -> memref<10000x16xf32, #tpu.memory_space<vmem_shared>>
        tpu.enqueue_indirect_dma source(%dma_start3A_100 : memref<1000x16xf32, #tpu.memory_space<vmem>>) target(%dma_start3A_106 : memref<10000x16xf32, #tpu.memory_space<vmem_shared>>) offsets(%dma_start3A_103 : memref<1000xi32, #tpu.memory_space<vmem>>) semaphore(%run_scoped3A_96 : memref<!tpu.dma_semaphore, #tpu.memory_space<semaphore_mem>>) {add = true}
        %dma_wait3A_107 = arith.constant 0 : i32
        %dma_wait3A_108 = arith.constant 0 : i32
        %dma_wait3A_109 = tpu.memref_slice %arg6[%run_scoped3A_94, %dma_wait3A_107, %dma_wait3A_108] : memref<2x1000x16xf32, #tpu.memory_space<vmem>> -> memref<1x1000x16xf32, #tpu.memory_space<vmem>>
        %dma_wait3A_110 = tpu.memref_squeeze %dma_wait3A_109 : memref<1x1000x16xf32, #tpu.memory_space<vmem>> -> memref<1000x16xf32, #tpu.memory_space<vmem>>
        %dma_wait3A_111 = arith.constant 0 : i32
        %dma_wait3A_112 = tpu.memref_slice %arg5[%run_scoped3A_95, %dma_wait3A_111] : memref<2x1000xi32, #tpu.memory_space<vmem>> -> memref<1x1000xi32, #tpu.memory_space<vmem>>
        %dma_wait3A_113 = tpu.memref_squeeze %dma_wait3A_112 : memref<1x1000xi32, #tpu.memory_space<vmem>> -> memref<1000xi32, #tpu.memory_space<vmem>>
        %dma_wait3A_114 = arith.constant 0 : i32
        %dma_wait3A_115 = arith.constant 0 : i32
        %dma_wait3A_116 = tpu.memref_slice %arg8[%dma_wait3A_114, %dma_wait3A_115] : memref<10000x16xf32, #tpu.memory_space<vmem_shared>> -> memref<10000x16xf32, #tpu.memory_space<vmem_shared>>
        tpu.wait_indirect_dma semaphore(%run_scoped3A_96 : memref<!tpu.dma_semaphore, #tpu.memory_space<semaphore_mem>>) src(%dma_wait3A_110 : memref<1000x16xf32, #tpu.memory_space<vmem>>) dst(%dma_wait3A_116 : memref<10000x16xf32, #tpu.memory_space<vmem_shared>>)
        tpu.yield
      }) : () -> ()
    }
    %scan3A_29 = arith.constant 5 : i32
    %barrier3A_30 = arith.constant 0 : index
    tpu.barrier barrier_id(%barrier3A_30)
    %mul3A_31 = arith.constant 625 : i32
    %mul3A_32 = arith.muli %arg1, %mul3A_31 : i32
    "tpu.region"() ({
      %run_scoped3A_35 = tpu.sem_alloc : memref<!tpu.dma_semaphore, #tpu.memory_space<semaphore_mem>>
      %dma_start3A_36 = arith.constant 0 : i32
      %dma_start3A_37 = tpu.memref_slice %arg8[%mul3A_32, %dma_start3A_36] : memref<10000x16xf32, #tpu.memory_space<vmem_shared>> -> memref<625x16xf32, #tpu.memory_space<vmem_shared>>
      %dma_start3A_38 = arith.constant 0 : i32
      %dma_start3A_39 = tpu.memref_slice %arg8[%mul3A_32, %dma_start3A_38] : memref<10000x16xf32, #tpu.memory_space<vmem_shared>> -> memref<625x16xf32, #tpu.memory_space<vmem_shared>>
      tpu.enqueue_dma source(%dma_start3A_39 : memref<625x16xf32, #tpu.memory_space<vmem_shared>>) target(%arg7 : memref<625x16xf32, #tpu.memory_space<vmem>>) target_semaphore(%run_scoped3A_35 : memref<!tpu.dma_semaphore, #tpu.memory_space<semaphore_mem>>)
      %dma_wait3A = arith.constant 0 : i32
      %dma_wait3A_40 = tpu.memref_slice %arg8[%mul3A_32, %dma_wait3A] : memref<10000x16xf32, #tpu.memory_space<vmem_shared>> -> memref<625x16xf32, #tpu.memory_space<vmem_shared>>
      %dma_wait3A_41 = arith.constant 0 : i32
      %dma_wait3A_42 = tpu.memref_slice %arg8[%mul3A_32, %dma_wait3A_41] : memref<10000x16xf32, #tpu.memory_space<vmem_shared>> -> memref<625x16xf32, #tpu.memory_space<vmem_shared>>
      tpu.wait_dma2 semaphore(%run_scoped3A_35 : memref<!tpu.dma_semaphore, #tpu.memory_space<semaphore_mem>>) src(%dma_wait3A_42 : memref<625x16xf32, #tpu.memory_space<vmem_shared>>) dst(%arg7 : memref<625x16xf32, #tpu.memory_space<vmem>>)
      tpu.yield
    }) : () -> ()
    %mul3A_33 = arith.constant 625 : i32
    %mul3A_34 = arith.muli %arg1, %mul3A_33 : i32
    "tpu.region"() ({
      %run_scoped3A_35 = tpu.sem_alloc : memref<!tpu.dma_semaphore, #tpu.memory_space<semaphore_mem>>
      %dma_start3A_36 = arith.constant 0 : i32
      %dma_start3A_37 = arith.constant 0 : i32
      %dma_start3A_38 = tpu.memref_slice %arg4[%arg0, %dma_start3A_36, %dma_start3A_37] : memref<2x10000x16xf32, #tpu.memory_space<hbm>> -> memref<1x10000x16xf32, #tpu.memory_space<hbm>>
      %dma_start3A_39 = tpu.memref_squeeze %dma_start3A_38 : memref<1x10000x16xf32, #tpu.memory_space<hbm>> -> memref<10000x16xf32, #tpu.memory_space<hbm>>
      %dma_start3A_40 = arith.constant 0 : i32
      %dma_start3A_41 = tpu.memref_slice %dma_start3A_39[%mul3A_34, %dma_start3A_40] : memref<10000x16xf32, #tpu.memory_space<hbm>> -> memref<625x16xf32, #tpu.memory_space<hbm>>
      %dma_start3A_42 = arith.constant 0 : i32
      %dma_start3A_43 = arith.constant 0 : i32
      %dma_start3A_44 = tpu.memref_slice %arg4[%arg0, %dma_start3A_42, %dma_start3A_43] : memref<2x10000x16xf32, #tpu.memory_space<hbm>> -> memref<1x10000x16xf32, #tpu.memory_space<hbm>>
      %dma_start3A_45 = tpu.memref_squeeze %dma_start3A_44 : memref<1x10000x16xf32, #tpu.memory_space<hbm>> -> memref<10000x16xf32, #tpu.memory_space<hbm>>
      %dma_start3A_46 = arith.constant 0 : i32
      %dma_start3A_47 = tpu.memref_slice %dma_start3A_45[%mul3A_34, %dma_start3A_46] : memref<10000x16xf32, #tpu.memory_space<hbm>> -> memref<625x16xf32, #tpu.memory_space<hbm>>
      tpu.enqueue_dma source(%arg7 : memref<625x16xf32, #tpu.memory_space<vmem>>) target(%dma_start3A_47 : memref<625x16xf32, #tpu.memory_space<hbm>>) target_semaphore(%run_scoped3A_35 : memref<!tpu.dma_semaphore, #tpu.memory_space<semaphore_mem>>)
      %dma_wait3A = arith.constant 0 : i32
      %dma_wait3A_48 = arith.constant 0 : i32
      %dma_wait3A_49 = tpu.memref_slice %arg4[%arg0, %dma_wait3A, %dma_wait3A_48] : memref<2x10000x16xf32, #tpu.memory_space<hbm>> -> memref<1x10000x16xf32, #tpu.memory_space<hbm>>
      %dma_wait3A_50 = tpu.memref_squeeze %dma_wait3A_49 : memref<1x10000x16xf32, #tpu.memory_space<hbm>> -> memref<10000x16xf32, #tpu.memory_space<hbm>>
      %dma_wait3A_51 = arith.constant 0 : i32
      %dma_wait3A_52 = tpu.memref_slice %dma_wait3A_50[%mul3A_34, %dma_wait3A_51] : memref<10000x16xf32, #tpu.memory_space<hbm>> -> memref<625x16xf32, #tpu.memory_space<hbm>>
      %dma_wait3A_53 = arith.constant 0 : i32
      %dma_wait3A_54 = arith.constant 0 : i32
      %dma_wait3A_55 = tpu.memref_slice %arg4[%arg0, %dma_wait3A_53, %dma_wait3A_54] : memref<2x10000x16xf32, #tpu.memory_space<hbm>> -> memref<1x10000x16xf32, #tpu.memory_space<hbm>>
      %dma_wait3A_56 = tpu.memref_squeeze %dma_wait3A_55 : memref<1x10000x16xf32, #tpu.memory_space<hbm>> -> memref<10000x16xf32, #tpu.memory_space<hbm>>
      %dma_wait3A_57 = arith.constant 0 : i32
      %dma_wait3A_58 = tpu.memref_slice %dma_wait3A_56[%mul3A_34, %dma_wait3A_57] : memref<10000x16xf32, #tpu.memory_space<hbm>> -> memref<625x16xf32, #tpu.memory_space<hbm>>
      tpu.wait_dma2 semaphore(%run_scoped3A_35 : memref<!tpu.dma_semaphore, #tpu.memory_space<semaphore_mem>>) src(%arg7 : memref<625x16xf32, #tpu.memory_space<vmem>>) dst(%dma_wait3A_58 : memref<625x16xf32, #tpu.memory_space<hbm>>)
      tpu.yield
    }) : () -> ()
    return
  }
}

#map = affine_map<(d0, d1) -> (0, 0)>
#map1 = affine_map<(d0, d1) -> (0)>
module attributes {stable_mosaic.version = 14 : i64} {
  func.func @gather(%arg0: i32, %arg1: i32, %arg2: memref<10000x16xf32, #tpu.memory_space<hbm>>, %arg3: memref<10000x16xf32, #tpu.memory_space<hbm>>, %arg4: memref<320000xi32, #tpu.memory_space<hbm>>, %arg5: memref<320000xi32, #tpu.memory_space<hbm>>, %arg6: memref<16x320000xf32, #tpu.memory_space<hbm>>, %arg7: memref<320000x16xf32, #tpu.memory_space<hbm>>, %arg8: memref<320000x16xf32, #tpu.memory_space<hbm>>, %arg9: memref<320000x16xf32, #tpu.memory_space<hbm>>, %arg10: memref<2x1000xi32, #tpu.memory_space<vmem>>, %arg11: memref<2x1000xi32, #tpu.memory_space<vmem>>, %arg12: memref<2x1000x16xf32, #tpu.memory_space<vmem>>, %arg13: memref<2x1000x16xf32, #tpu.memory_space<vmem>>, %arg14: memref<2x16x1000xf32, #tpu.memory_space<vmem>>, %arg15: memref<1000x16xf32, #tpu.memory_space<vmem>>, %arg16: memref<!tpu.dma_semaphore, #tpu.memory_space<semaphore_mem>>, %arg17: memref<!tpu.dma_semaphore, #tpu.memory_space<semaphore_mem>>, %arg18: memref<!tpu.dma_semaphore, #tpu.memory_space<semaphore_mem>>, %arg19: memref<!tpu.dma_semaphore, #tpu.memory_space<semaphore_mem>>, %arg20: memref<!tpu.dma_semaphore, #tpu.memory_space<semaphore_mem>>, %arg21: memref<!tpu.dma_semaphore, #tpu.memory_space<semaphore_mem>>) attributes {dimension_semantics = [#tpu.dimension_semantics<core_parallel>, #tpu.dimension_semantics<subcore_parallel>], iteration_bounds = array<i64: 2, 16>, scalar_prefetch = 0 : i64, scratch_operands = 12 : i64, tpu.core_type = #tpu.core_type<sc_vector_subcore>, window_params = [{transform_indices = #map}, {transform_indices = #map}, {transform_indices = #map1}, {transform_indices = #map1}, {transform_indices = #map}, {transform_indices = #map}, {transform_indices = #map}, {transform_indices = #map}]} {
    %mul3A = arith.constant 2 : i32
    %mul3A_0 = arith.muli %arg1, %mul3A : i32
    %add3A = arith.addi %mul3A_0, %arg0 : i32
    %mul3A_1 = arith.constant 10000 : i32
    %mul3A_2 = arith.muli %add3A, %mul3A_1 : i32
    %iota3A = tpu.iota {dimensions = array<i32: 0>} : vector<16xi32>
    %add3A_3 = arith.constant 0 : i32
    %add3A_4 = arith.addi %mul3A_2, %add3A_3 : i32
    %run_scoped3A = arith.constant 0 : i32
    "tpu.region"() ({
      %run_scoped3A_47 = tpu.sem_alloc : memref<!tpu.dma_semaphore, #tpu.memory_space<semaphore_mem>>
      %dma_start3A_48 = arith.constant 0 : i32
      %dma_start3A_49 = tpu.memref_slice %arg10[%run_scoped3A, %dma_start3A_48] : memref<2x1000xi32, #tpu.memory_space<vmem>> -> memref<1x1000xi32, #tpu.memory_space<vmem>>
      %dma_start3A_50 = tpu.memref_squeeze %dma_start3A_49 : memref<1x1000xi32, #tpu.memory_space<vmem>> -> memref<1000xi32, #tpu.memory_space<vmem>>
      %dma_start3A_51 = tpu.memref_slice %arg4[%add3A_4] : memref<320000xi32, #tpu.memory_space<hbm>> -> memref<1000xi32, #tpu.memory_space<hbm>>
      %dma_start3A_52 = arith.constant 0 : i32
      %dma_start3A_53 = tpu.memref_slice %arg10[%run_scoped3A, %dma_start3A_52] : memref<2x1000xi32, #tpu.memory_space<vmem>> -> memref<1x1000xi32, #tpu.memory_space<vmem>>
      %dma_start3A_54 = tpu.memref_squeeze %dma_start3A_53 : memref<1x1000xi32, #tpu.memory_space<vmem>> -> memref<1000xi32, #tpu.memory_space<vmem>>
      %dma_start3A_55 = tpu.memref_slice %arg4[%add3A_4] : memref<320000xi32, #tpu.memory_space<hbm>> -> memref<1000xi32, #tpu.memory_space<hbm>>
      tpu.enqueue_dma source(%dma_start3A_55 : memref<1000xi32, #tpu.memory_space<hbm>>) target(%dma_start3A_54 : memref<1000xi32, #tpu.memory_space<vmem>>) target_semaphore(%run_scoped3A_47 : memref<!tpu.dma_semaphore, #tpu.memory_space<semaphore_mem>>)
      %dma_wait3A = arith.constant 0 : i32
      %dma_wait3A_56 = tpu.memref_slice %arg10[%run_scoped3A, %dma_wait3A] : memref<2x1000xi32, #tpu.memory_space<vmem>> -> memref<1x1000xi32, #tpu.memory_space<vmem>>
      %dma_wait3A_57 = tpu.memref_squeeze %dma_wait3A_56 : memref<1x1000xi32, #tpu.memory_space<vmem>> -> memref<1000xi32, #tpu.memory_space<vmem>>
      %dma_wait3A_58 = tpu.memref_slice %arg4[%add3A_4] : memref<320000xi32, #tpu.memory_space<hbm>> -> memref<1000xi32, #tpu.memory_space<hbm>>
      %dma_wait3A_59 = arith.constant 0 : i32
      %dma_wait3A_60 = tpu.memref_slice %arg10[%run_scoped3A, %dma_wait3A_59] : memref<2x1000xi32, #tpu.memory_space<vmem>> -> memref<1x1000xi32, #tpu.memory_space<vmem>>
      %dma_wait3A_61 = tpu.memref_squeeze %dma_wait3A_60 : memref<1x1000xi32, #tpu.memory_space<vmem>> -> memref<1000xi32, #tpu.memory_space<vmem>>
      %dma_wait3A_62 = tpu.memref_slice %arg4[%add3A_4] : memref<320000xi32, #tpu.memory_space<hbm>> -> memref<1000xi32, #tpu.memory_space<hbm>>
      tpu.wait_dma2 semaphore(%run_scoped3A_47 : memref<!tpu.dma_semaphore, #tpu.memory_space<semaphore_mem>>) src(%dma_wait3A_62 : memref<1000xi32, #tpu.memory_space<hbm>>) dst(%dma_wait3A_61 : memref<1000xi32, #tpu.memory_space<vmem>>)
      tpu.yield
    }) : () -> ()
    %run_scoped3A_5 = arith.constant 0 : i32
    "tpu.region"() ({
      %run_scoped3A_47 = tpu.sem_alloc : memref<!tpu.dma_semaphore, #tpu.memory_space<semaphore_mem>>
      %dma_start3A_48 = arith.constant 0 : i32
      %dma_start3A_49 = tpu.memref_slice %arg11[%run_scoped3A_5, %dma_start3A_48] : memref<2x1000xi32, #tpu.memory_space<vmem>> -> memref<1x1000xi32, #tpu.memory_space<vmem>>
      %dma_start3A_50 = tpu.memref_squeeze %dma_start3A_49 : memref<1x1000xi32, #tpu.memory_space<vmem>> -> memref<1000xi32, #tpu.memory_space<vmem>>
      %dma_start3A_51 = tpu.memref_slice %arg5[%add3A_4] : memref<320000xi32, #tpu.memory_space<hbm>> -> memref<1000xi32, #tpu.memory_space<hbm>>
      %dma_start3A_52 = arith.constant 0 : i32
      %dma_start3A_53 = tpu.memref_slice %arg11[%run_scoped3A_5, %dma_start3A_52] : memref<2x1000xi32, #tpu.memory_space<vmem>> -> memref<1x1000xi32, #tpu.memory_space<vmem>>
      %dma_start3A_54 = tpu.memref_squeeze %dma_start3A_53 : memref<1x1000xi32, #tpu.memory_space<vmem>> -> memref<1000xi32, #tpu.memory_space<vmem>>
      %dma_start3A_55 = tpu.memref_slice %arg5[%add3A_4] : memref<320000xi32, #tpu.memory_space<hbm>> -> memref<1000xi32, #tpu.memory_space<hbm>>
      tpu.enqueue_dma source(%dma_start3A_55 : memref<1000xi32, #tpu.memory_space<hbm>>) target(%dma_start3A_54 : memref<1000xi32, #tpu.memory_space<vmem>>) target_semaphore(%run_scoped3A_47 : memref<!tpu.dma_semaphore, #tpu.memory_space<semaphore_mem>>)
      %dma_wait3A = arith.constant 0 : i32
      %dma_wait3A_56 = tpu.memref_slice %arg11[%run_scoped3A_5, %dma_wait3A] : memref<2x1000xi32, #tpu.memory_space<vmem>> -> memref<1x1000xi32, #tpu.memory_space<vmem>>
      %dma_wait3A_57 = tpu.memref_squeeze %dma_wait3A_56 : memref<1x1000xi32, #tpu.memory_space<vmem>> -> memref<1000xi32, #tpu.memory_space<vmem>>
      %dma_wait3A_58 = tpu.memref_slice %arg5[%add3A_4] : memref<320000xi32, #tpu.memory_space<hbm>> -> memref<1000xi32, #tpu.memory_space<hbm>>
      %dma_wait3A_59 = arith.constant 0 : i32
      %dma_wait3A_60 = tpu.memref_slice %arg11[%run_scoped3A_5, %dma_wait3A_59] : memref<2x1000xi32, #tpu.memory_space<vmem>> -> memref<1x1000xi32, #tpu.memory_space<vmem>>
      %dma_wait3A_61 = tpu.memref_squeeze %dma_wait3A_60 : memref<1x1000xi32, #tpu.memory_space<vmem>> -> memref<1000xi32, #tpu.memory_space<vmem>>
      %dma_wait3A_62 = tpu.memref_slice %arg5[%add3A_4] : memref<320000xi32, #tpu.memory_space<hbm>> -> memref<1000xi32, #tpu.memory_space<hbm>>
      tpu.wait_dma2 semaphore(%run_scoped3A_47 : memref<!tpu.dma_semaphore, #tpu.memory_space<semaphore_mem>>) src(%dma_wait3A_62 : memref<1000xi32, #tpu.memory_space<hbm>>) dst(%dma_wait3A_61 : memref<1000xi32, #tpu.memory_space<vmem>>)
      tpu.yield
    }) : () -> ()
    %dma_start3A = arith.constant 0 : i32
    %dma_start3A_6 = arith.constant 0 : i32
    %dma_start3A_7 = arith.constant 0 : i32
    %dma_start3A_8 = arith.constant 0 : i32
    %dma_start3A_9 = tpu.memref_slice %arg12[%dma_start3A_6, %dma_start3A_7, %dma_start3A_8] : memref<2x1000x16xf32, #tpu.memory_space<vmem>> -> memref<1x1000x16xf32, #tpu.memory_space<vmem>>
    %dma_start3A_10 = tpu.memref_squeeze %dma_start3A_9 : memref<1x1000x16xf32, #tpu.memory_space<vmem>> -> memref<1000x16xf32, #tpu.memory_space<vmem>>
    %dma_start3A_11 = arith.constant 0 : i32
    %dma_start3A_12 = tpu.memref_slice %arg10[%dma_start3A, %dma_start3A_11] : memref<2x1000xi32, #tpu.memory_space<vmem>> -> memref<1x1000xi32, #tpu.memory_space<vmem>>
    %dma_start3A_13 = tpu.memref_squeeze %dma_start3A_12 : memref<1x1000xi32, #tpu.memory_space<vmem>> -> memref<1000xi32, #tpu.memory_space<vmem>>
    %dma_start3A_14 = arith.constant 0 : i32
    %dma_start3A_15 = arith.constant 0 : i32
    %dma_start3A_16 = tpu.memref_slice %arg2[%dma_start3A_14, %dma_start3A_15] : memref<10000x16xf32, #tpu.memory_space<hbm>> -> memref<10000x16xf32, #tpu.memory_space<hbm>>
    tpu.enqueue_indirect_dma source(%dma_start3A_16 : memref<10000x16xf32, #tpu.memory_space<hbm>>) target(%dma_start3A_10 : memref<1000x16xf32, #tpu.memory_space<vmem>>) offsets(%dma_start3A_13 : memref<1000xi32, #tpu.memory_space<vmem>>) semaphore(%arg16 : memref<!tpu.dma_semaphore, #tpu.memory_space<semaphore_mem>>)
    %dma_start3A_17 = arith.constant 0 : i32
    %dma_start3A_18 = arith.constant 0 : i32
    %dma_start3A_19 = arith.constant 0 : i32
    %dma_start3A_20 = arith.constant 0 : i32
    %dma_start3A_21 = tpu.memref_slice %arg13[%dma_start3A_18, %dma_start3A_19, %dma_start3A_20] : memref<2x1000x16xf32, #tpu.memory_space<vmem>> -> memref<1x1000x16xf32, #tpu.memory_space<vmem>>
    %dma_start3A_22 = tpu.memref_squeeze %dma_start3A_21 : memref<1x1000x16xf32, #tpu.memory_space<vmem>> -> memref<1000x16xf32, #tpu.memory_space<vmem>>
    %dma_start3A_23 = arith.constant 0 : i32
    %dma_start3A_24 = tpu.memref_slice %arg11[%dma_start3A_17, %dma_start3A_23] : memref<2x1000xi32, #tpu.memory_space<vmem>> -> memref<1x1000xi32, #tpu.memory_space<vmem>>
    %dma_start3A_25 = tpu.memref_squeeze %dma_start3A_24 : memref<1x1000xi32, #tpu.memory_space<vmem>> -> memref<1000xi32, #tpu.memory_space<vmem>>
    %dma_start3A_26 = arith.constant 0 : i32
    %dma_start3A_27 = arith.constant 0 : i32
    %dma_start3A_28 = tpu.memref_slice %arg3[%dma_start3A_26, %dma_start3A_27] : memref<10000x16xf32, #tpu.memory_space<hbm>> -> memref<10000x16xf32, #tpu.memory_space<hbm>>
    tpu.enqueue_indirect_dma source(%dma_start3A_28 : memref<10000x16xf32, #tpu.memory_space<hbm>>) target(%dma_start3A_22 : memref<1000x16xf32, #tpu.memory_space<vmem>>) offsets(%dma_start3A_25 : memref<1000xi32, #tpu.memory_space<vmem>>) semaphore(%arg18 : memref<!tpu.dma_semaphore, #tpu.memory_space<semaphore_mem>>)
    %dma_start3A_29 = arith.constant 0 : i32
    %dma_start3A_30 = arith.constant 0 : i32
    %dma_start3A_31 = arith.constant 0 : i32
    %dma_start3A_32 = tpu.memref_slice %arg14[%dma_start3A_29, %dma_start3A_30, %dma_start3A_31] : memref<2x16x1000xf32, #tpu.memory_space<vmem>> -> memref<1x16x1000xf32, #tpu.memory_space<vmem>>
    %dma_start3A_33 = tpu.memref_squeeze %dma_start3A_32 : memref<1x16x1000xf32, #tpu.memory_space<vmem>> -> memref<16x1000xf32, #tpu.memory_space<vmem>>
    %dma_start3A_34 = arith.constant 0 : i32
    %dma_start3A_35 = tpu.memref_slice %arg6[%dma_start3A_34, %add3A_4] : memref<16x320000xf32, #tpu.memory_space<hbm>> -> memref<16x1000xf32, #tpu.memory_space<hbm>>
    %dma_start3A_36 = arith.constant 0 : i32
    %dma_start3A_37 = arith.constant 0 : i32
    %dma_start3A_38 = tpu.memref_slice %arg14[%dma_start3A_29, %dma_start3A_36, %dma_start3A_37] : memref<2x16x1000xf32, #tpu.memory_space<vmem>> -> memref<1x16x1000xf32, #tpu.memory_space<vmem>>
    %dma_start3A_39 = tpu.memref_squeeze %dma_start3A_38 : memref<1x16x1000xf32, #tpu.memory_space<vmem>> -> memref<16x1000xf32, #tpu.memory_space<vmem>>
    %dma_start3A_40 = arith.constant 0 : i32
    %dma_start3A_41 = tpu.memref_slice %arg6[%dma_start3A_40, %add3A_4] : memref<16x320000xf32, #tpu.memory_space<hbm>> -> memref<16x1000xf32, #tpu.memory_space<hbm>>
    tpu.enqueue_dma source(%dma_start3A_41 : memref<16x1000xf32, #tpu.memory_space<hbm>>) target(%dma_start3A_39 : memref<16x1000xf32, #tpu.memory_space<vmem>>) target_semaphore(%arg20 : memref<!tpu.dma_semaphore, #tpu.memory_space<semaphore_mem>>)
    %scan3A = arith.constant 0 : i32
    %scan3A_42 = arith.constant 0 : i32
    %scan3A_43 = arith.constant 5 : i32
    %scan3A_44 = arith.addi %scan3A_42, %scan3A_43 : i32
    %scan3A_45 = arith.constant 1 : i32
    scf.for %scan3A_47 = %scan3A_42 to %scan3A_44 step %scan3A_45  : i32 {
      %mul3A_48 = arith.constant 2 : i32
      %mul3A_49 = arith.muli %scan3A_47, %mul3A_48 : i32
      %add3A_50 = arith.constant 1 : i32
      %add3A_51 = arith.addi %mul3A_49, %add3A_50 : i32
      %mul3A_52 = arith.constant 1000 : i32
      %mul3A_53 = arith.muli %add3A_51, %mul3A_52 : i32
      %add3A_54 = arith.addi %mul3A_2, %mul3A_53 : i32
      %run_scoped3A_55 = arith.constant 1 : i32
      "tpu.region"() ({
        %run_scoped3A_193 = tpu.sem_alloc : memref<!tpu.dma_semaphore, #tpu.memory_space<semaphore_mem>>
        %dma_start3A_194 = arith.constant 0 : i32
        %dma_start3A_195 = tpu.memref_slice %arg10[%run_scoped3A_55, %dma_start3A_194] : memref<2x1000xi32, #tpu.memory_space<vmem>> -> memref<1x1000xi32, #tpu.memory_space<vmem>>
        %dma_start3A_196 = tpu.memref_squeeze %dma_start3A_195 : memref<1x1000xi32, #tpu.memory_space<vmem>> -> memref<1000xi32, #tpu.memory_space<vmem>>
        %dma_start3A_197 = tpu.memref_slice %arg4[%add3A_54] : memref<320000xi32, #tpu.memory_space<hbm>> -> memref<1000xi32, #tpu.memory_space<hbm>>
        %dma_start3A_198 = arith.constant 0 : i32
        %dma_start3A_199 = tpu.memref_slice %arg10[%run_scoped3A_55, %dma_start3A_198] : memref<2x1000xi32, #tpu.memory_space<vmem>> -> memref<1x1000xi32, #tpu.memory_space<vmem>>
        %dma_start3A_200 = tpu.memref_squeeze %dma_start3A_199 : memref<1x1000xi32, #tpu.memory_space<vmem>> -> memref<1000xi32, #tpu.memory_space<vmem>>
        %dma_start3A_201 = tpu.memref_slice %arg4[%add3A_54] : memref<320000xi32, #tpu.memory_space<hbm>> -> memref<1000xi32, #tpu.memory_space<hbm>>
        tpu.enqueue_dma source(%dma_start3A_201 : memref<1000xi32, #tpu.memory_space<hbm>>) target(%dma_start3A_200 : memref<1000xi32, #tpu.memory_space<vmem>>) target_semaphore(%run_scoped3A_193 : memref<!tpu.dma_semaphore, #tpu.memory_space<semaphore_mem>>)
        %dma_wait3A_202 = arith.constant 0 : i32
        %dma_wait3A_203 = tpu.memref_slice %arg10[%run_scoped3A_55, %dma_wait3A_202] : memref<2x1000xi32, #tpu.memory_space<vmem>> -> memref<1x1000xi32, #tpu.memory_space<vmem>>
        %dma_wait3A_204 = tpu.memref_squeeze %dma_wait3A_203 : memref<1x1000xi32, #tpu.memory_space<vmem>> -> memref<1000xi32, #tpu.memory_space<vmem>>
        %dma_wait3A_205 = tpu.memref_slice %arg4[%add3A_54] : memref<320000xi32, #tpu.memory_space<hbm>> -> memref<1000xi32, #tpu.memory_space<hbm>>
        %dma_wait3A_206 = arith.constant 0 : i32
        %dma_wait3A_207 = tpu.memref_slice %arg10[%run_scoped3A_55, %dma_wait3A_206] : memref<2x1000xi32, #tpu.memory_space<vmem>> -> memref<1x1000xi32, #tpu.memory_space<vmem>>
        %dma_wait3A_208 = tpu.memref_squeeze %dma_wait3A_207 : memref<1x1000xi32, #tpu.memory_space<vmem>> -> memref<1000xi32, #tpu.memory_space<vmem>>
        %dma_wait3A_209 = tpu.memref_slice %arg4[%add3A_54] : memref<320000xi32, #tpu.memory_space<hbm>> -> memref<1000xi32, #tpu.memory_space<hbm>>
        tpu.wait_dma2 semaphore(%run_scoped3A_193 : memref<!tpu.dma_semaphore, #tpu.memory_space<semaphore_mem>>) src(%dma_wait3A_209 : memref<1000xi32, #tpu.memory_space<hbm>>) dst(%dma_wait3A_208 : memref<1000xi32, #tpu.memory_space<vmem>>)
        tpu.yield
      }) : () -> ()
      %run_scoped3A_56 = arith.constant 1 : i32
      "tpu.region"() ({
        %run_scoped3A_193 = tpu.sem_alloc : memref<!tpu.dma_semaphore, #tpu.memory_space<semaphore_mem>>
        %dma_start3A_194 = arith.constant 0 : i32
        %dma_start3A_195 = tpu.memref_slice %arg11[%run_scoped3A_56, %dma_start3A_194] : memref<2x1000xi32, #tpu.memory_space<vmem>> -> memref<1x1000xi32, #tpu.memory_space<vmem>>
        %dma_start3A_196 = tpu.memref_squeeze %dma_start3A_195 : memref<1x1000xi32, #tpu.memory_space<vmem>> -> memref<1000xi32, #tpu.memory_space<vmem>>
        %dma_start3A_197 = tpu.memref_slice %arg5[%add3A_54] : memref<320000xi32, #tpu.memory_space<hbm>> -> memref<1000xi32, #tpu.memory_space<hbm>>
        %dma_start3A_198 = arith.constant 0 : i32
        %dma_start3A_199 = tpu.memref_slice %arg11[%run_scoped3A_56, %dma_start3A_198] : memref<2x1000xi32, #tpu.memory_space<vmem>> -> memref<1x1000xi32, #tpu.memory_space<vmem>>
        %dma_start3A_200 = tpu.memref_squeeze %dma_start3A_199 : memref<1x1000xi32, #tpu.memory_space<vmem>> -> memref<1000xi32, #tpu.memory_space<vmem>>
        %dma_start3A_201 = tpu.memref_slice %arg5[%add3A_54] : memref<320000xi32, #tpu.memory_space<hbm>> -> memref<1000xi32, #tpu.memory_space<hbm>>
        tpu.enqueue_dma source(%dma_start3A_201 : memref<1000xi32, #tpu.memory_space<hbm>>) target(%dma_start3A_200 : memref<1000xi32, #tpu.memory_space<vmem>>) target_semaphore(%run_scoped3A_193 : memref<!tpu.dma_semaphore, #tpu.memory_space<semaphore_mem>>)
        %dma_wait3A_202 = arith.constant 0 : i32
        %dma_wait3A_203 = tpu.memref_slice %arg11[%run_scoped3A_56, %dma_wait3A_202] : memref<2x1000xi32, #tpu.memory_space<vmem>> -> memref<1x1000xi32, #tpu.memory_space<vmem>>
        %dma_wait3A_204 = tpu.memref_squeeze %dma_wait3A_203 : memref<1x1000xi32, #tpu.memory_space<vmem>> -> memref<1000xi32, #tpu.memory_space<vmem>>
        %dma_wait3A_205 = tpu.memref_slice %arg5[%add3A_54] : memref<320000xi32, #tpu.memory_space<hbm>> -> memref<1000xi32, #tpu.memory_space<hbm>>
        %dma_wait3A_206 = arith.constant 0 : i32
        %dma_wait3A_207 = tpu.memref_slice %arg11[%run_scoped3A_56, %dma_wait3A_206] : memref<2x1000xi32, #tpu.memory_space<vmem>> -> memref<1x1000xi32, #tpu.memory_space<vmem>>
        %dma_wait3A_208 = tpu.memref_squeeze %dma_wait3A_207 : memref<1x1000xi32, #tpu.memory_space<vmem>> -> memref<1000xi32, #tpu.memory_space<vmem>>
        %dma_wait3A_209 = tpu.memref_slice %arg5[%add3A_54] : memref<320000xi32, #tpu.memory_space<hbm>> -> memref<1000xi32, #tpu.memory_space<hbm>>
        tpu.wait_dma2 semaphore(%run_scoped3A_193 : memref<!tpu.dma_semaphore, #tpu.memory_space<semaphore_mem>>) src(%dma_wait3A_209 : memref<1000xi32, #tpu.memory_space<hbm>>) dst(%dma_wait3A_208 : memref<1000xi32, #tpu.memory_space<vmem>>)
        tpu.yield
      }) : () -> ()
      %dma_start3A_57 = arith.constant 1 : i32
      %dma_start3A_58 = arith.constant 1 : i32
      %dma_start3A_59 = arith.constant 0 : i32
      %dma_start3A_60 = arith.constant 0 : i32
      %dma_start3A_61 = tpu.memref_slice %arg12[%dma_start3A_58, %dma_start3A_59, %dma_start3A_60] : memref<2x1000x16xf32, #tpu.memory_space<vmem>> -> memref<1x1000x16xf32, #tpu.memory_space<vmem>>
      %dma_start3A_62 = tpu.memref_squeeze %dma_start3A_61 : memref<1x1000x16xf32, #tpu.memory_space<vmem>> -> memref<1000x16xf32, #tpu.memory_space<vmem>>
      %dma_start3A_63 = arith.constant 0 : i32
      %dma_start3A_64 = tpu.memref_slice %arg10[%dma_start3A_57, %dma_start3A_63] : memref<2x1000xi32, #tpu.memory_space<vmem>> -> memref<1x1000xi32, #tpu.memory_space<vmem>>
      %dma_start3A_65 = tpu.memref_squeeze %dma_start3A_64 : memref<1x1000xi32, #tpu.memory_space<vmem>> -> memref<1000xi32, #tpu.memory_space<vmem>>
      %dma_start3A_66 = arith.constant 0 : i32
      %dma_start3A_67 = arith.constant 0 : i32
      %dma_start3A_68 = tpu.memref_slice %arg2[%dma_start3A_66, %dma_start3A_67] : memref<10000x16xf32, #tpu.memory_space<hbm>> -> memref<10000x16xf32, #tpu.memory_space<hbm>>
      tpu.enqueue_indirect_dma source(%dma_start3A_68 : memref<10000x16xf32, #tpu.memory_space<hbm>>) target(%dma_start3A_62 : memref<1000x16xf32, #tpu.memory_space<vmem>>) offsets(%dma_start3A_65 : memref<1000xi32, #tpu.memory_space<vmem>>) semaphore(%arg17 : memref<!tpu.dma_semaphore, #tpu.memory_space<semaphore_mem>>)
      %dma_start3A_69 = arith.constant 1 : i32
      %dma_start3A_70 = arith.constant 1 : i32
      %dma_start3A_71 = arith.constant 0 : i32
      %dma_start3A_72 = arith.constant 0 : i32
      %dma_start3A_73 = tpu.memref_slice %arg13[%dma_start3A_70, %dma_start3A_71, %dma_start3A_72] : memref<2x1000x16xf32, #tpu.memory_space<vmem>> -> memref<1x1000x16xf32, #tpu.memory_space<vmem>>
      %dma_start3A_74 = tpu.memref_squeeze %dma_start3A_73 : memref<1x1000x16xf32, #tpu.memory_space<vmem>> -> memref<1000x16xf32, #tpu.memory_space<vmem>>
      %dma_start3A_75 = arith.constant 0 : i32
      %dma_start3A_76 = tpu.memref_slice %arg11[%dma_start3A_69, %dma_start3A_75] : memref<2x1000xi32, #tpu.memory_space<vmem>> -> memref<1x1000xi32, #tpu.memory_space<vmem>>
      %dma_start3A_77 = tpu.memref_squeeze %dma_start3A_76 : memref<1x1000xi32, #tpu.memory_space<vmem>> -> memref<1000xi32, #tpu.memory_space<vmem>>
      %dma_start3A_78 = arith.constant 0 : i32
      %dma_start3A_79 = arith.constant 0 : i32
      %dma_start3A_80 = tpu.memref_slice %arg3[%dma_start3A_78, %dma_start3A_79] : memref<10000x16xf32, #tpu.memory_space<hbm>> -> memref<10000x16xf32, #tpu.memory_space<hbm>>
      tpu.enqueue_indirect_dma source(%dma_start3A_80 : memref<10000x16xf32, #tpu.memory_space<hbm>>) target(%dma_start3A_74 : memref<1000x16xf32, #tpu.memory_space<vmem>>) offsets(%dma_start3A_77 : memref<1000xi32, #tpu.memory_space<vmem>>) semaphore(%arg19 : memref<!tpu.dma_semaphore, #tpu.memory_space<semaphore_mem>>)
      %dma_start3A_81 = arith.constant 1 : i32
      %dma_start3A_82 = arith.constant 0 : i32
      %dma_start3A_83 = arith.constant 0 : i32
      %dma_start3A_84 = tpu.memref_slice %arg14[%dma_start3A_81, %dma_start3A_82, %dma_start3A_83] : memref<2x16x1000xf32, #tpu.memory_space<vmem>> -> memref<1x16x1000xf32, #tpu.memory_space<vmem>>
      %dma_start3A_85 = tpu.memref_squeeze %dma_start3A_84 : memref<1x16x1000xf32, #tpu.memory_space<vmem>> -> memref<16x1000xf32, #tpu.memory_space<vmem>>
      %dma_start3A_86 = arith.constant 0 : i32
      %dma_start3A_87 = tpu.memref_slice %arg6[%dma_start3A_86, %add3A_54] : memref<16x320000xf32, #tpu.memory_space<hbm>> -> memref<16x1000xf32, #tpu.memory_space<hbm>>
      %dma_start3A_88 = arith.constant 0 : i32
      %dma_start3A_89 = arith.constant 0 : i32
      %dma_start3A_90 = tpu.memref_slice %arg14[%dma_start3A_81, %dma_start3A_88, %dma_start3A_89] : memref<2x16x1000xf32, #tpu.memory_space<vmem>> -> memref<1x16x1000xf32, #tpu.memory_space<vmem>>
      %dma_start3A_91 = tpu.memref_squeeze %dma_start3A_90 : memref<1x16x1000xf32, #tpu.memory_space<vmem>> -> memref<16x1000xf32, #tpu.memory_space<vmem>>
      %dma_start3A_92 = arith.constant 0 : i32
      %dma_start3A_93 = tpu.memref_slice %arg6[%dma_start3A_92, %add3A_54] : memref<16x320000xf32, #tpu.memory_space<hbm>> -> memref<16x1000xf32, #tpu.memory_space<hbm>>
      tpu.enqueue_dma source(%dma_start3A_93 : memref<16x1000xf32, #tpu.memory_space<hbm>>) target(%dma_start3A_91 : memref<16x1000xf32, #tpu.memory_space<vmem>>) target_semaphore(%arg21 : memref<!tpu.dma_semaphore, #tpu.memory_space<semaphore_mem>>)
      %mul3A_94 = arith.constant 1000 : i32
      %mul3A_95 = arith.muli %mul3A_49, %mul3A_94 : i32
      %add3A_96 = arith.addi %mul3A_2, %mul3A_95 : i32
      %dma_wait3A = arith.constant 0 : i32
      %dma_wait3A_97 = arith.constant 0 : i32
      %dma_wait3A_98 = arith.constant 0 : i32
      %dma_wait3A_99 = tpu.memref_slice %arg14[%dma_wait3A, %dma_wait3A_97, %dma_wait3A_98] : memref<2x16x1000xf32, #tpu.memory_space<vmem>> -> memref<1x16x1000xf32, #tpu.memory_space<vmem>>
      %dma_wait3A_100 = tpu.memref_squeeze %dma_wait3A_99 : memref<1x16x1000xf32, #tpu.memory_space<vmem>> -> memref<16x1000xf32, #tpu.memory_space<vmem>>
      %dma_wait3A_101 = arith.constant 0 : i32
      %dma_wait3A_102 = tpu.memref_slice %arg6[%dma_wait3A_101, %add3A_96] : memref<16x320000xf32, #tpu.memory_space<hbm>> -> memref<16x1000xf32, #tpu.memory_space<hbm>>
      %dma_wait3A_103 = arith.constant 0 : i32
      %dma_wait3A_104 = arith.constant 0 : i32
      %dma_wait3A_105 = tpu.memref_slice %arg14[%dma_wait3A, %dma_wait3A_103, %dma_wait3A_104] : memref<2x16x1000xf32, #tpu.memory_space<vmem>> -> memref<1x16x1000xf32, #tpu.memory_space<vmem>>
      %dma_wait3A_106 = tpu.memref_squeeze %dma_wait3A_105 : memref<1x16x1000xf32, #tpu.memory_space<vmem>> -> memref<16x1000xf32, #tpu.memory_space<vmem>>
      %dma_wait3A_107 = arith.constant 0 : i32
      %dma_wait3A_108 = tpu.memref_slice %arg6[%dma_wait3A_107, %add3A_96] : memref<16x320000xf32, #tpu.memory_space<hbm>> -> memref<16x1000xf32, #tpu.memory_space<hbm>>
      tpu.wait_dma2 semaphore(%arg20 : memref<!tpu.dma_semaphore, #tpu.memory_space<semaphore_mem>>) src(%dma_wait3A_108 : memref<16x1000xf32, #tpu.memory_space<hbm>>) dst(%dma_wait3A_106 : memref<16x1000xf32, #tpu.memory_space<vmem>>)
      %scan3A_109 = arith.constant 0 : i32
      %scan3A_110 = arith.constant 0 : i32
      %scan3A_111 = arith.constant 125 : i32
      %scan3A_112 = arith.addi %scan3A_110, %scan3A_111 : i32
      %scan3A_113 = arith.constant 1 : i32
      scf.for %scan3A_193 = %scan3A_110 to %scan3A_112 step %scan3A_113  : i32 {
        %mul3A_194 = arith.constant 8 : i32
        %mul3A_195 = arith.muli %scan3A_193, %mul3A_194 : i32
        %add3A_196 = arith.constant 0 : i32
        %add3A_197 = arith.addi %mul3A_195, %add3A_196 : i32
        %broadcast_in_dim3A = vector.broadcast %add3A_197 : i32 to vector<16xi32>
        %gather3A = arith.constant 0 : i32
        %gather3A_198 = arith.constant 0 : i32
        %gather3A_199 = arith.constant 0 : i32
        %gather3A_200 = tpu.memref_slice %arg14[%gather3A, %gather3A_198, %gather3A_199] : memref<2x16x1000xf32, #tpu.memory_space<vmem>> -> memref<1x16x1000xf32, #tpu.memory_space<vmem>>
        %gather3A_201 = tpu.memref_squeeze %gather3A_200 : memref<1x16x1000xf32, #tpu.memory_space<vmem>> -> memref<16x1000xf32, #tpu.memory_space<vmem>>
        %gather3A_202 = tpu.vector_load_idx %gather3A_201[%iota3A, %broadcast_in_dim3A] : memref<16x1000xf32, #tpu.memory_space<vmem>>[vector<16xi32>, vector<16xi32>], vector<16xf32>,
        %add3A_203 = arith.constant 0 : i32
        %add3A_204 = arith.addi %mul3A_195, %add3A_203 : i32
        %swap3A = arith.index_cast %add3A_204 : i32 to index
        %swap3A_205 = arith.constant 0 : index
        %swap3A_206 = tpu.vector_load %arg15[%swap3A, %swap3A_205] {strides = array<i32>} : memref<1000x16xf32, #tpu.memory_space<vmem>>, vector<16xf32>,
        tpu.vector_store %arg15[%swap3A, %swap3A_205], %gather3A_202 {strides = array<i32>} : memref<1000x16xf32, #tpu.memory_space<vmem>>, vector<16xf32>,
        %add3A_207 = arith.constant 1 : i32
        %add3A_208 = arith.addi %mul3A_195, %add3A_207 : i32
        %broadcast_in_dim3A_209 = vector.broadcast %add3A_208 : i32 to vector<16xi32>
        %gather3A_210 = arith.constant 0 : i32
        %gather3A_211 = arith.constant 0 : i32
        %gather3A_212 = arith.constant 0 : i32
        %gather3A_213 = tpu.memref_slice %arg14[%gather3A_210, %gather3A_211, %gather3A_212] : memref<2x16x1000xf32, #tpu.memory_space<vmem>> -> memref<1x16x1000xf32, #tpu.memory_space<vmem>>
        %gather3A_214 = tpu.memref_squeeze %gather3A_213 : memref<1x16x1000xf32, #tpu.memory_space<vmem>> -> memref<16x1000xf32, #tpu.memory_space<vmem>>
        %gather3A_215 = tpu.vector_load_idx %gather3A_214[%iota3A, %broadcast_in_dim3A_209] : memref<16x1000xf32, #tpu.memory_space<vmem>>[vector<16xi32>, vector<16xi32>], vector<16xf32>,
        %add3A_216 = arith.constant 1 : i32
        %add3A_217 = arith.addi %mul3A_195, %add3A_216 : i32
        %swap3A_218 = arith.index_cast %add3A_217 : i32 to index
        %swap3A_219 = arith.constant 0 : index
        %swap3A_220 = tpu.vector_load %arg15[%swap3A_218, %swap3A_219] {strides = array<i32>} : memref<1000x16xf32, #tpu.memory_space<vmem>>, vector<16xf32>,
        tpu.vector_store %arg15[%swap3A_218, %swap3A_219], %gather3A_215 {strides = array<i32>} : memref<1000x16xf32, #tpu.memory_space<vmem>>, vector<16xf32>,
        %add3A_221 = arith.constant 2 : i32
        %add3A_222 = arith.addi %mul3A_195, %add3A_221 : i32
        %broadcast_in_dim3A_223 = vector.broadcast %add3A_222 : i32 to vector<16xi32>
        %gather3A_224 = arith.constant 0 : i32
        %gather3A_225 = arith.constant 0 : i32
        %gather3A_226 = arith.constant 0 : i32
        %gather3A_227 = tpu.memref_slice %arg14[%gather3A_224, %gather3A_225, %gather3A_226] : memref<2x16x1000xf32, #tpu.memory_space<vmem>> -> memref<1x16x1000xf32, #tpu.memory_space<vmem>>
        %gather3A_228 = tpu.memref_squeeze %gather3A_227 : memref<1x16x1000xf32, #tpu.memory_space<vmem>> -> memref<16x1000xf32, #tpu.memory_space<vmem>>
        %gather3A_229 = tpu.vector_load_idx %gather3A_228[%iota3A, %broadcast_in_dim3A_223] : memref<16x1000xf32, #tpu.memory_space<vmem>>[vector<16xi32>, vector<16xi32>], vector<16xf32>,
        %add3A_230 = arith.constant 2 : i32
        %add3A_231 = arith.addi %mul3A_195, %add3A_230 : i32
        %swap3A_232 = arith.index_cast %add3A_231 : i32 to index
        %swap3A_233 = arith.constant 0 : index
        %swap3A_234 = tpu.vector_load %arg15[%swap3A_232, %swap3A_233] {strides = array<i32>} : memref<1000x16xf32, #tpu.memory_space<vmem>>, vector<16xf32>,
        tpu.vector_store %arg15[%swap3A_232, %swap3A_233], %gather3A_229 {strides = array<i32>} : memref<1000x16xf32, #tpu.memory_space<vmem>>, vector<16xf32>,
        %add3A_235 = arith.constant 3 : i32
        %add3A_236 = arith.addi %mul3A_195, %add3A_235 : i32
        %broadcast_in_dim3A_237 = vector.broadcast %add3A_236 : i32 to vector<16xi32>
        %gather3A_238 = arith.constant 0 : i32
        %gather3A_239 = arith.constant 0 : i32
        %gather3A_240 = arith.constant 0 : i32
        %gather3A_241 = tpu.memref_slice %arg14[%gather3A_238, %gather3A_239, %gather3A_240] : memref<2x16x1000xf32, #tpu.memory_space<vmem>> -> memref<1x16x1000xf32, #tpu.memory_space<vmem>>
        %gather3A_242 = tpu.memref_squeeze %gather3A_241 : memref<1x16x1000xf32, #tpu.memory_space<vmem>> -> memref<16x1000xf32, #tpu.memory_space<vmem>>
        %gather3A_243 = tpu.vector_load_idx %gather3A_242[%iota3A, %broadcast_in_dim3A_237] : memref<16x1000xf32, #tpu.memory_space<vmem>>[vector<16xi32>, vector<16xi32>], vector<16xf32>,
        %add3A_244 = arith.constant 3 : i32
        %add3A_245 = arith.addi %mul3A_195, %add3A_244 : i32
        %swap3A_246 = arith.index_cast %add3A_245 : i32 to index
        %swap3A_247 = arith.constant 0 : index
        %swap3A_248 = tpu.vector_load %arg15[%swap3A_246, %swap3A_247] {strides = array<i32>} : memref<1000x16xf32, #tpu.memory_space<vmem>>, vector<16xf32>,
        tpu.vector_store %arg15[%swap3A_246, %swap3A_247], %gather3A_243 {strides = array<i32>} : memref<1000x16xf32, #tpu.memory_space<vmem>>, vector<16xf32>,
        %add3A_249 = arith.constant 4 : i32
        %add3A_250 = arith.addi %mul3A_195, %add3A_249 : i32
        %broadcast_in_dim3A_251 = vector.broadcast %add3A_250 : i32 to vector<16xi32>
        %gather3A_252 = arith.constant 0 : i32
        %gather3A_253 = arith.constant 0 : i32
        %gather3A_254 = arith.constant 0 : i32
        %gather3A_255 = tpu.memref_slice %arg14[%gather3A_252, %gather3A_253, %gather3A_254] : memref<2x16x1000xf32, #tpu.memory_space<vmem>> -> memref<1x16x1000xf32, #tpu.memory_space<vmem>>
        %gather3A_256 = tpu.memref_squeeze %gather3A_255 : memref<1x16x1000xf32, #tpu.memory_space<vmem>> -> memref<16x1000xf32, #tpu.memory_space<vmem>>
        %gather3A_257 = tpu.vector_load_idx %gather3A_256[%iota3A, %broadcast_in_dim3A_251] : memref<16x1000xf32, #tpu.memory_space<vmem>>[vector<16xi32>, vector<16xi32>], vector<16xf32>,
        %add3A_258 = arith.constant 4 : i32
        %add3A_259 = arith.addi %mul3A_195, %add3A_258 : i32
        %swap3A_260 = arith.index_cast %add3A_259 : i32 to index
        %swap3A_261 = arith.constant 0 : index
        %swap3A_262 = tpu.vector_load %arg15[%swap3A_260, %swap3A_261] {strides = array<i32>} : memref<1000x16xf32, #tpu.memory_space<vmem>>, vector<16xf32>,
        tpu.vector_store %arg15[%swap3A_260, %swap3A_261], %gather3A_257 {strides = array<i32>} : memref<1000x16xf32, #tpu.memory_space<vmem>>, vector<16xf32>,
        %add3A_263 = arith.constant 5 : i32
        %add3A_264 = arith.addi %mul3A_195, %add3A_263 : i32
        %broadcast_in_dim3A_265 = vector.broadcast %add3A_264 : i32 to vector<16xi32>
        %gather3A_266 = arith.constant 0 : i32
        %gather3A_267 = arith.constant 0 : i32
        %gather3A_268 = arith.constant 0 : i32
        %gather3A_269 = tpu.memref_slice %arg14[%gather3A_266, %gather3A_267, %gather3A_268] : memref<2x16x1000xf32, #tpu.memory_space<vmem>> -> memref<1x16x1000xf32, #tpu.memory_space<vmem>>
        %gather3A_270 = tpu.memref_squeeze %gather3A_269 : memref<1x16x1000xf32, #tpu.memory_space<vmem>> -> memref<16x1000xf32, #tpu.memory_space<vmem>>
        %gather3A_271 = tpu.vector_load_idx %gather3A_270[%iota3A, %broadcast_in_dim3A_265] : memref<16x1000xf32, #tpu.memory_space<vmem>>[vector<16xi32>, vector<16xi32>], vector<16xf32>,
        %add3A_272 = arith.constant 5 : i32
        %add3A_273 = arith.addi %mul3A_195, %add3A_272 : i32
        %swap3A_274 = arith.index_cast %add3A_273 : i32 to index
        %swap3A_275 = arith.constant 0 : index
        %swap3A_276 = tpu.vector_load %arg15[%swap3A_274, %swap3A_275] {strides = array<i32>} : memref<1000x16xf32, #tpu.memory_space<vmem>>, vector<16xf32>,
        tpu.vector_store %arg15[%swap3A_274, %swap3A_275], %gather3A_271 {strides = array<i32>} : memref<1000x16xf32, #tpu.memory_space<vmem>>, vector<16xf32>,
        %add3A_277 = arith.constant 6 : i32
        %add3A_278 = arith.addi %mul3A_195, %add3A_277 : i32
        %broadcast_in_dim3A_279 = vector.broadcast %add3A_278 : i32 to vector<16xi32>
        %gather3A_280 = arith.constant 0 : i32
        %gather3A_281 = arith.constant 0 : i32
        %gather3A_282 = arith.constant 0 : i32
        %gather3A_283 = tpu.memref_slice %arg14[%gather3A_280, %gather3A_281, %gather3A_282] : memref<2x16x1000xf32, #tpu.memory_space<vmem>> -> memref<1x16x1000xf32, #tpu.memory_space<vmem>>
        %gather3A_284 = tpu.memref_squeeze %gather3A_283 : memref<1x16x1000xf32, #tpu.memory_space<vmem>> -> memref<16x1000xf32, #tpu.memory_space<vmem>>
        %gather3A_285 = tpu.vector_load_idx %gather3A_284[%iota3A, %broadcast_in_dim3A_279] : memref<16x1000xf32, #tpu.memory_space<vmem>>[vector<16xi32>, vector<16xi32>], vector<16xf32>,
        %add3A_286 = arith.constant 6 : i32
        %add3A_287 = arith.addi %mul3A_195, %add3A_286 : i32
        %swap3A_288 = arith.index_cast %add3A_287 : i32 to index
        %swap3A_289 = arith.constant 0 : index
        %swap3A_290 = tpu.vector_load %arg15[%swap3A_288, %swap3A_289] {strides = array<i32>} : memref<1000x16xf32, #tpu.memory_space<vmem>>, vector<16xf32>,
        tpu.vector_store %arg15[%swap3A_288, %swap3A_289], %gather3A_285 {strides = array<i32>} : memref<1000x16xf32, #tpu.memory_space<vmem>>, vector<16xf32>,
        %add3A_291 = arith.constant 7 : i32
        %add3A_292 = arith.addi %mul3A_195, %add3A_291 : i32
        %broadcast_in_dim3A_293 = vector.broadcast %add3A_292 : i32 to vector<16xi32>
        %gather3A_294 = arith.constant 0 : i32
        %gather3A_295 = arith.constant 0 : i32
        %gather3A_296 = arith.constant 0 : i32
        %gather3A_297 = tpu.memref_slice %arg14[%gather3A_294, %gather3A_295, %gather3A_296] : memref<2x16x1000xf32, #tpu.memory_space<vmem>> -> memref<1x16x1000xf32, #tpu.memory_space<vmem>>
        %gather3A_298 = tpu.memref_squeeze %gather3A_297 : memref<1x16x1000xf32, #tpu.memory_space<vmem>> -> memref<16x1000xf32, #tpu.memory_space<vmem>>
        %gather3A_299 = tpu.vector_load_idx %gather3A_298[%iota3A, %broadcast_in_dim3A_293] : memref<16x1000xf32, #tpu.memory_space<vmem>>[vector<16xi32>, vector<16xi32>], vector<16xf32>,
        %add3A_300 = arith.constant 7 : i32
        %add3A_301 = arith.addi %mul3A_195, %add3A_300 : i32
        %swap3A_302 = arith.index_cast %add3A_301 : i32 to index
        %swap3A_303 = arith.constant 0 : index
        %swap3A_304 = tpu.vector_load %arg15[%swap3A_302, %swap3A_303] {strides = array<i32>} : memref<1000x16xf32, #tpu.memory_space<vmem>>, vector<16xf32>,
        tpu.vector_store %arg15[%swap3A_302, %swap3A_303], %gather3A_299 {strides = array<i32>} : memref<1000x16xf32, #tpu.memory_space<vmem>>, vector<16xf32>,
      }
      %scan3A_114 = arith.constant 125 : i32
      "tpu.region"() ({
        %run_scoped3A_193 = tpu.sem_alloc : memref<!tpu.dma_semaphore, #tpu.memory_space<semaphore_mem>>
        %dma_start3A_194 = arith.constant 0 : i32
        %dma_start3A_195 = tpu.memref_slice %arg9[%add3A_96, %dma_start3A_194] : memref<320000x16xf32, #tpu.memory_space<hbm>> -> memref<1000x16xf32, #tpu.memory_space<hbm>>
        %dma_start3A_196 = arith.constant 0 : i32
        %dma_start3A_197 = tpu.memref_slice %arg9[%add3A_96, %dma_start3A_196] : memref<320000x16xf32, #tpu.memory_space<hbm>> -> memref<1000x16xf32, #tpu.memory_space<hbm>>
        tpu.enqueue_dma source(%arg15 : memref<1000x16xf32, #tpu.memory_space<vmem>>) target(%dma_start3A_197 : memref<1000x16xf32, #tpu.memory_space<hbm>>) target_semaphore(%run_scoped3A_193 : memref<!tpu.dma_semaphore, #tpu.memory_space<semaphore_mem>>)
        %dma_wait3A_198 = arith.constant 0 : i32
        %dma_wait3A_199 = tpu.memref_slice %arg9[%add3A_96, %dma_wait3A_198] : memref<320000x16xf32, #tpu.memory_space<hbm>> -> memref<1000x16xf32, #tpu.memory_space<hbm>>
        %dma_wait3A_200 = arith.constant 0 : i32
        %dma_wait3A_201 = tpu.memref_slice %arg9[%add3A_96, %dma_wait3A_200] : memref<320000x16xf32, #tpu.memory_space<hbm>> -> memref<1000x16xf32, #tpu.memory_space<hbm>>
        tpu.wait_dma2 semaphore(%run_scoped3A_193 : memref<!tpu.dma_semaphore, #tpu.memory_space<semaphore_mem>>) src(%arg15 : memref<1000x16xf32, #tpu.memory_space<vmem>>) dst(%dma_wait3A_201 : memref<1000x16xf32, #tpu.memory_space<hbm>>)
        tpu.yield
      }) : () -> ()
      %dma_wait3A_115 = arith.constant 0 : i32
      %dma_wait3A_116 = arith.constant 0 : i32
      %dma_wait3A_117 = arith.constant 0 : i32
      %dma_wait3A_118 = arith.constant 0 : i32
      %dma_wait3A_119 = tpu.memref_slice %arg12[%dma_wait3A_116, %dma_wait3A_117, %dma_wait3A_118] : memref<2x1000x16xf32, #tpu.memory_space<vmem>> -> memref<1x1000x16xf32, #tpu.memory_space<vmem>>
      %dma_wait3A_120 = tpu.memref_squeeze %dma_wait3A_119 : memref<1x1000x16xf32, #tpu.memory_space<vmem>> -> memref<1000x16xf32, #tpu.memory_space<vmem>>
      %dma_wait3A_121 = arith.constant 0 : i32
      %dma_wait3A_122 = tpu.memref_slice %arg10[%dma_wait3A_115, %dma_wait3A_121] : memref<2x1000xi32, #tpu.memory_space<vmem>> -> memref<1x1000xi32, #tpu.memory_space<vmem>>
      %dma_wait3A_123 = tpu.memref_squeeze %dma_wait3A_122 : memref<1x1000xi32, #tpu.memory_space<vmem>> -> memref<1000xi32, #tpu.memory_space<vmem>>
      %dma_wait3A_124 = arith.constant 0 : i32
      %dma_wait3A_125 = arith.constant 0 : i32
      %dma_wait3A_126 = tpu.memref_slice %arg2[%dma_wait3A_124, %dma_wait3A_125] : memref<10000x16xf32, #tpu.memory_space<hbm>> -> memref<10000x16xf32, #tpu.memory_space<hbm>>
      tpu.wait_indirect_dma semaphore(%arg16 : memref<!tpu.dma_semaphore, #tpu.memory_space<semaphore_mem>>) src(%dma_wait3A_126 : memref<10000x16xf32, #tpu.memory_space<hbm>>) dst(%dma_wait3A_120 : memref<1000x16xf32, #tpu.memory_space<vmem>>)
      %run_scoped3A_127 = arith.constant 0 : i32
      "tpu.region"() ({
        %run_scoped3A_193 = tpu.sem_alloc : memref<!tpu.dma_semaphore, #tpu.memory_space<semaphore_mem>>
        %dma_start3A_194 = arith.constant 0 : i32
        %dma_start3A_195 = arith.constant 0 : i32
        %dma_start3A_196 = tpu.memref_slice %arg12[%run_scoped3A_127, %dma_start3A_194, %dma_start3A_195] : memref<2x1000x16xf32, #tpu.memory_space<vmem>> -> memref<1x1000x16xf32, #tpu.memory_space<vmem>>
        %dma_start3A_197 = tpu.memref_squeeze %dma_start3A_196 : memref<1x1000x16xf32, #tpu.memory_space<vmem>> -> memref<1000x16xf32, #tpu.memory_space<vmem>>
        %dma_start3A_198 = arith.constant 0 : i32
        %dma_start3A_199 = tpu.memref_slice %arg7[%add3A_96, %dma_start3A_198] : memref<320000x16xf32, #tpu.memory_space<hbm>> -> memref<1000x16xf32, #tpu.memory_space<hbm>>
        %dma_start3A_200 = arith.constant 0 : i32
        %dma_start3A_201 = tpu.memref_slice %arg7[%add3A_96, %dma_start3A_200] : memref<320000x16xf32, #tpu.memory_space<hbm>> -> memref<1000x16xf32, #tpu.memory_space<hbm>>
        %dma_start3A_202 = arith.constant 0 : i32
        %dma_start3A_203 = arith.constant 0 : i32
        %dma_start3A_204 = tpu.memref_slice %arg12[%run_scoped3A_127, %dma_start3A_202, %dma_start3A_203] : memref<2x1000x16xf32, #tpu.memory_space<vmem>> -> memref<1x1000x16xf32, #tpu.memory_space<vmem>>
        %dma_start3A_205 = tpu.memref_squeeze %dma_start3A_204 : memref<1x1000x16xf32, #tpu.memory_space<vmem>> -> memref<1000x16xf32, #tpu.memory_space<vmem>>
        tpu.enqueue_dma source(%dma_start3A_205 : memref<1000x16xf32, #tpu.memory_space<vmem>>) target(%dma_start3A_201 : memref<1000x16xf32, #tpu.memory_space<hbm>>) target_semaphore(%run_scoped3A_193 : memref<!tpu.dma_semaphore, #tpu.memory_space<semaphore_mem>>)
        %dma_wait3A_206 = arith.constant 0 : i32
        %dma_wait3A_207 = arith.constant 0 : i32
        %dma_wait3A_208 = tpu.memref_slice %arg12[%run_scoped3A_127, %dma_wait3A_206, %dma_wait3A_207] : memref<2x1000x16xf32, #tpu.memory_space<vmem>> -> memref<1x1000x16xf32, #tpu.memory_space<vmem>>
        %dma_wait3A_209 = tpu.memref_squeeze %dma_wait3A_208 : memref<1x1000x16xf32, #tpu.memory_space<vmem>> -> memref<1000x16xf32, #tpu.memory_space<vmem>>
        %dma_wait3A_210 = arith.constant 0 : i32
        %dma_wait3A_211 = tpu.memref_slice %arg7[%add3A_96, %dma_wait3A_210] : memref<320000x16xf32, #tpu.memory_space<hbm>> -> memref<1000x16xf32, #tpu.memory_space<hbm>>
        %dma_wait3A_212 = arith.constant 0 : i32
        %dma_wait3A_213 = tpu.memref_slice %arg7[%add3A_96, %dma_wait3A_212] : memref<320000x16xf32, #tpu.memory_space<hbm>> -> memref<1000x16xf32, #tpu.memory_space<hbm>>
        %dma_wait3A_214 = arith.constant 0 : i32
        %dma_wait3A_215 = arith.constant 0 : i32
        %dma_wait3A_216 = tpu.memref_slice %arg12[%run_scoped3A_127, %dma_wait3A_214, %dma_wait3A_215] : memref<2x1000x16xf32, #tpu.memory_space<vmem>> -> memref<1x1000x16xf32, #tpu.memory_space<vmem>>
        %dma_wait3A_217 = tpu.memref_squeeze %dma_wait3A_216 : memref<1x1000x16xf32, #tpu.memory_space<vmem>> -> memref<1000x16xf32, #tpu.memory_space<vmem>>
        tpu.wait_dma2 semaphore(%run_scoped3A_193 : memref<!tpu.dma_semaphore, #tpu.memory_space<semaphore_mem>>) src(%dma_wait3A_217 : memref<1000x16xf32, #tpu.memory_space<vmem>>) dst(%dma_wait3A_213 : memref<1000x16xf32, #tpu.memory_space<hbm>>)
        tpu.yield
      }) : () -> ()
      %dma_wait3A_128 = arith.constant 0 : i32
      %dma_wait3A_129 = arith.constant 0 : i32
      %dma_wait3A_130 = arith.constant 0 : i32
      %dma_wait3A_131 = arith.constant 0 : i32
      %dma_wait3A_132 = tpu.memref_slice %arg13[%dma_wait3A_129, %dma_wait3A_130, %dma_wait3A_131] : memref<2x1000x16xf32, #tpu.memory_space<vmem>> -> memref<1x1000x16xf32, #tpu.memory_space<vmem>>
      %dma_wait3A_133 = tpu.memref_squeeze %dma_wait3A_132 : memref<1x1000x16xf32, #tpu.memory_space<vmem>> -> memref<1000x16xf32, #tpu.memory_space<vmem>>
      %dma_wait3A_134 = arith.constant 0 : i32
      %dma_wait3A_135 = tpu.memref_slice %arg11[%dma_wait3A_128, %dma_wait3A_134] : memref<2x1000xi32, #tpu.memory_space<vmem>> -> memref<1x1000xi32, #tpu.memory_space<vmem>>
      %dma_wait3A_136 = tpu.memref_squeeze %dma_wait3A_135 : memref<1x1000xi32, #tpu.memory_space<vmem>> -> memref<1000xi32, #tpu.memory_space<vmem>>
      %dma_wait3A_137 = arith.constant 0 : i32
      %dma_wait3A_138 = arith.constant 0 : i32
      %dma_wait3A_139 = tpu.memref_slice %arg3[%dma_wait3A_137, %dma_wait3A_138] : memref<10000x16xf32, #tpu.memory_space<hbm>> -> memref<10000x16xf32, #tpu.memory_space<hbm>>
      tpu.wait_indirect_dma semaphore(%arg18 : memref<!tpu.dma_semaphore, #tpu.memory_space<semaphore_mem>>) src(%dma_wait3A_139 : memref<10000x16xf32, #tpu.memory_space<hbm>>) dst(%dma_wait3A_133 : memref<1000x16xf32, #tpu.memory_space<vmem>>)
      %run_scoped3A_140 = arith.constant 0 : i32
      "tpu.region"() ({
        %run_scoped3A_193 = tpu.sem_alloc : memref<!tpu.dma_semaphore, #tpu.memory_space<semaphore_mem>>
        %dma_start3A_194 = arith.constant 0 : i32
        %dma_start3A_195 = arith.constant 0 : i32
        %dma_start3A_196 = tpu.memref_slice %arg13[%run_scoped3A_140, %dma_start3A_194, %dma_start3A_195] : memref<2x1000x16xf32, #tpu.memory_space<vmem>> -> memref<1x1000x16xf32, #tpu.memory_space<vmem>>
        %dma_start3A_197 = tpu.memref_squeeze %dma_start3A_196 : memref<1x1000x16xf32, #tpu.memory_space<vmem>> -> memref<1000x16xf32, #tpu.memory_space<vmem>>
        %dma_start3A_198 = arith.constant 0 : i32
        %dma_start3A_199 = tpu.memref_slice %arg8[%add3A_96, %dma_start3A_198] : memref<320000x16xf32, #tpu.memory_space<hbm>> -> memref<1000x16xf32, #tpu.memory_space<hbm>>
        %dma_start3A_200 = arith.constant 0 : i32
        %dma_start3A_201 = tpu.memref_slice %arg8[%add3A_96, %dma_start3A_200] : memref<320000x16xf32, #tpu.memory_space<hbm>> -> memref<1000x16xf32, #tpu.memory_space<hbm>>
        %dma_start3A_202 = arith.constant 0 : i32
        %dma_start3A_203 = arith.constant 0 : i32
        %dma_start3A_204 = tpu.memref_slice %arg13[%run_scoped3A_140, %dma_start3A_202, %dma_start3A_203] : memref<2x1000x16xf32, #tpu.memory_space<vmem>> -> memref<1x1000x16xf32, #tpu.memory_space<vmem>>
        %dma_start3A_205 = tpu.memref_squeeze %dma_start3A_204 : memref<1x1000x16xf32, #tpu.memory_space<vmem>> -> memref<1000x16xf32, #tpu.memory_space<vmem>>
        tpu.enqueue_dma source(%dma_start3A_205 : memref<1000x16xf32, #tpu.memory_space<vmem>>) target(%dma_start3A_201 : memref<1000x16xf32, #tpu.memory_space<hbm>>) target_semaphore(%run_scoped3A_193 : memref<!tpu.dma_semaphore, #tpu.memory_space<semaphore_mem>>)
        %dma_wait3A_206 = arith.constant 0 : i32
        %dma_wait3A_207 = arith.constant 0 : i32
        %dma_wait3A_208 = tpu.memref_slice %arg13[%run_scoped3A_140, %dma_wait3A_206, %dma_wait3A_207] : memref<2x1000x16xf32, #tpu.memory_space<vmem>> -> memref<1x1000x16xf32, #tpu.memory_space<vmem>>
        %dma_wait3A_209 = tpu.memref_squeeze %dma_wait3A_208 : memref<1x1000x16xf32, #tpu.memory_space<vmem>> -> memref<1000x16xf32, #tpu.memory_space<vmem>>
        %dma_wait3A_210 = arith.constant 0 : i32
        %dma_wait3A_211 = tpu.memref_slice %arg8[%add3A_96, %dma_wait3A_210] : memref<320000x16xf32, #tpu.memory_space<hbm>> -> memref<1000x16xf32, #tpu.memory_space<hbm>>
        %dma_wait3A_212 = arith.constant 0 : i32
        %dma_wait3A_213 = tpu.memref_slice %arg8[%add3A_96, %dma_wait3A_212] : memref<320000x16xf32, #tpu.memory_space<hbm>> -> memref<1000x16xf32, #tpu.memory_space<hbm>>
        %dma_wait3A_214 = arith.constant 0 : i32
        %dma_wait3A_215 = arith.constant 0 : i32
        %dma_wait3A_216 = tpu.memref_slice %arg13[%run_scoped3A_140, %dma_wait3A_214, %dma_wait3A_215] : memref<2x1000x16xf32, #tpu.memory_space<vmem>> -> memref<1x1000x16xf32, #tpu.memory_space<vmem>>
        %dma_wait3A_217 = tpu.memref_squeeze %dma_wait3A_216 : memref<1x1000x16xf32, #tpu.memory_space<vmem>> -> memref<1000x16xf32, #tpu.memory_space<vmem>>
        tpu.wait_dma2 semaphore(%run_scoped3A_193 : memref<!tpu.dma_semaphore, #tpu.memory_space<semaphore_mem>>) src(%dma_wait3A_217 : memref<1000x16xf32, #tpu.memory_space<vmem>>) dst(%dma_wait3A_213 : memref<1000x16xf32, #tpu.memory_space<hbm>>)
        tpu.yield
      }) : () -> ()
      %lt3A = arith.constant 4 : i32
      %lt3A_141 = arith.cmpi slt, %scan3A_47, %lt3A : i32
      %convert_element_type3A = arith.extui %lt3A_141 : i1 to i32
      %cond3A = arith.constant 0 : i32
      %cond3A_142 = arith.cmpi ne, %convert_element_type3A, %cond3A : i32
      scf.if %cond3A_142 {
        %add3A_193 = arith.constant 2 : i32
        %add3A_194 = arith.addi %mul3A_49, %add3A_193 : i32
        %mul3A_195 = arith.constant 1000 : i32
        %mul3A_196 = arith.muli %add3A_194, %mul3A_195 : i32
        %add3A_197 = arith.addi %mul3A_2, %mul3A_196 : i32
        %run_scoped3A_198 = arith.constant 0 : i32
        "tpu.region"() ({
          %run_scoped3A_237 = tpu.sem_alloc : memref<!tpu.dma_semaphore, #tpu.memory_space<semaphore_mem>>
          %dma_start3A_238 = arith.constant 0 : i32
          %dma_start3A_239 = tpu.memref_slice %arg10[%run_scoped3A_198, %dma_start3A_238] : memref<2x1000xi32, #tpu.memory_space<vmem>> -> memref<1x1000xi32, #tpu.memory_space<vmem>>
          %dma_start3A_240 = tpu.memref_squeeze %dma_start3A_239 : memref<1x1000xi32, #tpu.memory_space<vmem>> -> memref<1000xi32, #tpu.memory_space<vmem>>
          %dma_start3A_241 = tpu.memref_slice %arg4[%add3A_197] : memref<320000xi32, #tpu.memory_space<hbm>> -> memref<1000xi32, #tpu.memory_space<hbm>>
          %dma_start3A_242 = arith.constant 0 : i32
          %dma_start3A_243 = tpu.memref_slice %arg10[%run_scoped3A_198, %dma_start3A_242] : memref<2x1000xi32, #tpu.memory_space<vmem>> -> memref<1x1000xi32, #tpu.memory_space<vmem>>
          %dma_start3A_244 = tpu.memref_squeeze %dma_start3A_243 : memref<1x1000xi32, #tpu.memory_space<vmem>> -> memref<1000xi32, #tpu.memory_space<vmem>>
          %dma_start3A_245 = tpu.memref_slice %arg4[%add3A_197] : memref<320000xi32, #tpu.memory_space<hbm>> -> memref<1000xi32, #tpu.memory_space<hbm>>
          tpu.enqueue_dma source(%dma_start3A_245 : memref<1000xi32, #tpu.memory_space<hbm>>) target(%dma_start3A_244 : memref<1000xi32, #tpu.memory_space<vmem>>) target_semaphore(%run_scoped3A_237 : memref<!tpu.dma_semaphore, #tpu.memory_space<semaphore_mem>>)
          %dma_wait3A_246 = arith.constant 0 : i32
          %dma_wait3A_247 = tpu.memref_slice %arg10[%run_scoped3A_198, %dma_wait3A_246] : memref<2x1000xi32, #tpu.memory_space<vmem>> -> memref<1x1000xi32, #tpu.memory_space<vmem>>
          %dma_wait3A_248 = tpu.memref_squeeze %dma_wait3A_247 : memref<1x1000xi32, #tpu.memory_space<vmem>> -> memref<1000xi32, #tpu.memory_space<vmem>>
          %dma_wait3A_249 = tpu.memref_slice %arg4[%add3A_197] : memref<320000xi32, #tpu.memory_space<hbm>> -> memref<1000xi32, #tpu.memory_space<hbm>>
          %dma_wait3A_250 = arith.constant 0 : i32
          %dma_wait3A_251 = tpu.memref_slice %arg10[%run_scoped3A_198, %dma_wait3A_250] : memref<2x1000xi32, #tpu.memory_space<vmem>> -> memref<1x1000xi32, #tpu.memory_space<vmem>>
          %dma_wait3A_252 = tpu.memref_squeeze %dma_wait3A_251 : memref<1x1000xi32, #tpu.memory_space<vmem>> -> memref<1000xi32, #tpu.memory_space<vmem>>
          %dma_wait3A_253 = tpu.memref_slice %arg4[%add3A_197] : memref<320000xi32, #tpu.memory_space<hbm>> -> memref<1000xi32, #tpu.memory_space<hbm>>
          tpu.wait_dma2 semaphore(%run_scoped3A_237 : memref<!tpu.dma_semaphore, #tpu.memory_space<semaphore_mem>>) src(%dma_wait3A_253 : memref<1000xi32, #tpu.memory_space<hbm>>) dst(%dma_wait3A_252 : memref<1000xi32, #tpu.memory_space<vmem>>)
          tpu.yield
        }) : () -> ()
        %run_scoped3A_199 = arith.constant 0 : i32
        "tpu.region"() ({
          %run_scoped3A_237 = tpu.sem_alloc : memref<!tpu.dma_semaphore, #tpu.memory_space<semaphore_mem>>
          %dma_start3A_238 = arith.constant 0 : i32
          %dma_start3A_239 = tpu.memref_slice %arg11[%run_scoped3A_199, %dma_start3A_238] : memref<2x1000xi32, #tpu.memory_space<vmem>> -> memref<1x1000xi32, #tpu.memory_space<vmem>>
          %dma_start3A_240 = tpu.memref_squeeze %dma_start3A_239 : memref<1x1000xi32, #tpu.memory_space<vmem>> -> memref<1000xi32, #tpu.memory_space<vmem>>
          %dma_start3A_241 = tpu.memref_slice %arg5[%add3A_197] : memref<320000xi32, #tpu.memory_space<hbm>> -> memref<1000xi32, #tpu.memory_space<hbm>>
          %dma_start3A_242 = arith.constant 0 : i32
          %dma_start3A_243 = tpu.memref_slice %arg11[%run_scoped3A_199, %dma_start3A_242] : memref<2x1000xi32, #tpu.memory_space<vmem>> -> memref<1x1000xi32, #tpu.memory_space<vmem>>
          %dma_start3A_244 = tpu.memref_squeeze %dma_start3A_243 : memref<1x1000xi32, #tpu.memory_space<vmem>> -> memref<1000xi32, #tpu.memory_space<vmem>>
          %dma_start3A_245 = tpu.memref_slice %arg5[%add3A_197] : memref<320000xi32, #tpu.memory_space<hbm>> -> memref<1000xi32, #tpu.memory_space<hbm>>
          tpu.enqueue_dma source(%dma_start3A_245 : memref<1000xi32, #tpu.memory_space<hbm>>) target(%dma_start3A_244 : memref<1000xi32, #tpu.memory_space<vmem>>) target_semaphore(%run_scoped3A_237 : memref<!tpu.dma_semaphore, #tpu.memory_space<semaphore_mem>>)
          %dma_wait3A_246 = arith.constant 0 : i32
          %dma_wait3A_247 = tpu.memref_slice %arg11[%run_scoped3A_199, %dma_wait3A_246] : memref<2x1000xi32, #tpu.memory_space<vmem>> -> memref<1x1000xi32, #tpu.memory_space<vmem>>
          %dma_wait3A_248 = tpu.memref_squeeze %dma_wait3A_247 : memref<1x1000xi32, #tpu.memory_space<vmem>> -> memref<1000xi32, #tpu.memory_space<vmem>>
          %dma_wait3A_249 = tpu.memref_slice %arg5[%add3A_197] : memref<320000xi32, #tpu.memory_space<hbm>> -> memref<1000xi32, #tpu.memory_space<hbm>>
          %dma_wait3A_250 = arith.constant 0 : i32
          %dma_wait3A_251 = tpu.memref_slice %arg11[%run_scoped3A_199, %dma_wait3A_250] : memref<2x1000xi32, #tpu.memory_space<vmem>> -> memref<1x1000xi32, #tpu.memory_space<vmem>>
          %dma_wait3A_252 = tpu.memref_squeeze %dma_wait3A_251 : memref<1x1000xi32, #tpu.memory_space<vmem>> -> memref<1000xi32, #tpu.memory_space<vmem>>
          %dma_wait3A_253 = tpu.memref_slice %arg5[%add3A_197] : memref<320000xi32, #tpu.memory_space<hbm>> -> memref<1000xi32, #tpu.memory_space<hbm>>
          tpu.wait_dma2 semaphore(%run_scoped3A_237 : memref<!tpu.dma_semaphore, #tpu.memory_space<semaphore_mem>>) src(%dma_wait3A_253 : memref<1000xi32, #tpu.memory_space<hbm>>) dst(%dma_wait3A_252 : memref<1000xi32, #tpu.memory_space<vmem>>)
          tpu.yield
        }) : () -> ()
        %dma_start3A_200 = arith.constant 0 : i32
        %dma_start3A_201 = arith.constant 0 : i32
        %dma_start3A_202 = arith.constant 0 : i32
        %dma_start3A_203 = arith.constant 0 : i32
        %dma_start3A_204 = tpu.memref_slice %arg12[%dma_start3A_201, %dma_start3A_202, %dma_start3A_203] : memref<2x1000x16xf32, #tpu.memory_space<vmem>> -> memref<1x1000x16xf32, #tpu.memory_space<vmem>>
        %dma_start3A_205 = tpu.memref_squeeze %dma_start3A_204 : memref<1x1000x16xf32, #tpu.memory_space<vmem>> -> memref<1000x16xf32, #tpu.memory_space<vmem>>
        %dma_start3A_206 = arith.constant 0 : i32
        %dma_start3A_207 = tpu.memref_slice %arg10[%dma_start3A_200, %dma_start3A_206] : memref<2x1000xi32, #tpu.memory_space<vmem>> -> memref<1x1000xi32, #tpu.memory_space<vmem>>
        %dma_start3A_208 = tpu.memref_squeeze %dma_start3A_207 : memref<1x1000xi32, #tpu.memory_space<vmem>> -> memref<1000xi32, #tpu.memory_space<vmem>>
        %dma_start3A_209 = arith.constant 0 : i32
        %dma_start3A_210 = arith.constant 0 : i32
        %dma_start3A_211 = tpu.memref_slice %arg2[%dma_start3A_209, %dma_start3A_210] : memref<10000x16xf32, #tpu.memory_space<hbm>> -> memref<10000x16xf32, #tpu.memory_space<hbm>>
        tpu.enqueue_indirect_dma source(%dma_start3A_211 : memref<10000x16xf32, #tpu.memory_space<hbm>>) target(%dma_start3A_205 : memref<1000x16xf32, #tpu.memory_space<vmem>>) offsets(%dma_start3A_208 : memref<1000xi32, #tpu.memory_space<vmem>>) semaphore(%arg16 : memref<!tpu.dma_semaphore, #tpu.memory_space<semaphore_mem>>)
        %dma_start3A_212 = arith.constant 0 : i32
        %dma_start3A_213 = arith.constant 0 : i32
        %dma_start3A_214 = arith.constant 0 : i32
        %dma_start3A_215 = arith.constant 0 : i32
        %dma_start3A_216 = tpu.memref_slice %arg13[%dma_start3A_213, %dma_start3A_214, %dma_start3A_215] : memref<2x1000x16xf32, #tpu.memory_space<vmem>> -> memref<1x1000x16xf32, #tpu.memory_space<vmem>>
        %dma_start3A_217 = tpu.memref_squeeze %dma_start3A_216 : memref<1x1000x16xf32, #tpu.memory_space<vmem>> -> memref<1000x16xf32, #tpu.memory_space<vmem>>
        %dma_start3A_218 = arith.constant 0 : i32
        %dma_start3A_219 = tpu.memref_slice %arg11[%dma_start3A_212, %dma_start3A_218] : memref<2x1000xi32, #tpu.memory_space<vmem>> -> memref<1x1000xi32, #tpu.memory_space<vmem>>
        %dma_start3A_220 = tpu.memref_squeeze %dma_start3A_219 : memref<1x1000xi32, #tpu.memory_space<vmem>> -> memref<1000xi32, #tpu.memory_space<vmem>>
        %dma_start3A_221 = arith.constant 0 : i32
        %dma_start3A_222 = arith.constant 0 : i32
        %dma_start3A_223 = tpu.memref_slice %arg3[%dma_start3A_221, %dma_start3A_222] : memref<10000x16xf32, #tpu.memory_space<hbm>> -> memref<10000x16xf32, #tpu.memory_space<hbm>>
        tpu.enqueue_indirect_dma source(%dma_start3A_223 : memref<10000x16xf32, #tpu.memory_space<hbm>>) target(%dma_start3A_217 : memref<1000x16xf32, #tpu.memory_space<vmem>>) offsets(%dma_start3A_220 : memref<1000xi32, #tpu.memory_space<vmem>>) semaphore(%arg18 : memref<!tpu.dma_semaphore, #tpu.memory_space<semaphore_mem>>)
        %dma_start3A_224 = arith.constant 0 : i32
        %dma_start3A_225 = arith.constant 0 : i32
        %dma_start3A_226 = arith.constant 0 : i32
        %dma_start3A_227 = tpu.memref_slice %arg14[%dma_start3A_224, %dma_start3A_225, %dma_start3A_226] : memref<2x16x1000xf32, #tpu.memory_space<vmem>> -> memref<1x16x1000xf32, #tpu.memory_space<vmem>>
        %dma_start3A_228 = tpu.memref_squeeze %dma_start3A_227 : memref<1x16x1000xf32, #tpu.memory_space<vmem>> -> memref<16x1000xf32, #tpu.memory_space<vmem>>
        %dma_start3A_229 = arith.constant 0 : i32
        %dma_start3A_230 = tpu.memref_slice %arg6[%dma_start3A_229, %add3A_197] : memref<16x320000xf32, #tpu.memory_space<hbm>> -> memref<16x1000xf32, #tpu.memory_space<hbm>>
        %dma_start3A_231 = arith.constant 0 : i32
        %dma_start3A_232 = arith.constant 0 : i32
        %dma_start3A_233 = tpu.memref_slice %arg14[%dma_start3A_224, %dma_start3A_231, %dma_start3A_232] : memref<2x16x1000xf32, #tpu.memory_space<vmem>> -> memref<1x16x1000xf32, #tpu.memory_space<vmem>>
        %dma_start3A_234 = tpu.memref_squeeze %dma_start3A_233 : memref<1x16x1000xf32, #tpu.memory_space<vmem>> -> memref<16x1000xf32, #tpu.memory_space<vmem>>
        %dma_start3A_235 = arith.constant 0 : i32
        %dma_start3A_236 = tpu.memref_slice %arg6[%dma_start3A_235, %add3A_197] : memref<16x320000xf32, #tpu.memory_space<hbm>> -> memref<16x1000xf32, #tpu.memory_space<hbm>>
        tpu.enqueue_dma source(%dma_start3A_236 : memref<16x1000xf32, #tpu.memory_space<hbm>>) target(%dma_start3A_234 : memref<16x1000xf32, #tpu.memory_space<vmem>>) target_semaphore(%arg20 : memref<!tpu.dma_semaphore, #tpu.memory_space<semaphore_mem>>)
      } else {
      }
      %add3A_143 = arith.constant 1 : i32
      %add3A_144 = arith.addi %mul3A_49, %add3A_143 : i32
      %mul3A_145 = arith.constant 1000 : i32
      %mul3A_146 = arith.muli %add3A_144, %mul3A_145 : i32
      %add3A_147 = arith.addi %mul3A_2, %mul3A_146 : i32
      %dma_wait3A_148 = arith.constant 1 : i32
      %dma_wait3A_149 = arith.constant 0 : i32
      %dma_wait3A_150 = arith.constant 0 : i32
      %dma_wait3A_151 = tpu.memref_slice %arg14[%dma_wait3A_148, %dma_wait3A_149, %dma_wait3A_150] : memref<2x16x1000xf32, #tpu.memory_space<vmem>> -> memref<1x16x1000xf32, #tpu.memory_space<vmem>>
      %dma_wait3A_152 = tpu.memref_squeeze %dma_wait3A_151 : memref<1x16x1000xf32, #tpu.memory_space<vmem>> -> memref<16x1000xf32, #tpu.memory_space<vmem>>
      %dma_wait3A_153 = arith.constant 0 : i32
      %dma_wait3A_154 = tpu.memref_slice %arg6[%dma_wait3A_153, %add3A_147] : memref<16x320000xf32, #tpu.memory_space<hbm>> -> memref<16x1000xf32, #tpu.memory_space<hbm>>
      %dma_wait3A_155 = arith.constant 0 : i32
      %dma_wait3A_156 = arith.constant 0 : i32
      %dma_wait3A_157 = tpu.memref_slice %arg14[%dma_wait3A_148, %dma_wait3A_155, %dma_wait3A_156] : memref<2x16x1000xf32, #tpu.memory_space<vmem>> -> memref<1x16x1000xf32, #tpu.memory_space<vmem>>
      %dma_wait3A_158 = tpu.memref_squeeze %dma_wait3A_157 : memref<1x16x1000xf32, #tpu.memory_space<vmem>> -> memref<16x1000xf32, #tpu.memory_space<vmem>>
      %dma_wait3A_159 = arith.constant 0 : i32
      %dma_wait3A_160 = tpu.memref_slice %arg6[%dma_wait3A_159, %add3A_147] : memref<16x320000xf32, #tpu.memory_space<hbm>> -> memref<16x1000xf32, #tpu.memory_space<hbm>>
      tpu.wait_dma2 semaphore(%arg21 : memref<!tpu.dma_semaphore, #tpu.memory_space<semaphore_mem>>) src(%dma_wait3A_160 : memref<16x1000xf32, #tpu.memory_space<hbm>>) dst(%dma_wait3A_158 : memref<16x1000xf32, #tpu.memory_space<vmem>>)
      %scan3A_161 = arith.constant 0 : i32
      %scan3A_162 = arith.constant 0 : i32
      %scan3A_163 = arith.constant 125 : i32
      %scan3A_164 = arith.addi %scan3A_162, %scan3A_163 : i32
      %scan3A_165 = arith.constant 1 : i32
      scf.for %scan3A_193 = %scan3A_162 to %scan3A_164 step %scan3A_165  : i32 {
        %mul3A_194 = arith.constant 8 : i32
        %mul3A_195 = arith.muli %scan3A_193, %mul3A_194 : i32
        %add3A_196 = arith.constant 0 : i32
        %add3A_197 = arith.addi %mul3A_195, %add3A_196 : i32
        %broadcast_in_dim3A = vector.broadcast %add3A_197 : i32 to vector<16xi32>
        %gather3A = arith.constant 1 : i32
        %gather3A_198 = arith.constant 0 : i32
        %gather3A_199 = arith.constant 0 : i32
        %gather3A_200 = tpu.memref_slice %arg14[%gather3A, %gather3A_198, %gather3A_199] : memref<2x16x1000xf32, #tpu.memory_space<vmem>> -> memref<1x16x1000xf32, #tpu.memory_space<vmem>>
        %gather3A_201 = tpu.memref_squeeze %gather3A_200 : memref<1x16x1000xf32, #tpu.memory_space<vmem>> -> memref<16x1000xf32, #tpu.memory_space<vmem>>
        %gather3A_202 = tpu.vector_load_idx %gather3A_201[%iota3A, %broadcast_in_dim3A] : memref<16x1000xf32, #tpu.memory_space<vmem>>[vector<16xi32>, vector<16xi32>], vector<16xf32>,
        %add3A_203 = arith.constant 0 : i32
        %add3A_204 = arith.addi %mul3A_195, %add3A_203 : i32
        %swap3A = arith.index_cast %add3A_204 : i32 to index
        %swap3A_205 = arith.constant 0 : index
        %swap3A_206 = tpu.vector_load %arg15[%swap3A, %swap3A_205] {strides = array<i32>} : memref<1000x16xf32, #tpu.memory_space<vmem>>, vector<16xf32>,
        tpu.vector_store %arg15[%swap3A, %swap3A_205], %gather3A_202 {strides = array<i32>} : memref<1000x16xf32, #tpu.memory_space<vmem>>, vector<16xf32>,
        %add3A_207 = arith.constant 1 : i32
        %add3A_208 = arith.addi %mul3A_195, %add3A_207 : i32
        %broadcast_in_dim3A_209 = vector.broadcast %add3A_208 : i32 to vector<16xi32>
        %gather3A_210 = arith.constant 1 : i32
        %gather3A_211 = arith.constant 0 : i32
        %gather3A_212 = arith.constant 0 : i32
        %gather3A_213 = tpu.memref_slice %arg14[%gather3A_210, %gather3A_211, %gather3A_212] : memref<2x16x1000xf32, #tpu.memory_space<vmem>> -> memref<1x16x1000xf32, #tpu.memory_space<vmem>>
        %gather3A_214 = tpu.memref_squeeze %gather3A_213 : memref<1x16x1000xf32, #tpu.memory_space<vmem>> -> memref<16x1000xf32, #tpu.memory_space<vmem>>
        %gather3A_215 = tpu.vector_load_idx %gather3A_214[%iota3A, %broadcast_in_dim3A_209] : memref<16x1000xf32, #tpu.memory_space<vmem>>[vector<16xi32>, vector<16xi32>], vector<16xf32>,
        %add3A_216 = arith.constant 1 : i32
        %add3A_217 = arith.addi %mul3A_195, %add3A_216 : i32
        %swap3A_218 = arith.index_cast %add3A_217 : i32 to index
        %swap3A_219 = arith.constant 0 : index
        %swap3A_220 = tpu.vector_load %arg15[%swap3A_218, %swap3A_219] {strides = array<i32>} : memref<1000x16xf32, #tpu.memory_space<vmem>>, vector<16xf32>,
        tpu.vector_store %arg15[%swap3A_218, %swap3A_219], %gather3A_215 {strides = array<i32>} : memref<1000x16xf32, #tpu.memory_space<vmem>>, vector<16xf32>,
        %add3A_221 = arith.constant 2 : i32
        %add3A_222 = arith.addi %mul3A_195, %add3A_221 : i32
        %broadcast_in_dim3A_223 = vector.broadcast %add3A_222 : i32 to vector<16xi32>
        %gather3A_224 = arith.constant 1 : i32
        %gather3A_225 = arith.constant 0 : i32
        %gather3A_226 = arith.constant 0 : i32
        %gather3A_227 = tpu.memref_slice %arg14[%gather3A_224, %gather3A_225, %gather3A_226] : memref<2x16x1000xf32, #tpu.memory_space<vmem>> -> memref<1x16x1000xf32, #tpu.memory_space<vmem>>
        %gather3A_228 = tpu.memref_squeeze %gather3A_227 : memref<1x16x1000xf32, #tpu.memory_space<vmem>> -> memref<16x1000xf32, #tpu.memory_space<vmem>>
        %gather3A_229 = tpu.vector_load_idx %gather3A_228[%iota3A, %broadcast_in_dim3A_223] : memref<16x1000xf32, #tpu.memory_space<vmem>>[vector<16xi32>, vector<16xi32>], vector<16xf32>,
        %add3A_230 = arith.constant 2 : i32
        %add3A_231 = arith.addi %mul3A_195, %add3A_230 : i32
        %swap3A_232 = arith.index_cast %add3A_231 : i32 to index
        %swap3A_233 = arith.constant 0 : index
        %swap3A_234 = tpu.vector_load %arg15[%swap3A_232, %swap3A_233] {strides = array<i32>} : memref<1000x16xf32, #tpu.memory_space<vmem>>, vector<16xf32>,
        tpu.vector_store %arg15[%swap3A_232, %swap3A_233], %gather3A_229 {strides = array<i32>} : memref<1000x16xf32, #tpu.memory_space<vmem>>, vector<16xf32>,
        %add3A_235 = arith.constant 3 : i32
        %add3A_236 = arith.addi %mul3A_195, %add3A_235 : i32
        %broadcast_in_dim3A_237 = vector.broadcast %add3A_236 : i32 to vector<16xi32>
        %gather3A_238 = arith.constant 1 : i32
        %gather3A_239 = arith.constant 0 : i32
        %gather3A_240 = arith.constant 0 : i32
        %gather3A_241 = tpu.memref_slice %arg14[%gather3A_238, %gather3A_239, %gather3A_240] : memref<2x16x1000xf32, #tpu.memory_space<vmem>> -> memref<1x16x1000xf32, #tpu.memory_space<vmem>>
        %gather3A_242 = tpu.memref_squeeze %gather3A_241 : memref<1x16x1000xf32, #tpu.memory_space<vmem>> -> memref<16x1000xf32, #tpu.memory_space<vmem>>
        %gather3A_243 = tpu.vector_load_idx %gather3A_242[%iota3A, %broadcast_in_dim3A_237] : memref<16x1000xf32, #tpu.memory_space<vmem>>[vector<16xi32>, vector<16xi32>], vector<16xf32>,
        %add3A_244 = arith.constant 3 : i32
        %add3A_245 = arith.addi %mul3A_195, %add3A_244 : i32
        %swap3A_246 = arith.index_cast %add3A_245 : i32 to index
        %swap3A_247 = arith.constant 0 : index
        %swap3A_248 = tpu.vector_load %arg15[%swap3A_246, %swap3A_247] {strides = array<i32>} : memref<1000x16xf32, #tpu.memory_space<vmem>>, vector<16xf32>,
        tpu.vector_store %arg15[%swap3A_246, %swap3A_247], %gather3A_243 {strides = array<i32>} : memref<1000x16xf32, #tpu.memory_space<vmem>>, vector<16xf32>,
        %add3A_249 = arith.constant 4 : i32
        %add3A_250 = arith.addi %mul3A_195, %add3A_249 : i32
        %broadcast_in_dim3A_251 = vector.broadcast %add3A_250 : i32 to vector<16xi32>
        %gather3A_252 = arith.constant 1 : i32
        %gather3A_253 = arith.constant 0 : i32
        %gather3A_254 = arith.constant 0 : i32
        %gather3A_255 = tpu.memref_slice %arg14[%gather3A_252, %gather3A_253, %gather3A_254] : memref<2x16x1000xf32, #tpu.memory_space<vmem>> -> memref<1x16x1000xf32, #tpu.memory_space<vmem>>
        %gather3A_256 = tpu.memref_squeeze %gather3A_255 : memref<1x16x1000xf32, #tpu.memory_space<vmem>> -> memref<16x1000xf32, #tpu.memory_space<vmem>>
        %gather3A_257 = tpu.vector_load_idx %gather3A_256[%iota3A, %broadcast_in_dim3A_251] : memref<16x1000xf32, #tpu.memory_space<vmem>>[vector<16xi32>, vector<16xi32>], vector<16xf32>,
        %add3A_258 = arith.constant 4 : i32
        %add3A_259 = arith.addi %mul3A_195, %add3A_258 : i32
        %swap3A_260 = arith.index_cast %add3A_259 : i32 to index
        %swap3A_261 = arith.constant 0 : index
        %swap3A_262 = tpu.vector_load %arg15[%swap3A_260, %swap3A_261] {strides = array<i32>} : memref<1000x16xf32, #tpu.memory_space<vmem>>, vector<16xf32>,
        tpu.vector_store %arg15[%swap3A_260, %swap3A_261], %gather3A_257 {strides = array<i32>} : memref<1000x16xf32, #tpu.memory_space<vmem>>, vector<16xf32>,
        %add3A_263 = arith.constant 5 : i32
        %add3A_264 = arith.addi %mul3A_195, %add3A_263 : i32
        %broadcast_in_dim3A_265 = vector.broadcast %add3A_264 : i32 to vector<16xi32>
        %gather3A_266 = arith.constant 1 : i32
        %gather3A_267 = arith.constant 0 : i32
        %gather3A_268 = arith.constant 0 : i32
        %gather3A_269 = tpu.memref_slice %arg14[%gather3A_266, %gather3A_267, %gather3A_268] : memref<2x16x1000xf32, #tpu.memory_space<vmem>> -> memref<1x16x1000xf32, #tpu.memory_space<vmem>>
        %gather3A_270 = tpu.memref_squeeze %gather3A_269 : memref<1x16x1000xf32, #tpu.memory_space<vmem>> -> memref<16x1000xf32, #tpu.memory_space<vmem>>
        %gather3A_271 = tpu.vector_load_idx %gather3A_270[%iota3A, %broadcast_in_dim3A_265] : memref<16x1000xf32, #tpu.memory_space<vmem>>[vector<16xi32>, vector<16xi32>], vector<16xf32>,
        %add3A_272 = arith.constant 5 : i32
        %add3A_273 = arith.addi %mul3A_195, %add3A_272 : i32
        %swap3A_274 = arith.index_cast %add3A_273 : i32 to index
        %swap3A_275 = arith.constant 0 : index
        %swap3A_276 = tpu.vector_load %arg15[%swap3A_274, %swap3A_275] {strides = array<i32>} : memref<1000x16xf32, #tpu.memory_space<vmem>>, vector<16xf32>,
        tpu.vector_store %arg15[%swap3A_274, %swap3A_275], %gather3A_271 {strides = array<i32>} : memref<1000x16xf32, #tpu.memory_space<vmem>>, vector<16xf32>,
        %add3A_277 = arith.constant 6 : i32
        %add3A_278 = arith.addi %mul3A_195, %add3A_277 : i32
        %broadcast_in_dim3A_279 = vector.broadcast %add3A_278 : i32 to vector<16xi32>
        %gather3A_280 = arith.constant 1 : i32
        %gather3A_281 = arith.constant 0 : i32
        %gather3A_282 = arith.constant 0 : i32
        %gather3A_283 = tpu.memref_slice %arg14[%gather3A_280, %gather3A_281, %gather3A_282] : memref<2x16x1000xf32, #tpu.memory_space<vmem>> -> memref<1x16x1000xf32, #tpu.memory_space<vmem>>
        %gather3A_284 = tpu.memref_squeeze %gather3A_283 : memref<1x16x1000xf32, #tpu.memory_space<vmem>> -> memref<16x1000xf32, #tpu.memory_space<vmem>>
        %gather3A_285 = tpu.vector_load_idx %gather3A_284[%iota3A, %broadcast_in_dim3A_279] : memref<16x1000xf32, #tpu.memory_space<vmem>>[vector<16xi32>, vector<16xi32>], vector<16xf32>,
        %add3A_286 = arith.constant 6 : i32
        %add3A_287 = arith.addi %mul3A_195, %add3A_286 : i32
        %swap3A_288 = arith.index_cast %add3A_287 : i32 to index
        %swap3A_289 = arith.constant 0 : index
        %swap3A_290 = tpu.vector_load %arg15[%swap3A_288, %swap3A_289] {strides = array<i32>} : memref<1000x16xf32, #tpu.memory_space<vmem>>, vector<16xf32>,
        tpu.vector_store %arg15[%swap3A_288, %swap3A_289], %gather3A_285 {strides = array<i32>} : memref<1000x16xf32, #tpu.memory_space<vmem>>, vector<16xf32>,
        %add3A_291 = arith.constant 7 : i32
        %add3A_292 = arith.addi %mul3A_195, %add3A_291 : i32
        %broadcast_in_dim3A_293 = vector.broadcast %add3A_292 : i32 to vector<16xi32>
        %gather3A_294 = arith.constant 1 : i32
        %gather3A_295 = arith.constant 0 : i32
        %gather3A_296 = arith.constant 0 : i32
        %gather3A_297 = tpu.memref_slice %arg14[%gather3A_294, %gather3A_295, %gather3A_296] : memref<2x16x1000xf32, #tpu.memory_space<vmem>> -> memref<1x16x1000xf32, #tpu.memory_space<vmem>>
        %gather3A_298 = tpu.memref_squeeze %gather3A_297 : memref<1x16x1000xf32, #tpu.memory_space<vmem>> -> memref<16x1000xf32, #tpu.memory_space<vmem>>
        %gather3A_299 = tpu.vector_load_idx %gather3A_298[%iota3A, %broadcast_in_dim3A_293] : memref<16x1000xf32, #tpu.memory_space<vmem>>[vector<16xi32>, vector<16xi32>], vector<16xf32>,
        %add3A_300 = arith.constant 7 : i32
        %add3A_301 = arith.addi %mul3A_195, %add3A_300 : i32
        %swap3A_302 = arith.index_cast %add3A_301 : i32 to index
        %swap3A_303 = arith.constant 0 : index
        %swap3A_304 = tpu.vector_load %arg15[%swap3A_302, %swap3A_303] {strides = array<i32>} : memref<1000x16xf32, #tpu.memory_space<vmem>>, vector<16xf32>,
        tpu.vector_store %arg15[%swap3A_302, %swap3A_303], %gather3A_299 {strides = array<i32>} : memref<1000x16xf32, #tpu.memory_space<vmem>>, vector<16xf32>,
      }
      %scan3A_166 = arith.constant 125 : i32
      "tpu.region"() ({
        %run_scoped3A_193 = tpu.sem_alloc : memref<!tpu.dma_semaphore, #tpu.memory_space<semaphore_mem>>
        %dma_start3A_194 = arith.constant 0 : i32
        %dma_start3A_195 = tpu.memref_slice %arg9[%add3A_147, %dma_start3A_194] : memref<320000x16xf32, #tpu.memory_space<hbm>> -> memref<1000x16xf32, #tpu.memory_space<hbm>>
        %dma_start3A_196 = arith.constant 0 : i32
        %dma_start3A_197 = tpu.memref_slice %arg9[%add3A_147, %dma_start3A_196] : memref<320000x16xf32, #tpu.memory_space<hbm>> -> memref<1000x16xf32, #tpu.memory_space<hbm>>
        tpu.enqueue_dma source(%arg15 : memref<1000x16xf32, #tpu.memory_space<vmem>>) target(%dma_start3A_197 : memref<1000x16xf32, #tpu.memory_space<hbm>>) target_semaphore(%run_scoped3A_193 : memref<!tpu.dma_semaphore, #tpu.memory_space<semaphore_mem>>)
        %dma_wait3A_198 = arith.constant 0 : i32
        %dma_wait3A_199 = tpu.memref_slice %arg9[%add3A_147, %dma_wait3A_198] : memref<320000x16xf32, #tpu.memory_space<hbm>> -> memref<1000x16xf32, #tpu.memory_space<hbm>>
        %dma_wait3A_200 = arith.constant 0 : i32
        %dma_wait3A_201 = tpu.memref_slice %arg9[%add3A_147, %dma_wait3A_200] : memref<320000x16xf32, #tpu.memory_space<hbm>> -> memref<1000x16xf32, #tpu.memory_space<hbm>>
        tpu.wait_dma2 semaphore(%run_scoped3A_193 : memref<!tpu.dma_semaphore, #tpu.memory_space<semaphore_mem>>) src(%arg15 : memref<1000x16xf32, #tpu.memory_space<vmem>>) dst(%dma_wait3A_201 : memref<1000x16xf32, #tpu.memory_space<hbm>>)
        tpu.yield
      }) : () -> ()
      %dma_wait3A_167 = arith.constant 1 : i32
      %dma_wait3A_168 = arith.constant 1 : i32
      %dma_wait3A_169 = arith.constant 0 : i32
      %dma_wait3A_170 = arith.constant 0 : i32
      %dma_wait3A_171 = tpu.memref_slice %arg12[%dma_wait3A_168, %dma_wait3A_169, %dma_wait3A_170] : memref<2x1000x16xf32, #tpu.memory_space<vmem>> -> memref<1x1000x16xf32, #tpu.memory_space<vmem>>
      %dma_wait3A_172 = tpu.memref_squeeze %dma_wait3A_171 : memref<1x1000x16xf32, #tpu.memory_space<vmem>> -> memref<1000x16xf32, #tpu.memory_space<vmem>>
      %dma_wait3A_173 = arith.constant 0 : i32
      %dma_wait3A_174 = tpu.memref_slice %arg10[%dma_wait3A_167, %dma_wait3A_173] : memref<2x1000xi32, #tpu.memory_space<vmem>> -> memref<1x1000xi32, #tpu.memory_space<vmem>>
      %dma_wait3A_175 = tpu.memref_squeeze %dma_wait3A_174 : memref<1x1000xi32, #tpu.memory_space<vmem>> -> memref<1000xi32, #tpu.memory_space<vmem>>
      %dma_wait3A_176 = arith.constant 0 : i32
      %dma_wait3A_177 = arith.constant 0 : i32
      %dma_wait3A_178 = tpu.memref_slice %arg2[%dma_wait3A_176, %dma_wait3A_177] : memref<10000x16xf32, #tpu.memory_space<hbm>> -> memref<10000x16xf32, #tpu.memory_space<hbm>>
      tpu.wait_indirect_dma semaphore(%arg17 : memref<!tpu.dma_semaphore, #tpu.memory_space<semaphore_mem>>) src(%dma_wait3A_178 : memref<10000x16xf32, #tpu.memory_space<hbm>>) dst(%dma_wait3A_172 : memref<1000x16xf32, #tpu.memory_space<vmem>>)
      %run_scoped3A_179 = arith.constant 1 : i32
      "tpu.region"() ({
        %run_scoped3A_193 = tpu.sem_alloc : memref<!tpu.dma_semaphore, #tpu.memory_space<semaphore_mem>>
        %dma_start3A_194 = arith.constant 0 : i32
        %dma_start3A_195 = arith.constant 0 : i32
        %dma_start3A_196 = tpu.memref_slice %arg12[%run_scoped3A_179, %dma_start3A_194, %dma_start3A_195] : memref<2x1000x16xf32, #tpu.memory_space<vmem>> -> memref<1x1000x16xf32, #tpu.memory_space<vmem>>
        %dma_start3A_197 = tpu.memref_squeeze %dma_start3A_196 : memref<1x1000x16xf32, #tpu.memory_space<vmem>> -> memref<1000x16xf32, #tpu.memory_space<vmem>>
        %dma_start3A_198 = arith.constant 0 : i32
        %dma_start3A_199 = tpu.memref_slice %arg7[%add3A_147, %dma_start3A_198] : memref<320000x16xf32, #tpu.memory_space<hbm>> -> memref<1000x16xf32, #tpu.memory_space<hbm>>
        %dma_start3A_200 = arith.constant 0 : i32
        %dma_start3A_201 = tpu.memref_slice %arg7[%add3A_147, %dma_start3A_200] : memref<320000x16xf32, #tpu.memory_space<hbm>> -> memref<1000x16xf32, #tpu.memory_space<hbm>>
        %dma_start3A_202 = arith.constant 0 : i32
        %dma_start3A_203 = arith.constant 0 : i32
        %dma_start3A_204 = tpu.memref_slice %arg12[%run_scoped3A_179, %dma_start3A_202, %dma_start3A_203] : memref<2x1000x16xf32, #tpu.memory_space<vmem>> -> memref<1x1000x16xf32, #tpu.memory_space<vmem>>
        %dma_start3A_205 = tpu.memref_squeeze %dma_start3A_204 : memref<1x1000x16xf32, #tpu.memory_space<vmem>> -> memref<1000x16xf32, #tpu.memory_space<vmem>>
        tpu.enqueue_dma source(%dma_start3A_205 : memref<1000x16xf32, #tpu.memory_space<vmem>>) target(%dma_start3A_201 : memref<1000x16xf32, #tpu.memory_space<hbm>>) target_semaphore(%run_scoped3A_193 : memref<!tpu.dma_semaphore, #tpu.memory_space<semaphore_mem>>)
        %dma_wait3A_206 = arith.constant 0 : i32
        %dma_wait3A_207 = arith.constant 0 : i32
        %dma_wait3A_208 = tpu.memref_slice %arg12[%run_scoped3A_179, %dma_wait3A_206, %dma_wait3A_207] : memref<2x1000x16xf32, #tpu.memory_space<vmem>> -> memref<1x1000x16xf32, #tpu.memory_space<vmem>>
        %dma_wait3A_209 = tpu.memref_squeeze %dma_wait3A_208 : memref<1x1000x16xf32, #tpu.memory_space<vmem>> -> memref<1000x16xf32, #tpu.memory_space<vmem>>
        %dma_wait3A_210 = arith.constant 0 : i32
        %dma_wait3A_211 = tpu.memref_slice %arg7[%add3A_147, %dma_wait3A_210] : memref<320000x16xf32, #tpu.memory_space<hbm>> -> memref<1000x16xf32, #tpu.memory_space<hbm>>
        %dma_wait3A_212 = arith.constant 0 : i32
        %dma_wait3A_213 = tpu.memref_slice %arg7[%add3A_147, %dma_wait3A_212] : memref<320000x16xf32, #tpu.memory_space<hbm>> -> memref<1000x16xf32, #tpu.memory_space<hbm>>
        %dma_wait3A_214 = arith.constant 0 : i32
        %dma_wait3A_215 = arith.constant 0 : i32
        %dma_wait3A_216 = tpu.memref_slice %arg12[%run_scoped3A_179, %dma_wait3A_214, %dma_wait3A_215] : memref<2x1000x16xf32, #tpu.memory_space<vmem>> -> memref<1x1000x16xf32, #tpu.memory_space<vmem>>
        %dma_wait3A_217 = tpu.memref_squeeze %dma_wait3A_216 : memref<1x1000x16xf32, #tpu.memory_space<vmem>> -> memref<1000x16xf32, #tpu.memory_space<vmem>>
        tpu.wait_dma2 semaphore(%run_scoped3A_193 : memref<!tpu.dma_semaphore, #tpu.memory_space<semaphore_mem>>) src(%dma_wait3A_217 : memref<1000x16xf32, #tpu.memory_space<vmem>>) dst(%dma_wait3A_213 : memref<1000x16xf32, #tpu.memory_space<hbm>>)
        tpu.yield
      }) : () -> ()
      %dma_wait3A_180 = arith.constant 1 : i32
      %dma_wait3A_181 = arith.constant 1 : i32
      %dma_wait3A_182 = arith.constant 0 : i32
      %dma_wait3A_183 = arith.constant 0 : i32
      %dma_wait3A_184 = tpu.memref_slice %arg13[%dma_wait3A_181, %dma_wait3A_182, %dma_wait3A_183] : memref<2x1000x16xf32, #tpu.memory_space<vmem>> -> memref<1x1000x16xf32, #tpu.memory_space<vmem>>
      %dma_wait3A_185 = tpu.memref_squeeze %dma_wait3A_184 : memref<1x1000x16xf32, #tpu.memory_space<vmem>> -> memref<1000x16xf32, #tpu.memory_space<vmem>>
      %dma_wait3A_186 = arith.constant 0 : i32
      %dma_wait3A_187 = tpu.memref_slice %arg11[%dma_wait3A_180, %dma_wait3A_186] : memref<2x1000xi32, #tpu.memory_space<vmem>> -> memref<1x1000xi32, #tpu.memory_space<vmem>>
      %dma_wait3A_188 = tpu.memref_squeeze %dma_wait3A_187 : memref<1x1000xi32, #tpu.memory_space<vmem>> -> memref<1000xi32, #tpu.memory_space<vmem>>
      %dma_wait3A_189 = arith.constant 0 : i32
      %dma_wait3A_190 = arith.constant 0 : i32
      %dma_wait3A_191 = tpu.memref_slice %arg3[%dma_wait3A_189, %dma_wait3A_190] : memref<10000x16xf32, #tpu.memory_space<hbm>> -> memref<10000x16xf32, #tpu.memory_space<hbm>>
      tpu.wait_indirect_dma semaphore(%arg19 : memref<!tpu.dma_semaphore, #tpu.memory_space<semaphore_mem>>) src(%dma_wait3A_191 : memref<10000x16xf32, #tpu.memory_space<hbm>>) dst(%dma_wait3A_185 : memref<1000x16xf32, #tpu.memory_space<vmem>>)
      %run_scoped3A_192 = arith.constant 1 : i32
      "tpu.region"() ({
        %run_scoped3A_193 = tpu.sem_alloc : memref<!tpu.dma_semaphore, #tpu.memory_space<semaphore_mem>>
        %dma_start3A_194 = arith.constant 0 : i32
        %dma_start3A_195 = arith.constant 0 : i32
        %dma_start3A_196 = tpu.memref_slice %arg13[%run_scoped3A_192, %dma_start3A_194, %dma_start3A_195] : memref<2x1000x16xf32, #tpu.memory_space<vmem>> -> memref<1x1000x16xf32, #tpu.memory_space<vmem>>
        %dma_start3A_197 = tpu.memref_squeeze %dma_start3A_196 : memref<1x1000x16xf32, #tpu.memory_space<vmem>> -> memref<1000x16xf32, #tpu.memory_space<vmem>>
        %dma_start3A_198 = arith.constant 0 : i32
        %dma_start3A_199 = tpu.memref_slice %arg8[%add3A_147, %dma_start3A_198] : memref<320000x16xf32, #tpu.memory_space<hbm>> -> memref<1000x16xf32, #tpu.memory_space<hbm>>
        %dma_start3A_200 = arith.constant 0 : i32
        %dma_start3A_201 = tpu.memref_slice %arg8[%add3A_147, %dma_start3A_200] : memref<320000x16xf32, #tpu.memory_space<hbm>> -> memref<1000x16xf32, #tpu.memory_space<hbm>>
        %dma_start3A_202 = arith.constant 0 : i32
        %dma_start3A_203 = arith.constant 0 : i32
        %dma_start3A_204 = tpu.memref_slice %arg13[%run_scoped3A_192, %dma_start3A_202, %dma_start3A_203] : memref<2x1000x16xf32, #tpu.memory_space<vmem>> -> memref<1x1000x16xf32, #tpu.memory_space<vmem>>
        %dma_start3A_205 = tpu.memref_squeeze %dma_start3A_204 : memref<1x1000x16xf32, #tpu.memory_space<vmem>> -> memref<1000x16xf32, #tpu.memory_space<vmem>>
        tpu.enqueue_dma source(%dma_start3A_205 : memref<1000x16xf32, #tpu.memory_space<vmem>>) target(%dma_start3A_201 : memref<1000x16xf32, #tpu.memory_space<hbm>>) target_semaphore(%run_scoped3A_193 : memref<!tpu.dma_semaphore, #tpu.memory_space<semaphore_mem>>)
        %dma_wait3A_206 = arith.constant 0 : i32
        %dma_wait3A_207 = arith.constant 0 : i32
        %dma_wait3A_208 = tpu.memref_slice %arg13[%run_scoped3A_192, %dma_wait3A_206, %dma_wait3A_207] : memref<2x1000x16xf32, #tpu.memory_space<vmem>> -> memref<1x1000x16xf32, #tpu.memory_space<vmem>>
        %dma_wait3A_209 = tpu.memref_squeeze %dma_wait3A_208 : memref<1x1000x16xf32, #tpu.memory_space<vmem>> -> memref<1000x16xf32, #tpu.memory_space<vmem>>
        %dma_wait3A_210 = arith.constant 0 : i32
        %dma_wait3A_211 = tpu.memref_slice %arg8[%add3A_147, %dma_wait3A_210] : memref<320000x16xf32, #tpu.memory_space<hbm>> -> memref<1000x16xf32, #tpu.memory_space<hbm>>
        %dma_wait3A_212 = arith.constant 0 : i32
        %dma_wait3A_213 = tpu.memref_slice %arg8[%add3A_147, %dma_wait3A_212] : memref<320000x16xf32, #tpu.memory_space<hbm>> -> memref<1000x16xf32, #tpu.memory_space<hbm>>
        %dma_wait3A_214 = arith.constant 0 : i32
        %dma_wait3A_215 = arith.constant 0 : i32
        %dma_wait3A_216 = tpu.memref_slice %arg13[%run_scoped3A_192, %dma_wait3A_214, %dma_wait3A_215] : memref<2x1000x16xf32, #tpu.memory_space<vmem>> -> memref<1x1000x16xf32, #tpu.memory_space<vmem>>
        %dma_wait3A_217 = tpu.memref_squeeze %dma_wait3A_216 : memref<1x1000x16xf32, #tpu.memory_space<vmem>> -> memref<1000x16xf32, #tpu.memory_space<vmem>>
        tpu.wait_dma2 semaphore(%run_scoped3A_193 : memref<!tpu.dma_semaphore, #tpu.memory_space<semaphore_mem>>) src(%dma_wait3A_217 : memref<1000x16xf32, #tpu.memory_space<vmem>>) dst(%dma_wait3A_213 : memref<1000x16xf32, #tpu.memory_space<hbm>>)
        tpu.yield
      }) : () -> ()
    }
    %scan3A_46 = arith.constant 5 : i32
    return
  }
}

module attributes {stable_mosaic.version = 14 : i64} {
  func.func @_node_encode_body(%arg0: memref<1250x1024xf32, #tpu.memory_space<vmem>>, %arg1: memref<1x128xf32, #tpu.memory_space<vmem>>, %arg2: memref<1024x128xf32, #tpu.memory_space<vmem>>, %arg3: memref<1x128xf32, #tpu.memory_space<vmem>>, %arg4: memref<1x128xf32, #tpu.memory_space<vmem>>, %arg5: memref<1x128xf32, #tpu.memory_space<vmem>>, %arg6: memref<128x128xf32, #tpu.memory_space<vmem>>, %arg7: memref<128x128xf32, #tpu.memory_space<vmem>>, %arg8: memref<128x128xf32, #tpu.memory_space<vmem>>, %arg9: memref<128x16xf32, #tpu.memory_space<vmem>>, %arg10: memref<1x16xf32, #tpu.memory_space<vmem>>, %arg11: memref<1x16xf32, #tpu.memory_space<vmem>>, %arg12: memref<1x16xf32, #tpu.memory_space<vmem>>, %arg13: memref<16x128xf32, #tpu.memory_space<vmem>>, %arg14: memref<1x128xf32, #tpu.memory_space<vmem>>, %arg15: memref<1250x128xf32, #tpu.memory_space<vmem>>, %arg16: memref<1250x128xf32, #tpu.memory_space<vmem>>, %arg17: memref<1250x128xf32, #tpu.memory_space<vmem>>, %arg18: memref<1x128xf32, #tpu.memory_space<vmem>>) attributes {dimension_semantics = [], scalar_prefetch = 0 : i64, scratch_operands = 0 : i64, tpu.core_type = #tpu.core_type<tc>} {
    %get3A = arith.constant 0 : index
    %get3A_0 = arith.constant 0 : index
    %get3A_1 = vector.load %arg0[%get3A, %get3A_0] : memref<1250x1024xf32, #tpu.memory_space<vmem>>, vector<1250x1024xf32>
    %get3A_2 = arith.constant 0 : index
    %get3A_3 = arith.constant 0 : index
    %get3A_4 = vector.load %arg2[%get3A_2, %get3A_3] : memref<1024x128xf32, #tpu.memory_space<vmem>>, vector<1024x128xf32>
    %dot_general3A = arith.constant dense<0.000000e+00> : vector<1250x128xf32>
    %dot_general3A_5 = tpu.matmul %get3A_1, %get3A_4, %dot_general3A {dimension_numbers = #tpu.dot_dimension_numbers<[1], [0], [0], [1], [0, 0, 1, 1], [], []>, transpose_lhs_hint = false} : vector<1250x1024xf32>, vector<1024x128xf32>, vector<1250x128xf32> -> vector<1250x128xf32>
    %get3A_6 = arith.constant 0 : index
    %get3A_7 = arith.constant 0 : index
    %get3A_8 = vector.load %arg3[%get3A_6, %get3A_7] : memref<1x128xf32, #tpu.memory_space<vmem>>, vector<1x128xf32>
    %add3A = vector.broadcast %get3A_8 : vector<1x128xf32> to vector<1250x128xf32>
    %add3A_9 = arith.addf %dot_general3A_5, %add3A : vector<1250x128xf32>
    %get3A_10 = arith.constant 0 : index
    %get3A_11 = arith.constant 0 : index
    %get3A_12 = vector.load %arg4[%get3A_10, %get3A_11] : memref<1x128xf32, #tpu.memory_space<vmem>>, vector<1x128xf32>
    %get3A_13 = arith.constant 0 : index
    %get3A_14 = arith.constant 0 : index
    %get3A_15 = vector.load %arg5[%get3A_13, %get3A_14] : memref<1x128xf32, #tpu.memory_space<vmem>>, vector<1x128xf32>
    %get3A_16 = arith.constant 0 : index
    %get3A_17 = arith.constant 0 : index
    %get3A_18 = vector.load %arg6[%get3A_16, %get3A_17] : memref<128x128xf32, #tpu.memory_space<vmem>>, vector<128x128xf32>
    %dot_general3A_19 = arith.constant dense<0.000000e+00> : vector<1250x128xf32>
    %dot_general3A_20 = tpu.matmul %add3A_9, %get3A_18, %dot_general3A_19 {dimension_numbers = #tpu.dot_dimension_numbers<[1], [0], [0], [1], [0, 0, 1, 1], [], []>, transpose_lhs_hint = false} : vector<1250x128xf32>, vector<128x128xf32>, vector<1250x128xf32> -> vector<1250x128xf32>
    %sub3A = arith.subf %add3A_9, %dot_general3A_20 : vector<1250x128xf32>
    %mul3A = arith.mulf %sub3A, %sub3A : vector<1250x128xf32>
    %dot_general3A_21 = arith.constant dense<0.000000e+00> : vector<1250x128xf32>
    %dot_general3A_22 = tpu.matmul %mul3A, %get3A_18, %dot_general3A_21 {dimension_numbers = #tpu.dot_dimension_numbers<[1], [0], [0], [1], [0, 0, 1, 1], [], []>, transpose_lhs_hint = false} : vector<1250x128xf32>, vector<128x128xf32>, vector<1250x128xf32> -> vector<1250x128xf32>
    %add3A_23 = arith.constant 9.99999974E-6 : f32
    %add3A_24 = vector.broadcast %add3A_23 : f32 to vector<1250x128xf32>
    %add3A_25 = arith.addf %dot_general3A_22, %add3A_24 : vector<1250x128xf32>
    %rsqrt3A = math.rsqrt %add3A_25 : vector<1250x128xf32>
    %mul3A_26 = arith.mulf %sub3A, %rsqrt3A : vector<1250x128xf32>
    %mul3A_27 = vector.broadcast %get3A_12 : vector<1x128xf32> to vector<1250x128xf32>
    %mul3A_28 = arith.mulf %mul3A_26, %mul3A_27 : vector<1250x128xf32>
    %add3A_29 = vector.broadcast %get3A_15 : vector<1x128xf32> to vector<1250x128xf32>
    %add3A_30 = arith.addf %mul3A_28, %add3A_29 : vector<1250x128xf32>
    %max3A = arith.constant 0.000000e+00 : f32
    %max3A_31 = vector.broadcast %max3A : f32 to vector<1250x128xf32>
    %max3A_32 = arith.maximumf %add3A_30, %max3A_31 : vector<1250x128xf32>
    %swap3A = arith.constant 0 : index
    %swap3A_33 = arith.constant 0 : index
    %swap3A_34 = vector.load %arg15[%swap3A, %swap3A_33] : memref<1250x128xf32, #tpu.memory_space<vmem>>, vector<1250x128xf32>
    tpu.vector_store %arg15[%swap3A, %swap3A_33], %max3A_32 {strides = array<i32>} : memref<1250x128xf32, #tpu.memory_space<vmem>>, vector<1250x128xf32>,
    %get3A_35 = arith.constant 0 : index
    %get3A_36 = arith.constant 0 : index
    %get3A_37 = vector.load %arg7[%get3A_35, %get3A_36] : memref<128x128xf32, #tpu.memory_space<vmem>>, vector<128x128xf32>
    %dot_general3A_38 = arith.constant dense<0.000000e+00> : vector<1250x128xf32>
    %dot_general3A_39 = tpu.matmul %max3A_32, %get3A_37, %dot_general3A_38 {dimension_numbers = #tpu.dot_dimension_numbers<[1], [0], [0], [1], [0, 0, 1, 1], [], []>, transpose_lhs_hint = false} : vector<1250x128xf32>, vector<128x128xf32>, vector<1250x128xf32> -> vector<1250x128xf32>
    %swap3A_40 = arith.constant 0 : index
    %swap3A_41 = arith.constant 0 : index
    %swap3A_42 = vector.load %arg16[%swap3A_40, %swap3A_41] : memref<1250x128xf32, #tpu.memory_space<vmem>>, vector<1250x128xf32>
    tpu.vector_store %arg16[%swap3A_40, %swap3A_41], %dot_general3A_39 {strides = array<i32>} : memref<1250x128xf32, #tpu.memory_space<vmem>>, vector<1250x128xf32>,
    %get3A_43 = arith.constant 0 : index
    %get3A_44 = arith.constant 0 : index
    %get3A_45 = vector.load %arg8[%get3A_43, %get3A_44] : memref<128x128xf32, #tpu.memory_space<vmem>>, vector<128x128xf32>
    %dot_general3A_46 = arith.constant dense<0.000000e+00> : vector<1250x128xf32>
    %dot_general3A_47 = tpu.matmul %max3A_32, %get3A_45, %dot_general3A_46 {dimension_numbers = #tpu.dot_dimension_numbers<[1], [0], [0], [1], [0, 0, 1, 1], [], []>, transpose_lhs_hint = false} : vector<1250x128xf32>, vector<128x128xf32>, vector<1250x128xf32> -> vector<1250x128xf32>
    %swap3A_48 = arith.constant 0 : index
    %swap3A_49 = arith.constant 0 : index
    %swap3A_50 = vector.load %arg17[%swap3A_48, %swap3A_49] : memref<1250x128xf32, #tpu.memory_space<vmem>>, vector<1250x128xf32>
    tpu.vector_store %arg17[%swap3A_48, %swap3A_49], %dot_general3A_47 {strides = array<i32>} : memref<1250x128xf32, #tpu.memory_space<vmem>>, vector<1250x128xf32>,
    %get3A_51 = arith.constant 0 : index
    %get3A_52 = arith.constant 0 : index
    %get3A_53 = vector.load %arg1[%get3A_51, %get3A_52] : memref<1x128xf32, #tpu.memory_space<vmem>>, vector<1x128xf32>
    %get3A_54 = arith.constant 0 : index
    %get3A_55 = arith.constant 0 : index
    %get3A_56 = vector.load %arg9[%get3A_54, %get3A_55] : memref<128x16xf32, #tpu.memory_space<vmem>>, vector<128x16xf32>
    %dot_general3A_57 = arith.constant dense<0.000000e+00> : vector<1x16xf32>
    %dot_general3A_58 = tpu.matmul %get3A_53, %get3A_56, %dot_general3A_57 {dimension_numbers = #tpu.dot_dimension_numbers<[1], [0], [0], [1], [0, 0, 1, 1], [], []>, transpose_lhs_hint = false} : vector<1x128xf32>, vector<128x16xf32>, vector<1x16xf32> -> vector<1x16xf32>
    %get3A_59 = arith.constant 0 : index
    %get3A_60 = arith.constant 0 : index
    %get3A_61 = vector.load %arg10[%get3A_59, %get3A_60] : memref<1x16xf32, #tpu.memory_space<vmem>>, vector<1x16xf32>
    %add3A_62 = arith.addf %dot_general3A_58, %get3A_61 : vector<1x16xf32>
    %reduce_sum3A = arith.constant dense<0.000000e+00> : vector<1xf32>
    %reduce_sum3A_63 = vector.multi_reduction <add>, %add3A_62, %reduce_sum3A [1] : vector<1x16xf32> to vector<1xf32>
    %broadcast_in_dim3A = vector.shape_cast %reduce_sum3A_63 : vector<1xf32> to vector<1x1xf32>
    %div3A = arith.constant 1.600000e+01 : f32
    %div3A_64 = vector.broadcast %div3A : f32 to vector<1x1xf32>
    %div3A_65 = arith.divf %broadcast_in_dim3A, %div3A_64 : vector<1x1xf32>
    %sub3A_66 = vector.broadcast %div3A_65 : vector<1x1xf32> to vector<1x16xf32>
    %sub3A_67 = arith.subf %add3A_62, %sub3A_66 : vector<1x16xf32>
    %integer_pow3A = arith.mulf %sub3A_67, %sub3A_67 : vector<1x16xf32>
    %reduce_sum3A_68 = arith.constant dense<0.000000e+00> : vector<1xf32>
    %reduce_sum3A_69 = vector.multi_reduction <add>, %integer_pow3A, %reduce_sum3A_68 [1] : vector<1x16xf32> to vector<1xf32>
    %broadcast_in_dim3A_70 = vector.shape_cast %reduce_sum3A_69 : vector<1xf32> to vector<1x1xf32>
    %div3A_71 = arith.constant 1.600000e+01 : f32
    %div3A_72 = vector.broadcast %div3A_71 : f32 to vector<1x1xf32>
    %div3A_73 = arith.divf %broadcast_in_dim3A_70, %div3A_72 : vector<1x1xf32>
    %sub3A_74 = vector.broadcast %div3A_65 : vector<1x1xf32> to vector<1x16xf32>
    %sub3A_75 = arith.subf %add3A_62, %sub3A_74 : vector<1x16xf32>
    %add3A_76 = arith.constant 9.99999974E-6 : f32
    %add3A_77 = vector.broadcast %add3A_76 : f32 to vector<1x1xf32>
    %add3A_78 = arith.addf %div3A_73, %add3A_77 : vector<1x1xf32>
    %rsqrt3A_79 = math.rsqrt %add3A_78 : vector<1x1xf32>
    %mul3A_80 = vector.broadcast %rsqrt3A_79 : vector<1x1xf32> to vector<1x16xf32>
    %mul3A_81 = arith.mulf %sub3A_75, %mul3A_80 : vector<1x16xf32>
    %get3A_82 = arith.constant 0 : index
    %get3A_83 = arith.constant 0 : index
    %get3A_84 = vector.load %arg11[%get3A_82, %get3A_83] : memref<1x16xf32, #tpu.memory_space<vmem>>, vector<1x16xf32>
    %mul3A_85 = arith.mulf %mul3A_81, %get3A_84 : vector<1x16xf32>
    %get3A_86 = arith.constant 0 : index
    %get3A_87 = arith.constant 0 : index
    %get3A_88 = vector.load %arg12[%get3A_86, %get3A_87] : memref<1x16xf32, #tpu.memory_space<vmem>>, vector<1x16xf32>
    %add3A_89 = arith.addf %mul3A_85, %get3A_88 : vector<1x16xf32>
    %max3A_90 = arith.constant 0.000000e+00 : f32
    %max3A_91 = vector.broadcast %max3A_90 : f32 to vector<1x16xf32>
    %max3A_92 = arith.maximumf %add3A_89, %max3A_91 : vector<1x16xf32>
    %get3A_93 = arith.constant 0 : index
    %get3A_94 = arith.constant 0 : index
    %get3A_95 = vector.load %arg13[%get3A_93, %get3A_94] : memref<16x128xf32, #tpu.memory_space<vmem>>, vector<16x128xf32>
    %dot_general3A_96 = arith.constant dense<0.000000e+00> : vector<1x128xf32>
    %dot_general3A_97 = tpu.matmul %max3A_92, %get3A_95, %dot_general3A_96 {dimension_numbers = #tpu.dot_dimension_numbers<[1], [0], [0], [1], [0, 0, 1, 1], [], []>, transpose_lhs_hint = false} : vector<1x16xf32>, vector<16x128xf32>, vector<1x128xf32> -> vector<1x128xf32>
    %get3A_98 = arith.constant 0 : index
    %get3A_99 = arith.constant 0 : index
    %get3A_100 = vector.load %arg14[%get3A_98, %get3A_99] : memref<1x128xf32, #tpu.memory_space<vmem>>, vector<1x128xf32>
    %add3A_101 = arith.addf %dot_general3A_97, %get3A_100 : vector<1x128xf32>
    %swap3A_102 = arith.constant 0 : index
    %swap3A_103 = arith.constant 0 : index
    %swap3A_104 = vector.load %arg18[%swap3A_102, %swap3A_103] : memref<1x128xf32, #tpu.memory_space<vmem>>, vector<1x128xf32>
    tpu.vector_store %arg18[%swap3A_102, %swap3A_103], %add3A_101 {strides = array<i32>} : memref<1x128xf32, #tpu.memory_space<vmem>>, vector<1x128xf32>,
    return
  }
}

module attributes {stable_mosaic.version = 14 : i64} {
  func.func @_edge_core_body(%arg0: i32, %arg1: memref<5000x128xf32, #tpu.memory_space<vmem>>, %arg2: memref<5000x128xf32, #tpu.memory_space<vmem>>, %arg3: memref<5000x128xf32, #tpu.memory_space<vmem>>, %arg4: memref<1x128xf32, #tpu.memory_space<vmem>>, %arg5: memref<128x128xf32, #tpu.memory_space<vmem>>, %arg6: memref<1x128xf32, #tpu.memory_space<vmem>>, %arg7: memref<1x128xf32, #tpu.memory_space<vmem>>, %arg8: memref<1x128xf32, #tpu.memory_space<vmem>>, %arg9: memref<128x128xf32, #tpu.memory_space<vmem>>, %arg10: memref<128x128xf32, #tpu.memory_space<vmem>>, %arg11: memref<1x128xf32, #tpu.memory_space<vmem>>, %arg12: memref<1x128xf32, #tpu.memory_space<vmem>>, %arg13: memref<128x16xf32, #tpu.memory_space<vmem>>, %arg14: memref<1x16xf32, #tpu.memory_space<vmem>>, %arg15: memref<5000x128xf32, #tpu.memory_space<vmem>>, %arg16: memref<1x16x5000xf32, #tpu.memory_space<vmem>>, %arg17: memref<1x16xf32, #tpu.memory_space<vmem>>, %arg18: memref<1x16xf32, #tpu.memory_space<vmem>>) attributes {dimension_semantics = [#tpu.dimension_semantics<arbitrary>], iteration_bounds = array<i64: 8>, scalar_prefetch = 0 : i64, scratch_operands = 0 : i64, tpu.core_type = #tpu.core_type<tc>, window_params = [{transform_indices = @transform_0, window_bounds = array<i64: 5000, 128>}, {transform_indices = @transform_1, window_bounds = array<i64: 5000, 128>}, {transform_indices = @transform_2, window_bounds = array<i64: 5000, 128>}, {pipeline_mode = #tpu.pipeline_mode<synchronous>, transform_indices = @transform_3, window_bounds = array<i64: 1, 128>}, {pipeline_mode = #tpu.pipeline_mode<synchronous>, transform_indices = @transform_4, window_bounds = array<i64: 128, 128>}, {pipeline_mode = #tpu.pipeline_mode<synchronous>, transform_indices = @transform_5, window_bounds = array<i64: 1, 128>}, {pipeline_mode = #tpu.pipeline_mode<synchronous>, transform_indices = @transform_6, window_bounds = array<i64: 1, 128>}, {pipeline_mode = #tpu.pipeline_mode<synchronous>, transform_indices = @transform_7, window_bounds = array<i64: 1, 128>}, {pipeline_mode = #tpu.pipeline_mode<synchronous>, transform_indices = @transform_8, window_bounds = array<i64: 128, 128>}, {pipeline_mode = #tpu.pipeline_mode<synchronous>, transform_indices = @transform_9, window_bounds = array<i64: 128, 128>}, {pipeline_mode = #tpu.pipeline_mode<synchronous>, transform_indices = @transform_10, window_bounds = array<i64: 1, 128>}, {pipeline_mode = #tpu.pipeline_mode<synchronous>, transform_indices = @transform_11, window_bounds = array<i64: 1, 128>}, {pipeline_mode = #tpu.pipeline_mode<synchronous>, transform_indices = @transform_12, window_bounds = array<i64: 128, 16>}, {pipeline_mode = #tpu.pipeline_mode<synchronous>, transform_indices = @transform_13, window_bounds = array<i64: 1, 16>}, {transform_indices = @transform_14, window_bounds = array<i64: 5000, 128>}, {transform_indices = @transform_15, window_bounds = array<i64: 1, 16, 5000>}, {pipeline_mode = #tpu.pipeline_mode<synchronous>, transform_indices = @transform_16, window_bounds = array<i64: 1, 16>}, {pipeline_mode = #tpu.pipeline_mode<synchronous>, transform_indices = @transform_17, window_bounds = array<i64: 1, 16>}]} {
    %get3A = arith.constant 0 : index
    %get3A_0 = arith.constant 0 : index
    %get3A_1 = vector.load %arg1[%get3A, %get3A_0] : memref<5000x128xf32, #tpu.memory_space<vmem>>, vector<5000x128xf32>
    %get3A_2 = arith.constant 0 : index
    %get3A_3 = arith.constant 0 : index
    %get3A_4 = vector.load %arg5[%get3A_2, %get3A_3] : memref<128x128xf32, #tpu.memory_space<vmem>>, vector<128x128xf32>
    %dot_general3A = arith.constant dense<0.000000e+00> : vector<5000x128xf32>
    %dot_general3A_5 = tpu.matmul %get3A_1, %get3A_4, %dot_general3A {dimension_numbers = #tpu.dot_dimension_numbers<[1], [0], [0], [1], [0, 0, 1, 1], [], []>, transpose_lhs_hint = false} : vector<5000x128xf32>, vector<128x128xf32>, vector<5000x128xf32> -> vector<5000x128xf32>
    %get3A_6 = arith.constant 0 : index
    %get3A_7 = arith.constant 0 : index
    %get3A_8 = vector.load %arg6[%get3A_6, %get3A_7] : memref<1x128xf32, #tpu.memory_space<vmem>>, vector<1x128xf32>
    %add3A = vector.broadcast %get3A_8 : vector<1x128xf32> to vector<5000x128xf32>
    %add3A_9 = arith.addf %dot_general3A_5, %add3A : vector<5000x128xf32>
    %get3A_10 = arith.constant 0 : index
    %get3A_11 = arith.constant 0 : index
    %get3A_12 = vector.load %arg7[%get3A_10, %get3A_11] : memref<1x128xf32, #tpu.memory_space<vmem>>, vector<1x128xf32>
    %get3A_13 = arith.constant 0 : index
    %get3A_14 = arith.constant 0 : index
    %get3A_15 = vector.load %arg8[%get3A_13, %get3A_14] : memref<1x128xf32, #tpu.memory_space<vmem>>, vector<1x128xf32>
    %get3A_16 = arith.constant 0 : index
    %get3A_17 = arith.constant 0 : index
    %get3A_18 = vector.load %arg9[%get3A_16, %get3A_17] : memref<128x128xf32, #tpu.memory_space<vmem>>, vector<128x128xf32>
    %dot_general3A_19 = arith.constant dense<0.000000e+00> : vector<5000x128xf32>
    %dot_general3A_20 = tpu.matmul %add3A_9, %get3A_18, %dot_general3A_19 {dimension_numbers = #tpu.dot_dimension_numbers<[1], [0], [0], [1], [0, 0, 1, 1], [], []>, transpose_lhs_hint = false} : vector<5000x128xf32>, vector<128x128xf32>, vector<5000x128xf32> -> vector<5000x128xf32>
    %sub3A = arith.subf %add3A_9, %dot_general3A_20 : vector<5000x128xf32>
    %mul3A = arith.mulf %sub3A, %sub3A : vector<5000x128xf32>
    %dot_general3A_21 = arith.constant dense<0.000000e+00> : vector<5000x128xf32>
    %dot_general3A_22 = tpu.matmul %mul3A, %get3A_18, %dot_general3A_21 {dimension_numbers = #tpu.dot_dimension_numbers<[1], [0], [0], [1], [0, 0, 1, 1], [], []>, transpose_lhs_hint = false} : vector<5000x128xf32>, vector<128x128xf32>, vector<5000x128xf32> -> vector<5000x128xf32>
    %add3A_23 = arith.constant 9.99999974E-6 : f32
    %add3A_24 = vector.broadcast %add3A_23 : f32 to vector<5000x128xf32>
    %add3A_25 = arith.addf %dot_general3A_22, %add3A_24 : vector<5000x128xf32>
    %rsqrt3A = math.rsqrt %add3A_25 : vector<5000x128xf32>
    %mul3A_26 = arith.mulf %sub3A, %rsqrt3A : vector<5000x128xf32>
    %mul3A_27 = vector.broadcast %get3A_12 : vector<1x128xf32> to vector<5000x128xf32>
    %mul3A_28 = arith.mulf %mul3A_26, %mul3A_27 : vector<5000x128xf32>
    %add3A_29 = vector.broadcast %get3A_15 : vector<1x128xf32> to vector<5000x128xf32>
    %add3A_30 = arith.addf %mul3A_28, %add3A_29 : vector<5000x128xf32>
    %max3A = arith.constant 0.000000e+00 : f32
    %max3A_31 = vector.broadcast %max3A : f32 to vector<5000x128xf32>
    %max3A_32 = arith.maximumf %add3A_30, %max3A_31 : vector<5000x128xf32>
    %get3A_33 = arith.constant 0 : index
    %get3A_34 = arith.constant 0 : index
    %get3A_35 = vector.load %arg10[%get3A_33, %get3A_34] : memref<128x128xf32, #tpu.memory_space<vmem>>, vector<128x128xf32>
    %dot_general3A_36 = arith.constant dense<0.000000e+00> : vector<5000x128xf32>
    %dot_general3A_37 = tpu.matmul %max3A_32, %get3A_35, %dot_general3A_36 {dimension_numbers = #tpu.dot_dimension_numbers<[1], [0], [0], [1], [0, 0, 1, 1], [], []>, transpose_lhs_hint = false} : vector<5000x128xf32>, vector<128x128xf32>, vector<5000x128xf32> -> vector<5000x128xf32>
    %get3A_38 = arith.constant 0 : index
    %get3A_39 = arith.constant 0 : index
    %get3A_40 = vector.load %arg2[%get3A_38, %get3A_39] : memref<5000x128xf32, #tpu.memory_space<vmem>>, vector<5000x128xf32>
    %add3A_41 = arith.addf %dot_general3A_37, %get3A_40 : vector<5000x128xf32>
    %get3A_42 = arith.constant 0 : index
    %get3A_43 = arith.constant 0 : index
    %get3A_44 = vector.load %arg3[%get3A_42, %get3A_43] : memref<5000x128xf32, #tpu.memory_space<vmem>>, vector<5000x128xf32>
    %add3A_45 = arith.addf %add3A_41, %get3A_44 : vector<5000x128xf32>
    %get3A_46 = arith.constant 0 : index
    %get3A_47 = arith.constant 0 : index
    %get3A_48 = vector.load %arg4[%get3A_46, %get3A_47] : memref<1x128xf32, #tpu.memory_space<vmem>>, vector<1x128xf32>
    %add3A_49 = vector.broadcast %get3A_48 : vector<1x128xf32> to vector<5000x128xf32>
    %add3A_50 = arith.addf %add3A_45, %add3A_49 : vector<5000x128xf32>
    %get3A_51 = arith.constant 0 : index
    %get3A_52 = arith.constant 0 : index
    %get3A_53 = vector.load %arg11[%get3A_51, %get3A_52] : memref<1x128xf32, #tpu.memory_space<vmem>>, vector<1x128xf32>
    %get3A_54 = arith.constant 0 : index
    %get3A_55 = arith.constant 0 : index
    %get3A_56 = vector.load %arg12[%get3A_54, %get3A_55] : memref<1x128xf32, #tpu.memory_space<vmem>>, vector<1x128xf32>
    %get3A_57 = arith.constant 0 : index
    %get3A_58 = arith.constant 0 : index
    %get3A_59 = vector.load %arg9[%get3A_57, %get3A_58] : memref<128x128xf32, #tpu.memory_space<vmem>>, vector<128x128xf32>
    %dot_general3A_60 = arith.constant dense<0.000000e+00> : vector<5000x128xf32>
    %dot_general3A_61 = tpu.matmul %add3A_50, %get3A_59, %dot_general3A_60 {dimension_numbers = #tpu.dot_dimension_numbers<[1], [0], [0], [1], [0, 0, 1, 1], [], []>, transpose_lhs_hint = false} : vector<5000x128xf32>, vector<128x128xf32>, vector<5000x128xf32> -> vector<5000x128xf32>
    %sub3A_62 = arith.subf %add3A_50, %dot_general3A_61 : vector<5000x128xf32>
    %mul3A_63 = arith.mulf %sub3A_62, %sub3A_62 : vector<5000x128xf32>
    %dot_general3A_64 = arith.constant dense<0.000000e+00> : vector<5000x128xf32>
    %dot_general3A_65 = tpu.matmul %mul3A_63, %get3A_59, %dot_general3A_64 {dimension_numbers = #tpu.dot_dimension_numbers<[1], [0], [0], [1], [0, 0, 1, 1], [], []>, transpose_lhs_hint = false} : vector<5000x128xf32>, vector<128x128xf32>, vector<5000x128xf32> -> vector<5000x128xf32>
    %add3A_66 = arith.constant 9.99999974E-6 : f32
    %add3A_67 = vector.broadcast %add3A_66 : f32 to vector<5000x128xf32>
    %add3A_68 = arith.addf %dot_general3A_65, %add3A_67 : vector<5000x128xf32>
    %rsqrt3A_69 = math.rsqrt %add3A_68 : vector<5000x128xf32>
    %mul3A_70 = arith.mulf %sub3A_62, %rsqrt3A_69 : vector<5000x128xf32>
    %mul3A_71 = vector.broadcast %get3A_53 : vector<1x128xf32> to vector<5000x128xf32>
    %mul3A_72 = arith.mulf %mul3A_70, %mul3A_71 : vector<5000x128xf32>
    %add3A_73 = vector.broadcast %get3A_56 : vector<1x128xf32> to vector<5000x128xf32>
    %add3A_74 = arith.addf %mul3A_72, %add3A_73 : vector<5000x128xf32>
    %max3A_75 = arith.constant 0.000000e+00 : f32
    %max3A_76 = vector.broadcast %max3A_75 : f32 to vector<5000x128xf32>
    %max3A_77 = arith.maximumf %add3A_74, %max3A_76 : vector<5000x128xf32>
    %swap3A = arith.constant 0 : index
    %swap3A_78 = arith.constant 0 : index
    %swap3A_79 = vector.load %arg15[%swap3A, %swap3A_78] : memref<5000x128xf32, #tpu.memory_space<vmem>>, vector<5000x128xf32>
    tpu.vector_store %arg15[%swap3A, %swap3A_78], %max3A_77 {strides = array<i32>} : memref<5000x128xf32, #tpu.memory_space<vmem>>, vector<5000x128xf32>,
    %get3A_80 = arith.constant 0 : index
    %get3A_81 = arith.constant 0 : index
    %get3A_82 = vector.load %arg13[%get3A_80, %get3A_81] : memref<128x16xf32, #tpu.memory_space<vmem>>, vector<128x16xf32>
    %dot_general3A_83 = arith.constant dense<0.000000e+00> : vector<5000x16xf32>
    %dot_general3A_84 = tpu.matmul %max3A_77, %get3A_82, %dot_general3A_83 {dimension_numbers = #tpu.dot_dimension_numbers<[1], [0], [0], [1], [0, 0, 1, 1], [], []>, transpose_lhs_hint = false} : vector<5000x128xf32>, vector<128x16xf32>, vector<5000x16xf32> -> vector<5000x16xf32>
    %get3A_85 = arith.constant 0 : index
    %get3A_86 = arith.constant 0 : index
    %get3A_87 = vector.load %arg14[%get3A_85, %get3A_86] : memref<1x16xf32, #tpu.memory_space<vmem>>, vector<1x16xf32>
    %add3A_88 = vector.broadcast %get3A_87 : vector<1x16xf32> to vector<5000x16xf32>
    %add3A_89 = arith.addf %dot_general3A_84, %add3A_88 : vector<5000x16xf32>
    %transpose3A = tpu.transpose %add3A_89, [1, 0] : vector<5000x16xf32> -> vector<16x5000xf32>
    %broadcast_in_dim3A = vector.shape_cast %transpose3A : vector<16x5000xf32> to vector<1x16x5000xf32>
    %swap3A_90 = arith.constant 0 : index
    %swap3A_91 = arith.constant 0 : index
    %swap3A_92 = arith.constant 0 : index
    %swap3A_93 = vector.load %arg16[%swap3A_90, %swap3A_91, %swap3A_92] : memref<1x16x5000xf32, #tpu.memory_space<vmem>>, vector<1x16x5000xf32>
    tpu.vector_store %arg16[%swap3A_90, %swap3A_91, %swap3A_92], %broadcast_in_dim3A {strides = array<i32>} : memref<1x16x5000xf32, #tpu.memory_space<vmem>>, vector<1x16x5000xf32>,
    %eq3A = arith.constant 0 : i32
    %eq3A_94 = arith.cmpi eq, %arg0, %eq3A : i32
    %convert_element_type3A = arith.extui %eq3A_94 : i1 to i32
    %cond3A = arith.constant 0 : i32
    %cond3A_95 = arith.cmpi ne, %convert_element_type3A, %cond3A : i32
    scf.if %cond3A_95 {
      %broadcast_in_dim3A_119 = arith.constant 0xFF800000 : f32
      %broadcast_in_dim3A_120 = vector.broadcast %broadcast_in_dim3A_119 : f32 to vector<1x16xf32>
      %swap3A_121 = arith.constant 0 : index
      %swap3A_122 = arith.constant 0 : index
      %swap3A_123 = vector.load %arg17[%swap3A_121, %swap3A_122] : memref<1x16xf32, #tpu.memory_space<vmem>>, vector<1x16xf32>
      tpu.vector_store %arg17[%swap3A_121, %swap3A_122], %broadcast_in_dim3A_120 {strides = array<i32>} : memref<1x16xf32, #tpu.memory_space<vmem>>, vector<1x16xf32>,
      %broadcast_in_dim3A_124 = arith.constant 0.000000e+00 : f32
      %broadcast_in_dim3A_125 = vector.broadcast %broadcast_in_dim3A_124 : f32 to vector<1x16xf32>
      %swap3A_126 = arith.constant 0 : index
      %swap3A_127 = arith.constant 0 : index
      %swap3A_128 = vector.load %arg18[%swap3A_126, %swap3A_127] : memref<1x16xf32, #tpu.memory_space<vmem>>, vector<1x16xf32>
      tpu.vector_store %arg18[%swap3A_126, %swap3A_127], %broadcast_in_dim3A_125 {strides = array<i32>} : memref<1x16xf32, #tpu.memory_space<vmem>>, vector<1x16xf32>,
    } else {
    }
    %reduce_max3A = arith.constant dense<0xFF800000> : vector<16xf32>
    %reduce_max3A_96 = vector.multi_reduction <maximumf>, %add3A_89, %reduce_max3A [0] : vector<5000x16xf32> to vector<16xf32>
    %broadcast_in_dim3A_97 = vector.shape_cast %reduce_max3A_96 : vector<16xf32> to vector<1x16xf32>
    %get3A_98 = arith.constant 0 : index
    %get3A_99 = arith.constant 0 : index
    %get3A_100 = vector.load %arg17[%get3A_98, %get3A_99] : memref<1x16xf32, #tpu.memory_space<vmem>>, vector<1x16xf32>
    %max3A_101 = arith.maximumf %get3A_100, %broadcast_in_dim3A_97 : vector<1x16xf32>
    %get3A_102 = arith.constant 0 : index
    %get3A_103 = arith.constant 0 : index
    %get3A_104 = vector.load %arg18[%get3A_102, %get3A_103] : memref<1x16xf32, #tpu.memory_space<vmem>>, vector<1x16xf32>
    %sub3A_105 = arith.subf %get3A_100, %max3A_101 : vector<1x16xf32>
    %exp3A = math.exp %sub3A_105 : vector<1x16xf32>
    %mul3A_106 = arith.mulf %get3A_104, %exp3A : vector<1x16xf32>
    %sub3A_107 = vector.broadcast %max3A_101 : vector<1x16xf32> to vector<5000x16xf32>
    %sub3A_108 = arith.subf %add3A_89, %sub3A_107 : vector<5000x16xf32>
    %exp3A_109 = math.exp %sub3A_108 : vector<5000x16xf32>
    %reduce_sum3A = arith.constant dense<0.000000e+00> : vector<16xf32>
    %reduce_sum3A_110 = vector.multi_reduction <add>, %exp3A_109, %reduce_sum3A [0] : vector<5000x16xf32> to vector<16xf32>
    %broadcast_in_dim3A_111 = vector.shape_cast %reduce_sum3A_110 : vector<16xf32> to vector<1x16xf32>
    %add3A_112 = arith.addf %mul3A_106, %broadcast_in_dim3A_111 : vector<1x16xf32>
    %swap3A_113 = arith.constant 0 : index
    %swap3A_114 = arith.constant 0 : index
    %swap3A_115 = vector.load %arg18[%swap3A_113, %swap3A_114] : memref<1x16xf32, #tpu.memory_space<vmem>>, vector<1x16xf32>
    tpu.vector_store %arg18[%swap3A_113, %swap3A_114], %add3A_112 {strides = array<i32>} : memref<1x16xf32, #tpu.memory_space<vmem>>, vector<1x16xf32>,
    %swap3A_116 = arith.constant 0 : index
    %swap3A_117 = arith.constant 0 : index
    %swap3A_118 = vector.load %arg17[%swap3A_116, %swap3A_117] : memref<1x16xf32, #tpu.memory_space<vmem>>, vector<1x16xf32>
    tpu.vector_store %arg17[%swap3A_116, %swap3A_117], %max3A_101 {strides = array<i32>} : memref<1x16xf32, #tpu.memory_space<vmem>>, vector<1x16xf32>,
    return
  }
  func.func @transform_0(%arg0: i32) -> (i32, i32) {
    %c0_i32 = arith.constant 0 : i32
    %c0_i32_0 = arith.constant 0 : i32
    return %arg0, %c0_i32 : i32, i32
  }
  func.func @transform_1(%arg0: i32) -> (i32, i32) {
    %c0_i32 = arith.constant 0 : i32
    %c0_i32_0 = arith.constant 0 : i32
    return %arg0, %c0_i32 : i32, i32
  }
  func.func @transform_2(%arg0: i32) -> (i32, i32) {
    %c0_i32 = arith.constant 0 : i32
    %c0_i32_0 = arith.constant 0 : i32
    return %arg0, %c0_i32 : i32, i32
  }
  func.func @transform_3(%arg0: i32) -> (i32, i32) {
    %c0_i32 = arith.constant 0 : i32
    %c0_i32_0 = arith.constant 0 : i32
    %c0_i32_1 = arith.constant 0 : i32
    return %c0_i32, %c0_i32_0 : i32, i32
  }
  func.func @transform_4(%arg0: i32) -> (i32, i32) {
    %c0_i32 = arith.constant 0 : i32
    %c0_i32_0 = arith.constant 0 : i32
    %c0_i32_1 = arith.constant 0 : i32
    return %c0_i32, %c0_i32_0 : i32, i32
  }
  func.func @transform_5(%arg0: i32) -> (i32, i32) {
    %c0_i32 = arith.constant 0 : i32
    %c0_i32_0 = arith.constant 0 : i32
    %c0_i32_1 = arith.constant 0 : i32
    return %c0_i32, %c0_i32_0 : i32, i32
  }
  func.func @transform_6(%arg0: i32) -> (i32, i32) {
    %c0_i32 = arith.constant 0 : i32
    %c0_i32_0 = arith.constant 0 : i32
    %c0_i32_1 = arith.constant 0 : i32
    return %c0_i32, %c0_i32_0 : i32, i32
  }
  func.func @transform_7(%arg0: i32) -> (i32, i32) {
    %c0_i32 = arith.constant 0 : i32
    %c0_i32_0 = arith.constant 0 : i32
    %c0_i32_1 = arith.constant 0 : i32
    return %c0_i32, %c0_i32_0 : i32, i32
  }
  func.func @transform_8(%arg0: i32) -> (i32, i32) {
    %c0_i32 = arith.constant 0 : i32
    %c0_i32_0 = arith.constant 0 : i32
    %c0_i32_1 = arith.constant 0 : i32
    return %c0_i32, %c0_i32_0 : i32, i32
  }
  func.func @transform_9(%arg0: i32) -> (i32, i32) {
    %c0_i32 = arith.constant 0 : i32
    %c0_i32_0 = arith.constant 0 : i32
    %c0_i32_1 = arith.constant 0 : i32
    return %c0_i32, %c0_i32_0 : i32, i32
  }
  func.func @transform_10(%arg0: i32) -> (i32, i32) {
    %c0_i32 = arith.constant 0 : i32
    %c0_i32_0 = arith.constant 0 : i32
    %c0_i32_1 = arith.constant 0 : i32
    return %c0_i32, %c0_i32_0 : i32, i32
  }
  func.func @transform_11(%arg0: i32) -> (i32, i32) {
    %c0_i32 = arith.constant 0 : i32
    %c0_i32_0 = arith.constant 0 : i32
    %c0_i32_1 = arith.constant 0 : i32
    return %c0_i32, %c0_i32_0 : i32, i32
  }
  func.func @transform_12(%arg0: i32) -> (i32, i32) {
    %c0_i32 = arith.constant 0 : i32
    %c0_i32_0 = arith.constant 0 : i32
    %c0_i32_1 = arith.constant 0 : i32
    return %c0_i32, %c0_i32_0 : i32, i32
  }
  func.func @transform_13(%arg0: i32) -> (i32, i32) {
    %c0_i32 = arith.constant 0 : i32
    %c0_i32_0 = arith.constant 0 : i32
    %c0_i32_1 = arith.constant 0 : i32
    return %c0_i32, %c0_i32_0 : i32, i32
  }
  func.func @transform_14(%arg0: i32) -> (i32, i32) {
    %c0_i32 = arith.constant 0 : i32
    %c0_i32_0 = arith.constant 0 : i32
    return %arg0, %c0_i32 : i32, i32
  }
  func.func @transform_15(%arg0: i32) -> (i32, i32, i32) {
    %c0_i32 = arith.constant 0 : i32
    %c0_i32_0 = arith.constant 0 : i32
    %c0_i32_1 = arith.constant 0 : i32
    return %arg0, %c0_i32, %c0_i32_0 : i32, i32, i32
  }
  func.func @transform_16(%arg0: i32) -> (i32, i32) {
    %c0_i32 = arith.constant 0 : i32
    %c0_i32_0 = arith.constant 0 : i32
    %c0_i32_1 = arith.constant 0 : i32
    return %c0_i32, %c0_i32_0 : i32, i32
  }
  func.func @transform_17(%arg0: i32) -> (i32, i32) {
    %c0_i32 = arith.constant 0 : i32
    %c0_i32_0 = arith.constant 0 : i32
    %c0_i32_1 = arith.constant 0 : i32
    return %c0_i32, %c0_i32_0 : i32, i32
  }
}

module attributes {stable_mosaic.version = 14 : i64} {
  func.func @_node_core_body(%arg0: memref<1250x128xf32, #tpu.memory_space<vmem>>, %arg1: memref<1250x128xf32, #tpu.memory_space<vmem>>, %arg2: memref<1250x128xf32, #tpu.memory_space<vmem>>, %arg3: memref<128x128xf32, #tpu.memory_space<vmem>>, %arg4: memref<128x128xf32, #tpu.memory_space<vmem>>, %arg5: memref<1x128xf32, #tpu.memory_space<vmem>>, %arg6: memref<1x128xf32, #tpu.memory_space<vmem>>, %arg7: memref<1x128xf32, #tpu.memory_space<vmem>>, %arg8: memref<128x128xf32, #tpu.memory_space<vmem>>, %arg9: memref<128x16xf32, #tpu.memory_space<vmem>>, %arg10: memref<1x16xf32, #tpu.memory_space<vmem>>, %arg11: memref<16x1250xf32, #tpu.memory_space<vmem>>, %arg12: memref<1x16xf32, #tpu.memory_space<vmem>>, %arg13: memref<1x16xf32, #tpu.memory_space<vmem>>) attributes {dimension_semantics = [], scalar_prefetch = 0 : i64, scratch_operands = 0 : i64, tpu.core_type = #tpu.core_type<tc>} {
    %get3A = arith.constant 0 : index
    %get3A_0 = arith.constant 0 : index
    %get3A_1 = vector.load %arg1[%get3A, %get3A_0] : memref<1250x128xf32, #tpu.memory_space<vmem>>, vector<1250x128xf32>
    %get3A_2 = arith.constant 0 : index
    %get3A_3 = arith.constant 0 : index
    %get3A_4 = vector.load %arg2[%get3A_2, %get3A_3] : memref<1250x128xf32, #tpu.memory_space<vmem>>, vector<1250x128xf32>
    %add3A = arith.addf %get3A_1, %get3A_4 : vector<1250x128xf32>
    %get3A_5 = arith.constant 0 : index
    %get3A_6 = arith.constant 0 : index
    %get3A_7 = vector.load %arg0[%get3A_5, %get3A_6] : memref<1250x128xf32, #tpu.memory_space<vmem>>, vector<1250x128xf32>
    %get3A_8 = arith.constant 0 : index
    %get3A_9 = arith.constant 0 : index
    %get3A_10 = vector.load %arg3[%get3A_8, %get3A_9] : memref<128x128xf32, #tpu.memory_space<vmem>>, vector<128x128xf32>
    %dot_general3A = arith.constant dense<0.000000e+00> : vector<1250x128xf32>
    %dot_general3A_11 = tpu.matmul %get3A_7, %get3A_10, %dot_general3A {dimension_numbers = #tpu.dot_dimension_numbers<[1], [0], [0], [1], [0, 0, 1, 1], [], []>, transpose_lhs_hint = false} : vector<1250x128xf32>, vector<128x128xf32>, vector<1250x128xf32> -> vector<1250x128xf32>
    %get3A_12 = arith.constant 0 : index
    %get3A_13 = arith.constant 0 : index
    %get3A_14 = vector.load %arg4[%get3A_12, %get3A_13] : memref<128x128xf32, #tpu.memory_space<vmem>>, vector<128x128xf32>
    %dot_general3A_15 = arith.constant dense<0.000000e+00> : vector<1250x128xf32>
    %dot_general3A_16 = tpu.matmul %add3A, %get3A_14, %dot_general3A_15 {dimension_numbers = #tpu.dot_dimension_numbers<[1], [0], [0], [1], [0, 0, 1, 1], [], []>, transpose_lhs_hint = false} : vector<1250x128xf32>, vector<128x128xf32>, vector<1250x128xf32> -> vector<1250x128xf32>
    %add3A_17 = arith.addf %dot_general3A_11, %dot_general3A_16 : vector<1250x128xf32>
    %get3A_18 = arith.constant 0 : index
    %get3A_19 = arith.constant 0 : index
    %get3A_20 = vector.load %arg5[%get3A_18, %get3A_19] : memref<1x128xf32, #tpu.memory_space<vmem>>, vector<1x128xf32>
    %add3A_21 = vector.broadcast %get3A_20 : vector<1x128xf32> to vector<1250x128xf32>
    %add3A_22 = arith.addf %add3A_17, %add3A_21 : vector<1250x128xf32>
    %get3A_23 = arith.constant 0 : index
    %get3A_24 = arith.constant 0 : index
    %get3A_25 = vector.load %arg6[%get3A_23, %get3A_24] : memref<1x128xf32, #tpu.memory_space<vmem>>, vector<1x128xf32>
    %get3A_26 = arith.constant 0 : index
    %get3A_27 = arith.constant 0 : index
    %get3A_28 = vector.load %arg7[%get3A_26, %get3A_27] : memref<1x128xf32, #tpu.memory_space<vmem>>, vector<1x128xf32>
    %get3A_29 = arith.constant 0 : index
    %get3A_30 = arith.constant 0 : index
    %get3A_31 = vector.load %arg8[%get3A_29, %get3A_30] : memref<128x128xf32, #tpu.memory_space<vmem>>, vector<128x128xf32>
    %dot_general3A_32 = arith.constant dense<0.000000e+00> : vector<1250x128xf32>
    %dot_general3A_33 = tpu.matmul %add3A_22, %get3A_31, %dot_general3A_32 {dimension_numbers = #tpu.dot_dimension_numbers<[1], [0], [0], [1], [0, 0, 1, 1], [], []>, transpose_lhs_hint = false} : vector<1250x128xf32>, vector<128x128xf32>, vector<1250x128xf32> -> vector<1250x128xf32>
    %sub3A = arith.subf %add3A_22, %dot_general3A_33 : vector<1250x128xf32>
    %mul3A = arith.mulf %sub3A, %sub3A : vector<1250x128xf32>
    %dot_general3A_34 = arith.constant dense<0.000000e+00> : vector<1250x128xf32>
    %dot_general3A_35 = tpu.matmul %mul3A, %get3A_31, %dot_general3A_34 {dimension_numbers = #tpu.dot_dimension_numbers<[1], [0], [0], [1], [0, 0, 1, 1], [], []>, transpose_lhs_hint = false} : vector<1250x128xf32>, vector<128x128xf32>, vector<1250x128xf32> -> vector<1250x128xf32>
    %add3A_36 = arith.constant 9.99999974E-6 : f32
    %add3A_37 = vector.broadcast %add3A_36 : f32 to vector<1250x128xf32>
    %add3A_38 = arith.addf %dot_general3A_35, %add3A_37 : vector<1250x128xf32>
    %rsqrt3A = math.rsqrt %add3A_38 : vector<1250x128xf32>
    %mul3A_39 = arith.mulf %sub3A, %rsqrt3A : vector<1250x128xf32>
    %mul3A_40 = vector.broadcast %get3A_25 : vector<1x128xf32> to vector<1250x128xf32>
    %mul3A_41 = arith.mulf %mul3A_39, %mul3A_40 : vector<1250x128xf32>
    %add3A_42 = vector.broadcast %get3A_28 : vector<1x128xf32> to vector<1250x128xf32>
    %add3A_43 = arith.addf %mul3A_41, %add3A_42 : vector<1250x128xf32>
    %max3A = arith.constant 0.000000e+00 : f32
    %max3A_44 = vector.broadcast %max3A : f32 to vector<1250x128xf32>
    %max3A_45 = arith.maximumf %add3A_43, %max3A_44 : vector<1250x128xf32>
    %get3A_46 = arith.constant 0 : index
    %get3A_47 = arith.constant 0 : index
    %get3A_48 = vector.load %arg9[%get3A_46, %get3A_47] : memref<128x16xf32, #tpu.memory_space<vmem>>, vector<128x16xf32>
    %dot_general3A_49 = arith.constant dense<0.000000e+00> : vector<1250x16xf32>
    %dot_general3A_50 = tpu.matmul %max3A_45, %get3A_48, %dot_general3A_49 {dimension_numbers = #tpu.dot_dimension_numbers<[1], [0], [0], [1], [0, 0, 1, 1], [], []>, transpose_lhs_hint = false} : vector<1250x128xf32>, vector<128x16xf32>, vector<1250x16xf32> -> vector<1250x16xf32>
    %get3A_51 = arith.constant 0 : index
    %get3A_52 = arith.constant 0 : index
    %get3A_53 = vector.load %arg10[%get3A_51, %get3A_52] : memref<1x16xf32, #tpu.memory_space<vmem>>, vector<1x16xf32>
    %add3A_54 = vector.broadcast %get3A_53 : vector<1x16xf32> to vector<1250x16xf32>
    %add3A_55 = arith.addf %dot_general3A_50, %add3A_54 : vector<1250x16xf32>
    %transpose3A = tpu.transpose %add3A_55, [1, 0] : vector<1250x16xf32> -> vector<16x1250xf32>
    %swap3A = arith.constant 0 : index
    %swap3A_56 = arith.constant 0 : index
    %swap3A_57 = vector.load %arg11[%swap3A, %swap3A_56] : memref<16x1250xf32, #tpu.memory_space<vmem>>, vector<16x1250xf32>
    tpu.vector_store %arg11[%swap3A, %swap3A_56], %transpose3A {strides = array<i32>} : memref<16x1250xf32, #tpu.memory_space<vmem>>, vector<16x1250xf32>,
    %reduce_max3A = arith.constant dense<0xFF800000> : vector<16xf32>
    %reduce_max3A_58 = vector.multi_reduction <maximumf>, %add3A_55, %reduce_max3A [0] : vector<1250x16xf32> to vector<16xf32>
    %broadcast_in_dim3A = vector.shape_cast %reduce_max3A_58 : vector<16xf32> to vector<1x16xf32>
    %swap3A_59 = arith.constant 0 : index
    %swap3A_60 = arith.constant 0 : index
    %swap3A_61 = vector.load %arg12[%swap3A_59, %swap3A_60] : memref<1x16xf32, #tpu.memory_space<vmem>>, vector<1x16xf32>
    tpu.vector_store %arg12[%swap3A_59, %swap3A_60], %broadcast_in_dim3A {strides = array<i32>} : memref<1x16xf32, #tpu.memory_space<vmem>>, vector<1x16xf32>,
    %sub3A_62 = vector.broadcast %broadcast_in_dim3A : vector<1x16xf32> to vector<1250x16xf32>
    %sub3A_63 = arith.subf %add3A_55, %sub3A_62 : vector<1250x16xf32>
    %exp3A = math.exp %sub3A_63 : vector<1250x16xf32>
    %reduce_sum3A = arith.constant dense<0.000000e+00> : vector<16xf32>
    %reduce_sum3A_64 = vector.multi_reduction <add>, %exp3A, %reduce_sum3A [0] : vector<1250x16xf32> to vector<16xf32>
    %broadcast_in_dim3A_65 = vector.shape_cast %reduce_sum3A_64 : vector<16xf32> to vector<1x16xf32>
    %swap3A_66 = arith.constant 0 : index
    %swap3A_67 = arith.constant 0 : index
    %swap3A_68 = vector.load %arg13[%swap3A_66, %swap3A_67] : memref<1x16xf32, #tpu.memory_space<vmem>>, vector<1x16xf32>
    tpu.vector_store %arg13[%swap3A_66, %swap3A_67], %broadcast_in_dim3A_65 {strides = array<i32>} : memref<1x16xf32, #tpu.memory_space<vmem>>, vector<1x16xf32>,
    return
  }
}

</mosaic_0001>

<sc_bundles>
// kernel: kernel.10.cloned.1.call-start
scs
__scs_entry_jumppad:
0x0: {  	(pc) =	sbr.rel $0x88, $3  }
0x1: {  	(tag) =	ssettag $0x0;
	lr =	simm.s32 $0x1  }
0x2: {  	[smem:$0x3F85] =	sst lr;
	_ =	strace $0xD0000000  }
0x3: {  	_ = 	snop  }
0x4: {  	_ = 	snop  }
0x5: {  	_ = 	snop  }
0x6: {  	_ = 	snop  }
0x7: {  	_ = 	snop  }
__scs_overlays_trampoline_lowered:
0x8: {  	[smem:$0x3F94] =	sst s0  }
0x9: {  	[smem:$0x3F95] =	sst s1  }
0xa: {  	[smem:$0x3F96] =	sst s2  }
0xb: {  	[smem:$0x3F97] =	sst s3  }
0xc: {  	[smem:$0x3F98] =	sst s4  }
0xd: {  	[smem:$0x3F99] =	sst s5  }
0xe: {  	[smem:$0x3F9A] =	sst s6  }
0xf: {  	[smem:$0x3F9B] =	sst s7  }
0x10: {  	[smem:$0x3F9C] =	sst s8  }
0x11: {  	[smem:$0x3F9D] =	sst s9;
	s0 =	simm.s32 @!p0 $0x0  }
0x12: {  	s1 =	sld [smem:$0x3F83];
	s0 =	simm.s32 @p0 $0x1  }
0x13: {  	[smem:$0x3F9E] =	sst s0;
	s0 =	simm.s32 @!p1 $0x0  }
0x14: {  	s2 =	sld [smem:$0x3F82];
	s0 =	simm.s32 @p1 $0x1  }
0x15: {  	[smem:$0x3F9F] =	sst s0;
	s0 =	simm.s32 @!p2 $0x0  }
0x16: {  	s3 =	sld [smem:$0x3FDB];
	s0 =	simm.s32 @p2 $0x1  }
0x17: {  	s4 =	simm.s32 $0x1BF5;
	[smem:$0x3FA1] =	sst s0  }
0x18: {  	s0 =	sld [smem:$0x3F84];
	_ =	swait.ge [sflag:s4], $0x0  }
0x19: {  	s7 =	sld [smem:$0x3F85]  }
0x1a: {  	s8 =	sadd.s32 $0xFFFFE003, lr  }
0x1b: {  	s9 =	sadd.s32 $0xFFFFFEF7, lr;
	s5 =	simm.s32 $0xFFFFFFFF;
	p2 =	slt.u32 s8, $0xFFFFF086  }
0x1c: {  	p1 =	slt.u32 s9, $0xF7A;
	s5 =	simm.s32 @!p2 $0x0  }
0x1d: {  	s5 =	simm.s32 @p1 $0x1;
	p0 =	seq.s32 s7, s2  }
0x1e: {  	s7 =	smul.u32 @!p0 $0xF7A, s2;
	p2 =	seq.s32 @!p0 s5, $0x0  }
0x1f: {  	s9 =	smul.u32 $0xF7A, s1;
	s8 =	simm.s32 @!p0 $0x1BF5;
	p2 =	por !p2, p0  }
0x20: {  	[sflag:s8] =	ssyncset.s32 @!p0 $0xFFFFF086;
	s6 =	sadd.s32 @!p0 s3, s7;
	s7 =	simm.s32 @!p0 $0x108  }
0x21: {  	s3 =	sadd.s32 s3, s9;
	s6 =	sadd.s32 @!p0 $0x88, s6;
	s7 =	simm.s32 @p2 $0x1082  }
0x22: {  	[simem:s7], [sflag:s8] =	dma.local @!p0 [hbm:s6], $0xF7A  }
0x23: {  	s9 =	sor.u32 $0xD0000000, s2;
	s6 =	simm.s32 $0x108;
	_ =	swait.ge @!p0 [sflag:s8], $0x0  }
0x24: {  	s3 =	sadd.s32 $0x88, s3;
	s6 =	simm.s32 @!p1 $0x1082;
	[sflag:s4] =	ssyncset.s32 $0xFFFFF086  }
0x25: {  	[simem:s6], [sflag:s4] =	dma.local [hbm:s3], $0xF7A  }
0x26: {  	[smem:$0x3F85] =	sst s1;
	(tag) =	ssettag s2;
	_ =	strace s9  }
0x27: {  	s1 =	sld [smem:$0x3F95]  }
0x28: {  	s2 =	sld [smem:$0x3F96]  }
0x29: {  	s4 =	sld [smem:$0x3F98]  }
0x2a: {  	p0 =	seq.s32 s5, $0x0;
	s5 =	sld [smem:$0x3F99]  }
0x2b: {  	s6 =	sld [smem:$0x3F9A]  }
0x2c: {  	s7 =	sld [smem:$0x3F9B]  }
0x2d: {  	s3 =	simm.s32 $0x108;
	s8 =	sld [smem:$0x3F9C]  }
0x2e: {  	s3 =	simm.s32 @!p0 $0x1082;
	s9 =	sld [smem:$0x3F9D]  }
0x2f: {  	lr =	sadd.s32 s0, s3;
	s0 =	sld [smem:$0x3F94]  }
0x30: {  	s3 =	sld [smem:$0x3F97]  }
0x31: {  	[smem:$0x3FA0] =	sst s10  }
0x32: {  	s10 =	sld [smem:$0x3F9E];
	_ =	sdelay $0x3  }
0x33: {  	p0 =	seq.s32 s10, $0x1;
	s10 =	sld [smem:$0x3FA0];
	_ =	sdelay $0x3  }
0x34: {  	[smem:$0x3FA0] =	sst s10  }
0x35: {  	s10 =	sld [smem:$0x3F9F];
	_ =	sdelay $0x3  }
0x36: {  	p1 =	seq.s32 s10, $0x1;
	s10 =	sld [smem:$0x3FA0];
	_ =	sdelay $0x3  }
0x37: {  	[smem:$0x3FA0] =	sst s10  }
0x38: {  	s10 =	sld [smem:$0x3FA1]  }
0x39: {  	_ = 	snop;
	(pc) =	sbr.ind lr, $3  }
0x3a: {  	_ = 	snop  }
0x3b: {  	_ = 	snop  }
0x3c: {  	p2 =	seq.s32 s10, $0x1;
	s10 =	sld [smem:$0x3FA0]  }
0x3d: {  	_ =	shalt  }
0x3e: {  	_ =	shalt  }
0x3f: {  	_ =	shalt  }
0x40: {  	_ =	shalt  }
0x41: {  	_ =	shalt  }
0x42: {  	_ =	shalt  }
0x43: {  	_ =	shalt  }
0x44: {  	_ =	shalt  }
0x45: {  	_ =	shalt  }
0x46: {  	_ =	shalt  }
0x47: {  	_ =	shalt  }
0x48: {  	_ =	shalt  }
0x49: {  	_ =	shalt  }
0x4a: {  	_ =	shalt  }
0x4b: {  	_ =	shalt  }
0x4c: {  	_ =	shalt  }
0x4d: {  	_ =	shalt  }
0x4e: {  	_ =	shalt  }
0x4f: {  	_ =	shalt  }
0x50: {  	_ =	shalt  }
0x51: {  	_ =	shalt  }
0x52: {  	_ =	shalt  }
0x53: {  	_ =	shalt  }
0x54: {  	_ =	shalt  }
0x55: {  	_ =	shalt  }
0x56: {  	_ =	shalt  }
0x57: {  	_ =	shalt  }
0x58: {  	_ =	shalt  }
0x59: {  	_ =	shalt  }
0x5a: {  	_ =	shalt  }
0x5b: {  	_ =	shalt  }
0x5c: {  	_ =	shalt  }
0x5d: {  	_ =	shalt  }
0x5e: {  	_ =	shalt  }
0x5f: {  	_ =	shalt  }
0x60: {  	_ =	shalt  }
0x61: {  	_ =	shalt  }
0x62: {  	_ =	shalt  }
0x63: {  	_ =	shalt  }
0x64: {  	_ =	shalt  }
0x65: {  	_ =	shalt  }
0x66: {  	_ =	shalt  }
0x67: {  	_ =	shalt  }
0x68: {  	_ =	shalt  }
0x69: {  	_ =	shalt  }
0x6a: {  	_ =	shalt  }
0x6b: {  	_ =	shalt  }
0x6c: {  	_ =	shalt  }
0x6d: {  	_ =	shalt  }
0x6e: {  	_ =	shalt  }
0x6f: {  	_ =	shalt  }
0x70: {  	_ =	shalt  }
0x71: {  	_ =	shalt  }
0x72: {  	_ =	shalt  }
0x73: {  	_ =	shalt  }
0x74: {  	_ =	shalt  }
0x75: {  	_ =	shalt  }
0x76: {  	_ =	shalt  }
0x77: {  	_ =	shalt  }
0x78: {  	_ =	shalt  }
0x79: {  	_ =	shalt  }
0x7a: {  	_ =	shalt  }
0x7b: {  	_ =	shalt  }
0x7c: {  	_ =	shalt  }
0x7d: {  	_ =	shalt  }
0x7e: {  	_ =	shalt  }
0x7f: {  	_ =	shalt  }
0x80: {  	_ =	shalt  }
0x81: {  	_ =	shalt  }
0x82: {  	_ =	shalt  }
0x83: {  	_ =	shalt  }
0x84: {  	_ =	shalt  }
0x85: {  	_ =	shalt  }
0x86: {  	_ =	shalt  }
0x87: {  	_ =	shalt  }
.Lfunc_end0:
.L_simem_size_0:
called_computation.1_lowered:
.L_overlay_start_0:
0x88: {  	s2 =	sld [smem:$0x3FD9]  }
0x89: {  	s3 =	sld [smem:$0x3FFE];
	_ =	sdelay $0x1  }
0x8a: {  	s1 =	srdreg.scid  }
0x8b: {  	s0 =	sand.u32 $0x1, s1  }
0x8c: {  	s16 =	sshll.u32 s0, $0xA;
	s2 =	sadd.s32 s3, s2  }
0x8d: {  	s2 =	sadd.s32 s2, s16  }
0x8e: {  	[smem:$0x3FAC] =	sst s2  }
0x8f: {  	_ = 	snop  }
0x90: {  	(tm) =	ssettm $0x1  }
0x91: {  	s17 =	sld [smem:$0x3FFB];
	_ =	sdelay $0x3  }
0x92: {  	_ =	strace s17  }
0x93: {  	s2 =	sld [smem:$0x3FFC];
	_ =	sdelay $0x3  }
0x94: {  	_ =	strace s2  }
0x95: {  	s2 =	sld [smem:$0x3FFD];
	_ =	sdelay $0x3  }
0x96: {  	_ =	strace s2  }
0x97: {  	_ =	strace $0x8FFFFFFF  }
0x98: {  	s18 =	sld [smem:$0x3FDB];
	_ =	sdelay $0x1  }
0x99: {  	s19 =	simm.s32 $_scs_section_size  }
0x9a: {  	s4 =	simm.s32 $_size__tile_overlayer_lowered;
	s5 =	simm.s32 $_tile_overlayer_lowered  }
0x9b: {  	s22 =	simm.s32 $0x1BFF;
	s21 =	sshll.u32 s5, $0x1;
	s2 =	sadd.s32 s19, s18  }
0x9c: {  	s6 =	simm.s32 $0x0;
	s20 =	sshll.u32 s4, $0x1;
	s4 =	sadd.s32 s21, s2  }
0x9d: {  	[timem:s6], [sflag:s22] =	dma.local [hbm:s4], s20  }
0x9e: {  	_ =	swait.ge [sflag:s22], s20  }
0x9f: {  	s3 =	ssub.s32 $0x0, s20;
	[sflag:s22] =	ssyncset.done $0x0  }
0xa0: {  	[sflag:s22] =	ssyncadd.s32 s3;
	_ =	sdelay $0x1  }
0xa1: {  	s23 =	simm.s32 $0x1B8B  }
0xa2: {  	_ =	swait.ge [sflag:s23], $0x1  }
0xa3: {  	[sflag:s23] =	ssyncset.done $0x0  }
0xa4: {  	s25 =	simm.s32 $0x1B8E;
	s24 =	sld [smem:$0x3FFE];
	[sflag:s23] =	ssyncadd.s32 $0xFFFFFFFF  }
0xa5: {  	s26 =	simm.s32 $execute0_lowered;
	[smem:$0x3FD2] =	sst s25  }
0xa6: {  	s4 =	sshll.u32 s26, $0x1;
	_ =	strace $0x80000049;
	[dreg:$0x1] =	wrdreg $0xFFFFFFFF  }
0xa7: {  	s28 =	simm.s32 $_size_execute0_lowered;
	s2 =	sadd.s32 s2, s4;
	[dreg:$0x0] =	wrdreg $0x0  }
0xa8: {  	s4 =	sshll.u32 s28, $0x1;
	[dreg:$0x2] =	wrdreg s2  }
0xa9: {  	[dreg:$0x3] =	wrdreg s4  }
0xaa: {  	[dreg:$0x4] =	wrdreg $0xC0  }
0xab: {  	_ =	task [dreg:s6], $0x5FFFF  }
0xac: {  	[dreg:$0x1] =	wrdreg $0xFFFFFFFF  }
0xad: {  	[dreg:$0x0] =	wrdreg $0x60  }
0xae: {  	[dreg:$0x2] =	wrdreg s24  }
0xaf: {  	[dreg:$0x3] =	wrdreg $0xABE00  }
0xb0: {  	[dreg:$0x4] =	wrdreg $0x9  }
0xb1: {  	_ =	task.clear_ibuf [dreg:s6], $0x5FFFF;
	_ =	strace $0x90000049  }
0xb2: {  	s29 =	simm.s32 $0x9;
	_ =	strace $0x8000004B  }
0xb3: {  	_ =	swait.ge [sflag:s29], $0x1  }
0xb4: {  	[sflag:s29] =	ssyncadd.s32 $0xFFFFFFFF  }
0xb5: {  	_ =	strace $0x9000004B  }
0xb6: {  	_ =	sfence  }
0xb7: {  	s30 =	sld [smem:$0x0];
	_ =	sdelay $0x2  }
0xb8: {  	s31 =	sshll.u32 s1, $0xD;
	s1 =	sshrl.u32 s1, $0x2  }
0xb9: {  	s3 =	sand.u32 $0x4000, s31;
	s1 =	sadd.s32 s1, s30  }
0xba: {  	s0 =	sor.u32 s3, s0;
	s1 =	sshll.u32 s1, $0x11  }
0xbb: {  	s0 =	sor.u32 s1, s0  }
0xbc: {  	s0 =	sadd.s32 $0x8F2B, s0  }
0xbd: {  	[sflag:s0] =	ssyncadd.remote.s32 $0x1  }
0xbe: {  	_ =	sfence.sel $0xFFFF  }
0xbf: {  	[dreg:$0x0] =	wrdreg $0xFFFFFFFF;
	(pc) =	sbr.abs _section_cstart, $3  }
0xc0: {  	[dreg:$0x1] =	wrdreg $0xFFFFFFFF  }
0xc1: {  	_ =	task.clear_ibuf [dreg:s6], $0x2FFFF;
	_ =	strace $0x9FFFFFFF  }
0xc2: {  	(tm) =	ssettm $0x7FFFFFFF  }
0xc3: {  	_ =	shalt  }
tec
execute0_lowered:
.L_overlay_start_1:
0x0: {  	(tag) =	ssettag $0x1  }
0x1: {  	s5 =	rddreg [dreg:$0x0]  }
0x2: {  	s1 =	rddreg [dreg:$0x1]  }
0x3: {  	s0 =	rddreg [dreg:$0x2];
	s3 =	simm.s32 $0x0;
	s2 =	srdreg.scid  }
0x4: {  	s16 =	simm.s32 $0x3;
	s17 =	simm.s32 $0x7D0;
	s18 =	simm.s32 $0x3E8  }
0x5: {  	s19 =	simm.s32 $0x4650;
	s20 =	simm.s32 $0x1;
	s7 =	sand.u32 $0x1, s2  }
0x6: {  	s21 =	simm.s32 $0x2;
	s2 =	stileid.u32;
	s6 =	smul.u32 $0x4E20, s7  }
0x7: {  	[smem:$0x7FF] =	sst s3;
	s13 =	sadd.s32 $0xAC00, s5;
	s8 =	smul.u32 $0x2710, s2  }
0x8: {  	_ =	strace $0x8000004A;
	s4 =	sshll.u32 s2, $0x1;
	s14 =	smul.u32 $0x4E20, s2  }
0x9: {  	s10 =	ssub.s32 $0x2, s7;
	s15 =	smul.u32 $0x2710, s7;
	s9 =	sor.u32 s7, s4  }
0xa: {  	s4 =	sadd.s32 $0xE00, s5;
	s26 =	sshrl.u32 s10, $0x1;
	s11 =	smul.u32 $0x2710, s9  }
0xb: {  	s12 =	sadd.s32 s6, s5;
	s9 =	smul.u32 $0x4E20, s9;
	s10 =	ssub.s32 s10, s26  }
0xc: {  	s5 =	sadd.s32 s8, s1;
	s23 =	sshrl.u32 s8, $0x3;
	s30 =	sadd.s32 s15, s14  }
0xd: {  	s15 =	simm.s32 $0x84D0;
	s22 =	sadd.s32 $0xA7000, s12;
	s8 =	smax.u32 s10, $0x1  }
0xe: {  	s14 =	sadd.s32 $0x3E8, s30;
	s10 =	sadd.s32 $0x7D0, s30;
	s28 =	sshrl.u32 s11, $0x3  }
0xf: {  	s7 =	sadd.s32 s13, s9;
	s11 =	sadd.s32 $0x2328, s11;
	s14 =	sshrl.u32 s14, $0x3  }
0x10: {  	s12 =	sshll.u32 s10, $0x1;
	s22 =	sadd.s32 s23, s22;
	s23 =	simm.s32 $0x0  }
0x11: {  	s6 =	sadd.s32 s4, s28;
	s29 =	sshrl.u32 s11, $0x3;
	s11 =	sshll.u32 s11, $0x1  }
0x12: {  	s31 =	sshll.u32 s14, $0x4;
	s12 =	sadd.s32 s12, s13;
	s14 =	sadd.s32 s14, s4  }
0x13: {  	v0 =	vimm.f32 $0.0e+00;
	s9 =	sadd.s32 s4, s29;
	s11 =	sadd.s32 s13, s11;
	s13 =	sadd.s32 s31, s13  }
.LBB2_1:
0x14: {  	s24 =	simm.s32 $0x40;
	s25 =	simm.s32 $0x0  }
.LBB2_2:
0x15: {  	p0 =	sne.s32 s24, $0x9C00;
	[tilespmem:s25+$0x84D0] =	vst v0;
	s25 =	smov.u32 s24;
	s24 =	sadd.s32 $0x40, s24  }
.Ltmp0:
0x16: {  	(pc) =	sbr.rel @p0 .LBB2_2-.Ltmp0, $2  }
0x17: {  	_ =	sdelay $0x2  }
0x18: {  	s25 =	sshra.s32 s25, $0x2  }
0x19: {  	[tilespmem:s25+$0x84D0] =	vst v0  }
0x1a: {  	[spmem:s5] =	stream.linear.scatter [tilespmem:s15], [sflag:$0x3], $0x2710, $0x38;
	[tilespmem:$0xD2F0] =	vst v63  }
0x1b: {  	_ =	swait.ge [sflag:s16], $0x2710  }
0x1c: {  	[sflag:s16] =	ssyncset.done $0x0  }
0x1d: {  	[sflag:s16] =	ssyncadd.s32 $0xFFFFD8F0  }
0x1e: {  	s24 =	simm.s32 $0x0;
	[bflag:$0x0] =	sbarrier.arrive $0xFFFF  }
0x1f: {  	[tilespmem:s24], [sflag:$0x3] =	stream.linear.gather [hbm4b:s6+s24], $0x3E8, $0x38;
	[tilespmem:$0xD2F0] =	vst v63  }
0x20: {  	_ =	swait.ge [sflag:s16], $0x3E8  }
0x21: {  	[sflag:s16] =	ssyncset.done $0x0  }
0x22: {  	[sflag:s16] =	ssyncadd.s32 $0xFFFFFC18  }
0x23: {  	[tilespmem:s17], [sflag:$0x1] =	stream.linear.gather [hbm4b:s7+s24], $0x3E80, $0x38;
	[tilespmem:$0xD2F0] =	vst v63  }
0x24: {  	_ = 	snop  }
0x25: {  	[tilespmem:s18], [sflag:$0x3] =	stream.linear.gather [hbm4b:s14+s3], $0x3E8, $0x38;
	[tilespmem:$0xD2F0] =	vst v63  }
0x26: {  	_ =	swait.ge [sflag:s16], $0x3E8  }
0x27: {  	[sflag:s16] =	ssyncset.done $0x0  }
0x28: {  	s29 =	sadd.s32 $0x0, s13;
	[sflag:s16] =	ssyncadd.s32 $0xFFFFFC18  }
0x29: {  	[tilespmem:s19], [sflag:$0x2] =	stream.linear.gather [hbm4b:s29+s3], $0x3E80, $0x38;
	[tilespmem:$0xD2F0] =	vst v63  }
0x2a: {  	_ =	swait.ge [sflag:s20], $0x3E80  }
0x2b: {  	[sflag:s20] =	ssyncset.done $0x0  }
0x2c: {  	[sflag:s20] =	ssyncadd.s32 $0xFFFFC180  }
0x2d: {  	[spmem:s1] =	stream.indirect.scatter.add.f32 [tilespmem:s17], [sflag:$0x3], $0x10, s3, s18, $0xb8;
	[tilespmem:$0xD2F0] =	vst v63  }
0x2e: {  	_ =	swait.ge [sflag:s16], $0x3E80  }
0x2f: {  	s30 =	sshrl.u32 s10, $0x3;
	[sflag:s16] =	ssyncset.done $0x0  }
0x30: {  	s24 =	sadd.s32 s4, s30;
	[sflag:s16] =	ssyncadd.s32 $0xFFFFC180  }
0x31: {  	[tilespmem:s3], [sflag:$0x3] =	stream.linear.gather [hbm4b:s24+s3], $0x3E8, $0x38;
	[tilespmem:$0xD2F0] =	vst v63  }
0x32: {  	_ =	swait.ge [sflag:s16], $0x3E8  }
0x33: {  	[sflag:s16] =	ssyncset.done $0x0  }
0x34: {  	s31 =	sadd.s32 $0x0, s12;
	[sflag:s16] =	ssyncadd.s32 $0xFFFFFC18  }
0x35: {  	[tilespmem:s17], [sflag:$0x1] =	stream.linear.gather [hbm4b:s31+s3], $0x3E80, $0x38;
	[tilespmem:$0xD2F0] =	vst v63  }
0x36: {  	_ =	swait.ge [sflag:s21], $0x3E80  }
0x37: {  	[sflag:s21] =	ssyncset.done $0x0  }
0x38: {  	[sflag:s21] =	ssyncadd.s32 $0xFFFFC180  }
0x39: {  	[spmem:s1] =	stream.indirect.scatter.add.f32 [tilespmem:s19], [sflag:$0x3], $0x10, s18, s18, $0xb8;
	[tilespmem:$0xD2F0] =	vst v63  }
0x3a: {  	s25 =	smov.u32 s10;
	_ =	swait.ge [sflag:s16], $0x3E80  }
0x3b: {  	s26 =	smov.u32 s14;
	s24 =	simm.s32 $0xFA0;
	[sflag:s16] =	ssyncset.done $0x0  }
.LBB2_4:
0x3c: {  	[sflag:s16] =	ssyncadd.s32 $0xFFFFC180  }
0x3d: {  	s25 =	sadd.s32 $0x7D0, s25;
	s26 =	sadd.s32 $0xFA, s26;
	s28 =	smov.u32 s24  }
0x3e: {  	[tilespmem:s18], [sflag:$0x3] =	stream.linear.gather [hbm4b:s26+s3], $0x3E8, $0x38;
	[tilespmem:$0xD2F0] =	vst v63  }
0x3f: {  	p0 =	sne.s32 s24, $0x2EE0;
	s24 =	sadd.s32 $0xFA0, s24;
	_ =	swait.ge [sflag:s16], $0x3E8  }
0x40: {  	[sflag:s16] =	ssyncset.done $0x0  }
0x41: {  	s29 =	sadd.s32 s28, s13;
	[sflag:s16] =	ssyncadd.s32 $0xFFFFFC18  }
0x42: {  	[tilespmem:s19], [sflag:$0x2] =	stream.linear.gather [hbm4b:s29+s3], $0x3E80, $0x38;
	[tilespmem:$0xD2F0] =	vst v63  }
0x43: {  	_ =	swait.ge [sflag:s20], $0x3E80  }
0x44: {  	[sflag:s20] =	ssyncset.done $0x0  }
0x45: {  	[sflag:s20] =	ssyncadd.s32 $0xFFFFC180  }
0x46: {  	[spmem:s1] =	stream.indirect.scatter.add.f32 [tilespmem:s17], [sflag:$0x3], $0x10, s3, s18, $0xb8;
	[tilespmem:$0xD2F0] =	vst v63  }
0x47: {  	_ =	swait.ge [sflag:s16], $0x3E80  }
0x48: {  	s29 =	sshrl.u32 s25, $0x3;
	[sflag:s16] =	ssyncset.done $0x0  }
0x49: {  	s29 =	sadd.s32 s4, s29;
	[sflag:s16] =	ssyncadd.s32 $0xFFFFC180  }
0x4a: {  	[tilespmem:s3], [sflag:$0x3] =	stream.linear.gather [hbm4b:s29+s3], $0x3E8, $0x38;
	[tilespmem:$0xD2F0] =	vst v63  }
0x4b: {  	_ =	swait.ge [sflag:s16], $0x3E8  }
0x4c: {  	[sflag:s16] =	ssyncset.done $0x0  }
0x4d: {  	s28 =	sadd.s32 s28, s12;
	[sflag:s16] =	ssyncadd.s32 $0xFFFFFC18  }
0x4e: {  	[tilespmem:s17], [sflag:$0x1] =	stream.linear.gather [hbm4b:s28+s3], $0x3E80, $0x38;
	[tilespmem:$0xD2F0] =	vst v63  }
0x4f: {  	_ =	swait.ge [sflag:s21], $0x3E80  }
.Ltmp1:
0x50: {  	[sflag:s21] =	ssyncset.done $0x0;
	(pc) =	sbr.rel @p0 .LBB2_4-.Ltmp1, $4  }
0x51: {  	[sflag:s21] =	ssyncadd.s32 $0xFFFFC180  }
0x52: {  	[spmem:s1] =	stream.indirect.scatter.add.f32 [tilespmem:s19], [sflag:$0x3], $0x10, s18, s18, $0xb8;
	[tilespmem:$0xD2F0] =	vst v63  }
0x53: {  	_ =	swait.ge [sflag:s16], $0x3E80  }
0x54: {  	[sflag:s16] =	ssyncset.done $0x0  }
0x55: {  	[sflag:s16] =	ssyncadd.s32 $0xFFFFC180  }
0x56: {  	[tilespmem:s18], [sflag:$0x3] =	stream.linear.gather [hbm4b:s9+s3], $0x3E8, $0x38;
	[tilespmem:$0xD2F0] =	vst v63  }
0x57: {  	_ =	swait.ge [sflag:s16], $0x3E8  }
0x58: {  	[sflag:s16] =	ssyncset.done $0x0  }
0x59: {  	[sflag:s16] =	ssyncadd.s32 $0xFFFFFC18  }
0x5a: {  	[tilespmem:s19], [sflag:$0x2] =	stream.linear.gather [hbm4b:s11+s3], $0x3E80, $0x38;
	[tilespmem:$0xD2F0] =	vst v63  }
0x5b: {  	_ =	swait.ge [sflag:s20], $0x3E80  }
0x5c: {  	[sflag:s20] =	ssyncset.done $0x0  }
0x5d: {  	[sflag:s20] =	ssyncadd.s32 $0xFFFFC180  }
0x5e: {  	[spmem:s1] =	stream.indirect.scatter.add.f32 [tilespmem:s17], [sflag:$0x3], $0x10, s3, s18, $0xb8;
	[tilespmem:$0xD2F0] =	vst v63  }
0x5f: {  	_ =	swait.ge [sflag:s16], $0x3E80  }
0x60: {  	[sflag:s16] =	ssyncset.done $0x0  }
0x61: {  	[sflag:s16] =	ssyncadd.s32 $0xFFFFC180  }
0x62: {  	_ =	swait.ge [sflag:s21], $0x3E80  }
0x63: {  	[sflag:s21] =	ssyncset.done $0x0  }
0x64: {  	[sflag:s21] =	ssyncadd.s32 $0xFFFFC180  }
0x65: {  	[spmem:s1] =	stream.indirect.scatter.add.f32 [tilespmem:s19], [sflag:$0x3], $0x10, s18, s18, $0xb8;
	[tilespmem:$0xD2F0] =	vst v63  }
0x66: {  	_ =	swait.ge [sflag:s16], $0x3E80  }
0x67: {  	[sflag:s16] =	ssyncset.done $0x0  }
0x68: {  	[sflag:s16] =	ssyncadd.s32 $0xFFFFC180  }
0x69: {  	[bflag:$0x0] =	sbarrier.arrive $0xFFFF  }
0x6a: {  	[tilespmem:s15], [sflag:$0x3] =	stream.linear.gather [spmem:s5], $0x2710, $0x38;
	[tilespmem:$0xD2F0] =	vst v63  }
0x6b: {  	s23 =	sadd.s32 $0x1, s23;
	_ =	swait.ge [sflag:s16], $0x2710  }
0x6c: {  	p0 =	sne.s32 s23, s8;
	[sflag:s16] =	ssyncset.done $0x0  }
.Ltmp2:
0x6d: {  	[sflag:s16] =	ssyncadd.s32 $0xFFFFD8F0;
	(pc) =	sbr.rel @p0 .LBB2_1-.Ltmp2, $4  }
0x6e: {  	[hbm4b:s22+s3] =	stream.linear.scatter [tilespmem:s15], [sflag:$0x3], $0x2710, $0x38;
	[tilespmem:$0xD2F0] =	vst v63  }
0x6f: {  	_ =	swait.ge [sflag:s16], $0x2710  }
0x70: {  	[sflag:s16] =	ssyncset.done $0x0  }
0x71: {  	[sflag:s16] =	ssyncadd.s32 $0xFFFFD8F0  }
0x72: {  	_ =	sfence.sel $0x180000  }
0x73: {  	[bflag:$0x0] =	sbarrier.arrive $0xFFFF  }
0x74: {  	p0 =	sne.s32 s2, $0x0;
	_ =	strace $0x9000004A  }
0x75: {  	s0 =	sadd.s32 @!p0 $0x100000, s0;
	[bflag:$0x2] =	sbarrier.arrive $0xFFFF  }
0x76: {  	[sflag:s0] =	ssyncadd.tile.s32 @!p0 $0x1;
	_ =	shalt  }
.Lfunc_end2:
_tile_overlayer_lowered:
.L_overlay_start_2:
0x77: {  	(tag) =	ssettag $0x2  }
0x78: {  	s0 =	rddreg [dreg:$0x0];
	s2 =	stileid.u32  }
0x79: {  	s1 =	rddreg [dreg:$0x1];
	p0 =	sne.s32 s2, $0x0  }
0x7a: {  	s3 =	rddreg [dreg:$0x2];
	[bflag:$0x3] =	sbarrier.arrive $0xFFFF;
	s2 =	simm.s32 @!p0 $0x1C03  }
0x7b: {  	[timem:s3], [sflag:s2] =	dma.local @!p0 [hbm:s0], s1  }
0x7c: {  	s0 =	simm.s32 @!p0 $0x3  }
0x7d: {  	_ =	swait.ge @!p0 [sflag:s0], s1  }
0x7e: {  	s1 =	ssub.s32 @!p0 $0x0, s1;
	[sflag:s0] =	ssyncset.done @!p0 $0x0  }
0x7f: {  	[sflag:s0] =	ssyncadd.s32 @!p0 s1  }
0x80: {  	[bflag:$0x3] =	sbarrier.arrive $0xFFFF  }
0x81: {  	_ =	shalt  }

// kernel: kernel.7.cloned.1.call-start
scs
__scs_entry_jumppad:
0x0: {  	(pc) =	sbr.rel $0x88, $3  }
0x1: {  	(tag) =	ssettag $0x0;
	lr =	simm.s32 $0x1  }
0x2: {  	[smem:$0x3F85] =	sst lr;
	_ =	strace $0xD0000000  }
0x3: {  	_ = 	snop  }
0x4: {  	_ = 	snop  }
0x5: {  	_ = 	snop  }
0x6: {  	_ = 	snop  }
0x7: {  	_ = 	snop  }
__scs_overlays_trampoline_lowered:
0x8: {  	[smem:$0x3F94] =	sst s0  }
0x9: {  	[smem:$0x3F95] =	sst s1  }
0xa: {  	[smem:$0x3F96] =	sst s2  }
0xb: {  	[smem:$0x3F97] =	sst s3  }
0xc: {  	[smem:$0x3F98] =	sst s4  }
0xd: {  	[smem:$0x3F99] =	sst s5  }
0xe: {  	[smem:$0x3F9A] =	sst s6  }
0xf: {  	[smem:$0x3F9B] =	sst s7  }
0x10: {  	[smem:$0x3F9C] =	sst s8  }
0x11: {  	[smem:$0x3F9D] =	sst s9;
	s0 =	simm.s32 @!p0 $0x0  }
0x12: {  	s1 =	sld [smem:$0x3F83];
	s0 =	simm.s32 @p0 $0x1  }
0x13: {  	[smem:$0x3F9E] =	sst s0;
	s0 =	simm.s32 @!p1 $0x0  }
0x14: {  	s2 =	sld [smem:$0x3F82];
	s0 =	simm.s32 @p1 $0x1  }
0x15: {  	[smem:$0x3F9F] =	sst s0;
	s0 =	simm.s32 @!p2 $0x0  }
0x16: {  	s3 =	sld [smem:$0x3FDB];
	s0 =	simm.s32 @p2 $0x1  }
0x17: {  	s4 =	simm.s32 $0x1BF5;
	[smem:$0x3FA1] =	sst s0  }
0x18: {  	s0 =	sld [smem:$0x3F84];
	_ =	swait.ge [sflag:s4], $0x0  }
0x19: {  	s7 =	sld [smem:$0x3F85]  }
0x1a: {  	s8 =	sadd.s32 $0xFFFFE003, lr  }
0x1b: {  	s9 =	sadd.s32 $0xFFFFFEF7, lr;
	s5 =	simm.s32 $0xFFFFFFFF;
	p2 =	slt.u32 s8, $0xFFFFF086  }
0x1c: {  	p1 =	slt.u32 s9, $0xF7A;
	s5 =	simm.s32 @!p2 $0x0  }
0x1d: {  	s5 =	simm.s32 @p1 $0x1;
	p0 =	seq.s32 s7, s2  }
0x1e: {  	s7 =	smul.u32 @!p0 $0xF7A, s2;
	p2 =	seq.s32 @!p0 s5, $0x0  }
0x1f: {  	s9 =	smul.u32 $0xF7A, s1;
	s8 =	simm.s32 @!p0 $0x1BF5;
	p2 =	por !p2, p0  }
0x20: {  	[sflag:s8] =	ssyncset.s32 @!p0 $0xFFFFF086;
	s6 =	sadd.s32 @!p0 s3, s7;
	s7 =	simm.s32 @!p0 $0x108  }
0x21: {  	s3 =	sadd.s32 s3, s9;
	s6 =	sadd.s32 @!p0 $0x88, s6;
	s7 =	simm.s32 @p2 $0x1082  }
0x22: {  	[simem:s7], [sflag:s8] =	dma.local @!p0 [hbm:s6], $0xF7A  }
0x23: {  	s9 =	sor.u32 $0xD0000000, s2;
	s6 =	simm.s32 $0x108;
	_ =	swait.ge @!p0 [sflag:s8], $0x0  }
0x24: {  	s3 =	sadd.s32 $0x88, s3;
	s6 =	simm.s32 @!p1 $0x1082;
	[sflag:s4] =	ssyncset.s32 $0xFFFFF086  }
0x25: {  	[simem:s6], [sflag:s4] =	dma.local [hbm:s3], $0xF7A  }
0x26: {  	[smem:$0x3F85] =	sst s1;
	(tag) =	ssettag s2;
	_ =	strace s9  }
0x27: {  	s1 =	sld [smem:$0x3F95]  }
0x28: {  	s2 =	sld [smem:$0x3F96]  }
0x29: {  	s4 =	sld [smem:$0x3F98]  }
0x2a: {  	p0 =	seq.s32 s5, $0x0;
	s5 =	sld [smem:$0x3F99]  }
0x2b: {  	s6 =	sld [smem:$0x3F9A]  }
0x2c: {  	s7 =	sld [smem:$0x3F9B]  }
0x2d: {  	s3 =	simm.s32 $0x108;
	s8 =	sld [smem:$0x3F9C]  }
0x2e: {  	s3 =	simm.s32 @!p0 $0x1082;
	s9 =	sld [smem:$0x3F9D]  }
0x2f: {  	lr =	sadd.s32 s0, s3;
	s0 =	sld [smem:$0x3F94]  }
0x30: {  	s3 =	sld [smem:$0x3F97]  }
0x31: {  	[smem:$0x3FA0] =	sst s10  }
0x32: {  	s10 =	sld [smem:$0x3F9E];
	_ =	sdelay $0x3  }
0x33: {  	p0 =	seq.s32 s10, $0x1;
	s10 =	sld [smem:$0x3FA0];
	_ =	sdelay $0x3  }
0x34: {  	[smem:$0x3FA0] =	sst s10  }
0x35: {  	s10 =	sld [smem:$0x3F9F];
	_ =	sdelay $0x3  }
0x36: {  	p1 =	seq.s32 s10, $0x1;
	s10 =	sld [smem:$0x3FA0];
	_ =	sdelay $0x3  }
0x37: {  	[smem:$0x3FA0] =	sst s10  }
0x38: {  	s10 =	sld [smem:$0x3FA1]  }
0x39: {  	_ = 	snop;
	(pc) =	sbr.ind lr, $3  }
0x3a: {  	_ = 	snop  }
0x3b: {  	_ = 	snop  }
0x3c: {  	p2 =	seq.s32 s10, $0x1;
	s10 =	sld [smem:$0x3FA0]  }
0x3d: {  	_ =	shalt  }
0x3e: {  	_ =	shalt  }
0x3f: {  	_ =	shalt  }
0x40: {  	_ =	shalt  }
0x41: {  	_ =	shalt  }
0x42: {  	_ =	shalt  }
0x43: {  	_ =	shalt  }
0x44: {  	_ =	shalt  }
0x45: {  	_ =	shalt  }
0x46: {  	_ =	shalt  }
0x47: {  	_ =	shalt  }
0x48: {  	_ =	shalt  }
0x49: {  	_ =	shalt  }
0x4a: {  	_ =	shalt  }
0x4b: {  	_ =	shalt  }
0x4c: {  	_ =	shalt  }
0x4d: {  	_ =	shalt  }
0x4e: {  	_ =	shalt  }
0x4f: {  	_ =	shalt  }
0x50: {  	_ =	shalt  }
0x51: {  	_ =	shalt  }
0x52: {  	_ =	shalt  }
0x53: {  	_ =	shalt  }
0x54: {  	_ =	shalt  }
0x55: {  	_ =	shalt  }
0x56: {  	_ =	shalt  }
0x57: {  	_ =	shalt  }
0x58: {  	_ =	shalt  }
0x59: {  	_ =	shalt  }
0x5a: {  	_ =	shalt  }
0x5b: {  	_ =	shalt  }
0x5c: {  	_ =	shalt  }
0x5d: {  	_ =	shalt  }
0x5e: {  	_ =	shalt  }
0x5f: {  	_ =	shalt  }
0x60: {  	_ =	shalt  }
0x61: {  	_ =	shalt  }
0x62: {  	_ =	shalt  }
0x63: {  	_ =	shalt  }
0x64: {  	_ =	shalt  }
0x65: {  	_ =	shalt  }
0x66: {  	_ =	shalt  }
0x67: {  	_ =	shalt  }
0x68: {  	_ =	shalt  }
0x69: {  	_ =	shalt  }
0x6a: {  	_ =	shalt  }
0x6b: {  	_ =	shalt  }
0x6c: {  	_ =	shalt  }
0x6d: {  	_ =	shalt  }
0x6e: {  	_ =	shalt  }
0x6f: {  	_ =	shalt  }
0x70: {  	_ =	shalt  }
0x71: {  	_ =	shalt  }
0x72: {  	_ =	shalt  }
0x73: {  	_ =	shalt  }
0x74: {  	_ =	shalt  }
0x75: {  	_ =	shalt  }
0x76: {  	_ =	shalt  }
0x77: {  	_ =	shalt  }
0x78: {  	_ =	shalt  }
0x79: {  	_ =	shalt  }
0x7a: {  	_ =	shalt  }
0x7b: {  	_ =	shalt  }
0x7c: {  	_ =	shalt  }
0x7d: {  	_ =	shalt  }
0x7e: {  	_ =	shalt  }
0x7f: {  	_ =	shalt  }
0x80: {  	_ =	shalt  }
0x81: {  	_ =	shalt  }
0x82: {  	_ =	shalt  }
0x83: {  	_ =	shalt  }
0x84: {  	_ =	shalt  }
0x85: {  	_ =	shalt  }
0x86: {  	_ =	shalt  }
0x87: {  	_ =	shalt  }
.Lfunc_end0:
.L_simem_size_0:
called_computation_lowered:
.L_overlay_start_0:
0x88: {  	s2 =	sld [smem:$0x3FD9]  }
0x89: {  	s3 =	sld [smem:$0x3FFE];
	_ =	sdelay $0x1  }
0x8a: {  	s1 =	srdreg.scid  }
0x8b: {  	s0 =	sand.u32 $0x1, s1  }
0x8c: {  	s14 =	sshll.u32 s0, $0xA;
	s2 =	sadd.s32 s3, s2  }
0x8d: {  	s2 =	sadd.s32 s2, s14  }
0x8e: {  	[smem:$0x3FAC] =	sst s2  }
0x8f: {  	_ = 	snop  }
0x90: {  	s2 =	sld [smem:$0x3FD0];
	_ =	sdelay $0x2  }
0x91: {  	s15 =	simm.s32 $0xA;
	s4 =	simm.s32 $0x10  }
0x92: {  	[smem:s4], [sflag:s15] =	dma.local [hbm:s2], $0x1  }
0x93: {  	_ =	swait.eq [sflag:s15], $0x1  }
0x94: {  	[sflag:s15] =	ssyncset.done $0x0  }
0x95: {  	[sflag:s15] =	ssyncadd.s32 $0xFFFFFFFF  }
0x96: {  	s16 =	sld [smem:$0x10];
	(tm) =	ssettm $0x1  }
0x97: {  	s17 =	sld [smem:$0x3FFB];
	_ =	sdelay $0x3  }
0x98: {  	_ =	strace s17  }
0x99: {  	s3 =	sld [smem:$0x3FFC];
	_ =	sdelay $0x3  }
0x9a: {  	_ =	strace s3  }
0x9b: {  	s3 =	sld [smem:$0x3FFD];
	_ =	sdelay $0x3  }
0x9c: {  	_ =	strace s3  }
0x9d: {  	_ =	strace $0x8FFFFFFF  }
0x9e: {  	s18 =	sld [smem:$0x3FDB];
	_ =	sdelay $0x1  }
0x9f: {  	s19 =	simm.s32 $_scs_section_size  }
0xa0: {  	s5 =	simm.s32 $_size__tile_overlayer_lowered;
	s6 =	simm.s32 $_tile_overlayer_lowered  }
0xa1: {  	s22 =	simm.s32 $0x1BFF;
	s21 =	sshll.u32 s6, $0x1;
	s3 =	sadd.s32 s19, s18  }
0xa2: {  	s7 =	simm.s32 $0x0;
	s20 =	sshll.u32 s5, $0x1;
	s5 =	sadd.s32 s21, s3  }
0xa3: {  	[timem:s7], [sflag:s22] =	dma.local [hbm:s5], s20  }
0xa4: {  	_ =	swait.ge [sflag:s22], s20  }
0xa5: {  	s4 =	ssub.s32 $0x0, s20;
	[sflag:s22] =	ssyncset.done $0x0  }
0xa6: {  	[sflag:s22] =	ssyncadd.s32 s4;
	_ =	sdelay $0x1  }
0xa7: {  	s23 =	simm.s32 $0x1B8B  }
0xa8: {  	_ =	swait.ge [sflag:s23], $0x1  }
0xa9: {  	[sflag:s23] =	ssyncset.done $0x0  }
0xaa: {  	s25 =	simm.s32 $0x1B8E;
	s24 =	sld [smem:$0x3FFE];
	[sflag:s23] =	ssyncadd.s32 $0xFFFFFFFF  }
0xab: {  	s26 =	simm.s32 $execute0_lowered;
	[smem:$0x3FD2] =	sst s25  }
0xac: {  	s5 =	sshll.u32 s26, $0x1;
	_ =	strace $0x80000046;
	[dreg:$0x1] =	wrdreg $0xFFFFFFFF  }
0xad: {  	s28 =	simm.s32 $_size_execute0_lowered;
	s3 =	sadd.s32 s3, s5;
	[dreg:$0x0] =	wrdreg $0x0  }
0xae: {  	s5 =	sshll.u32 s28, $0x1;
	[dreg:$0x2] =	wrdreg s3  }
0xaf: {  	[dreg:$0x3] =	wrdreg s5  }
0xb0: {  	[dreg:$0x4] =	wrdreg $0xC0  }
0xb1: {  	_ =	task [dreg:s7], $0x5FFFF  }
0xb2: {  	[dreg:$0x1] =	wrdreg $0xFFFFFFFF  }
0xb3: {  	[dreg:$0x0] =	wrdreg $0x60  }
0xb4: {  	[dreg:$0x2] =	wrdreg s24  }
0xb5: {  	[dreg:$0x3] =	wrdreg s16  }
0xb6: {  	[dreg:$0x4] =	wrdreg $0x9  }
0xb7: {  	_ =	task.clear_ibuf [dreg:s7], $0x5FFFF;
	_ =	strace $0x90000046  }
0xb8: {  	s29 =	simm.s32 $0x9;
	_ =	strace $0x80000048  }
0xb9: {  	_ =	swait.ge [sflag:s29], $0x1  }
0xba: {  	[sflag:s29] =	ssyncadd.s32 $0xFFFFFFFF  }
0xbb: {  	_ =	strace $0x90000048  }
0xbc: {  	_ =	sfence  }
0xbd: {  	s30 =	sld [smem:$0x0];
	_ =	sdelay $0x2  }
0xbe: {  	s31 =	sshll.u32 s1, $0xD;
	s1 =	sshrl.u32 s1, $0x2  }
0xbf: {  	s3 =	sand.u32 $0x4000, s31;
	s1 =	sadd.s32 s1, s30  }
0xc0: {  	s0 =	sor.u32 s3, s0;
	s1 =	sshll.u32 s1, $0x11  }
0xc1: {  	s0 =	sor.u32 s1, s0  }
0xc2: {  	s0 =	sadd.s32 $0x8F2B, s0  }
0xc3: {  	[sflag:s0] =	ssyncadd.remote.s32 $0x1  }
0xc4: {  	_ =	sfence.sel $0xFFFF  }
0xc5: {  	[dreg:$0x0] =	wrdreg $0xFFFFFFFF;
	(pc) =	sbr.abs _section_cstart, $3  }
0xc6: {  	[dreg:$0x1] =	wrdreg $0xFFFFFFFF  }
0xc7: {  	_ =	task.clear_ibuf [dreg:s7], $0x2FFFF;
	_ =	strace $0x9FFFFFFF  }
0xc8: {  	(tm) =	ssettm $0x7FFFFFFF  }
0xc9: {  	_ =	shalt  }
tec
execute0_lowered:
.L_overlay_start_1:
0x0: {  	(tag) =	ssettag $0x1  }
0x1: {  	s0 =	rddreg [dreg:$0x0]  }
0x2: {  	s12 =	rddreg [dreg:$0x1];
	s3 =	simm.s32 $0x0  }
0x3: {  	s1 =	srdreg.scid;
	s2 =	stileid.u32;
	s18 =	simm.s32 $0x7  }
0x4: {  	s28 =	simm.s32 $0xCB20;
	s29 =	simm.s32 $0x14820;
	s30 =	simm.s32 $0x5  }
0x5: {  	s31 =	simm.s32 $0x186A0;
	s19 =	simm.s32 $0x6;
	[smem:$0x7FF] =	sst s3  }
0x6: {  	s1 =	sand.u32 $0x1, s1;
	s4 =	sadd.s32 $0xA7000, s0;
	s5 =	sadd.s32 $0xAC000, s0  }
0x7: {  	s6 =	sadd.s32 $0xE00, s0;
	s8 =	sadd.s32 $0xAC00, s0;
	s9 =	sadd.s32 $0xB1000, s0  }
0x8: {  	s2 =	sshll.u32 s2, $0x1;
	s10 =	sadd.s32 $0x14D400, s0;
	s11 =	sadd.s32 $0x1E9800, s0  }
0x9: {  	s15 =	smov.u32 s12;
	s2 =	sor.u32 s1, s2;
	s1 =	ssub.s32 $0x2, s1  }
0xa: {  	_ =	strace $0x80000047;
	s13 =	smul.u32 $0x2710, s2;
	s20 =	sshrl.u32 s1, $0x1  }
0xb: {  	s21 =	ssub.s32 s1, s20;
	s20 =	simm.s32 $0x3E8;
	s1 =	simm.s32 $0x3  }
0xc: {  	s7 =	sshrl.u32 s13, $0x3;
	s25 =	sadd.s32 $0x3E8, s13;
	s16 =	smov.u32 s13  }
0xd: {  	v0 =	vlaneseq.u32;
	s26 =	sadd.s32 $0x7D0, s13;
	s0 =	smax.u32 s21, $0x1;
	[dreg:$0x6] =	wrdreg s25  }
0xe: {  	v0 =	vmul.u32 $0x3E8, v0;
	s13 =	simm.s32 $0x4;
	s22 =	sadd.s32 s12, s7;
	[dreg:$0x7] =	wrdreg s26  }
0xf: {  	v1 =	vimm.s32 $0x0;
	vm0 =	vcmask $0x300;
	s23 =	sadd.s32 s6, s7;
	s24 =	sadd.s32 s8, s7;
	[dreg:$0x8] =	wrdreg s0  }
0x10: {  	v1 =	vsel vm0, $0x3, v1;
	v2 =	vor.u32 $0x1, v0;
	s25 =	simm.s32 $0xBB8;
	s26 =	simm.s32 $0x4E20;
	[dreg:$0x3] =	wrdreg s22  }
0x11: {  	v3 =	vor.u32 $0x2, v0;
	v4 =	vor.u32 $0x3, v0;
	v5 =	vor.u32 $0x4, v0;
	s0 =	simm.s32 $0x1;
	s12 =	simm.s32 $0x2;
	[dreg:$0x4] =	wrdreg s23  }
0x12: {  	v6 =	vor.u32 $0x5, v0;
	v7 =	vor.u32 $0x6, v0;
	v8 =	vor.u32 $0x7, v0;
	s7 =	simm.s32 $0x0;
	[dreg:$0x5] =	wrdreg s24;
	s24 =	simm.s32 $0x109A0  }
.LBB2_1:
0x13: {  	[dreg:$0x9] =	wrdreg s7  }
0x14: {  	s2 =	rddreg [dreg:$0x3]  }
0x15: {  	[tilespmem:s3], [sflag:$0x7] =	stream.linear.gather [hbm4b:s2+s3], $0x3E8, $0x38;
	[tilespmem:$0x1C520] =	vst v63  }
0x16: {  	_ =	swait.ge [sflag:s18], $0x3E8  }
0x17: {  	[sflag:s18] =	ssyncset.done $0x0  }
0x18: {  	s14 =	simm.s32 $0x7D0;
	s7 =	rddreg [dreg:$0x4];
	[sflag:s18] =	ssyncadd.s32 $0xFFFFFC18  }
0x19: {  	[tilespmem:s14], [sflag:$0x7] =	stream.linear.gather [hbm4b:s7+s3], $0x3E8, $0x38;
	[tilespmem:$0x1C520] =	vst v63  }
0x1a: {  	_ =	swait.ge [sflag:s18], $0x3E8  }
0x1b: {  	[sflag:s18] =	ssyncset.done $0x0  }
0x1c: {  	s17 =	simm.s32 $0xFA0;
	[sflag:s18] =	ssyncadd.s32 $0xFFFFFC18  }
0x1d: {  	[tilespmem:s17], [sflag:$0x1] =	stream.indirect.gather [hbm4b:s4+s20], $0x10, s3, s20, $0xb8;
	[tilespmem:$0x1C520] =	vst v63  }
0x1e: {  	s21 =	simm.s32 $0x8CA0  }
0x1f: {  	[tilespmem:s21], [sflag:$0x3] =	stream.indirect.gather [hbm4b:s5+s20], $0x10, s14, s20, $0xb8;
	[tilespmem:$0x1C520] =	vst v63  }
0x20: {  	s23 =	simm.s32 $0x4E200;
	s22 =	rddreg [dreg:$0x5];
	s17 =	simm.s32 $0x0  }
0x21: {  	[tilespmem:s24], [sflag:$0x5] =	stream.strided.gather [hbm4b:s22+s20], $0x3E80, s23, s20, $0x38;
	[tilespmem:$0x1C520] =	vst v63  }
.LBB2_2:
0x22: {  	s21 =	smul.u32 $0x7D0, s17  }
0x23: {  	s2 =	rddreg [dreg:$0x6]  }
0x24: {  	s14 =	sadd.s32 s21, s2  }
0x25: {  	s7 =	sshrl.u32 s14, $0x3  }
0x26: {  	s2 =	simm.s32 $0x7;
	s22 =	sadd.s32 s15, s7  }
0x27: {  	[tilespmem:s20], [sflag:$0x7] =	stream.linear.gather [hbm4b:s22+s3], $0x3E8, $0x38;
	[tilespmem:$0x1C520] =	vst v63  }
0x28: {  	_ =	swait.ge [sflag:s2], $0x3E8  }
0x29: {  	[sflag:s2] =	ssyncset.done $0x0  }
0x2a: {  	s22 =	sadd.s32 s6, s7;
	[sflag:s2] =	ssyncadd.s32 $0xFFFFFC18  }
0x2b: {  	[tilespmem:s25], [sflag:$0x7] =	stream.linear.gather [hbm4b:s22+s3], $0x3E8, $0x38;
	[tilespmem:$0x1C520] =	vst v63  }
0x2c: {  	s23 =	simm.s32 $0x0;
	_ =	swait.ge [sflag:s2], $0x3E8  }
0x2d: {  	v9 =	vmov s23;
	[sflag:s2] =	ssyncset.done $0x0  }
0x2e: {  	v9 =	vshrl.u32 v9, $0x3;
	[sflag:s2] =	ssyncadd.s32 $0xFFFFFC18  }
0x2f: {  	v9 =	vshll.u32 v9, v1;
	[tilespmem:s26], [sflag:$0x2] =	stream.indirect.gather [hbm4b:s4+s20], $0x10, s20, s20, $0xb8;
	[tilespmem:$0x1C520] =	vst v63  }
0x30: {  	v9 =	vbroadcast v9, $0x0  }
0x31: {  	[tilespmem:s28], [sflag:$0x4] =	stream.indirect.gather [hbm4b:s5+s20], $0x10, s25, s20, $0xb8;
	[tilespmem:$0x1C520] =	vst v63  }
0x32: {  	s23 =	simm.s32 $0x4E200;
	s7 =	sadd.s32 s8, s7;
	v9 =	vadd.s32 v0, v9;
	s22 =	simm.s32 $0x1  }
0x33: {  	v10 =	vmov s22;
	[tilespmem:s29], [sflag:$0x6] =	stream.strided.gather [hbm4b:s7+s20], $0x3E80, s23, s20, $0x38;
	[tilespmem:$0x1C520] =	vst v63  }
0x34: {  	v10 =	vshrl.u32 v10, $0x3;
	_ =	swait.ge [sflag:s30], $0x3E80  }
0x35: {  	v10 =	vshll.u32 v10, v1;
	[sflag:s30] =	ssyncset.done $0x0  }
0x36: {  	v10 =	vbroadcast v10, $0x0;
	[sflag:s30] =	ssyncadd.s32 $0xFFFFC180  }
0x37: {  	v9 =	vld.idx.msk [tilespmem:v9+s24+$0x0], $0xffff  }
0x38: {  	s22 =	simm.s32 $0x2;
	v10 =	vadd.s32 v2, v10  }
0x39: {  	v11 =	vmov s22  }
0x3a: {  	v11 =	vshrl.u32 v11, $0x3  }
0x3b: {  	s22 =	simm.s32 $0x186E0;
	v11 =	vshll.u32 v11, v1  }
0x3c: {  	[tilespmem:s22+$0xFFFFFFC0] =	vst v9;
	v9 =	vbroadcast v11, $0x0  }
0x3d: {  	v10 =	vld.idx.msk [tilespmem:v10+s24+$0x0], $0xffff  }
0x3e: {  	s23 =	simm.s32 $0x3;
	v9 =	vadd.s32 v3, v9  }
0x3f: {  	v11 =	vmov s23  }
0x40: {  	v11 =	vshrl.u32 v11, $0x3  }
0x41: {  	v11 =	vshll.u32 v11, v1  }
0x42: {  	[tilespmem:s22+$0xFFFFFFD0] =	vst v10;
	v10 =	vbroadcast v11, $0x0  }
0x43: {  	v9 =	vld.idx.msk [tilespmem:v9+s24+$0x0], $0xffff  }
0x44: {  	s23 =	simm.s32 $0x4;
	v10 =	vadd.s32 v4, v10  }
0x45: {  	v11 =	vmov s23  }
0x46: {  	v11 =	vshrl.u32 v11, $0x3  }
0x47: {  	v11 =	vshll.u32 v11, v1  }
0x48: {  	[tilespmem:s22+$0xFFFFFFE0] =	vst v9;
	v9 =	vbroadcast v11, $0x0  }
0x49: {  	v10 =	vld.idx.msk [tilespmem:v10+s24+$0x0], $0xffff  }
0x4a: {  	s23 =	simm.s32 $0x5;
	v9 =	vadd.s32 v5, v9  }
0x4b: {  	v11 =	vmov s23  }
0x4c: {  	v11 =	vshrl.u32 v11, $0x3  }
0x4d: {  	v11 =	vshll.u32 v11, v1  }
0x4e: {  	[tilespmem:s22+$0xFFFFFFF0] =	vst v10;
	v10 =	vbroadcast v11, $0x0  }
0x4f: {  	v9 =	vld.idx.msk [tilespmem:v9+s24+$0x0], $0xffff  }
0x50: {  	s23 =	simm.s32 $0x6;
	v10 =	vadd.s32 v6, v10  }
0x51: {  	v11 =	vmov s23  }
0x52: {  	v11 =	vshrl.u32 v11, $0x3  }
0x53: {  	v11 =	vshll.u32 v11, v1  }
0x54: {  	[tilespmem:s22+$0x0] =	vst v9;
	v9 =	vbroadcast v11, $0x0  }
0x55: {  	v10 =	vld.idx.msk [tilespmem:v10+s24+$0x0], $0xffff  }
0x56: {  	v9 =	vadd.s32 v7, v9  }
0x57: {  	v11 =	vmov s2  }
0x58: {  	v11 =	vshrl.u32 v11, $0x3  }
0x59: {  	v11 =	vshll.u32 v11, v1  }
0x5a: {  	v11 =	vbroadcast v11, $0x0;
	[tilespmem:s22+$0x10] =	vst v10  }
0x5b: {  	v9 =	vld.idx.msk [tilespmem:v9+s24+$0x0], $0xffff  }
0x5c: {  	v10 =	vadd.s32 v8, v11  }
0x5d: {  	s7 =	simm.s32 $0x8;
	s23 =	simm.s32 $0xF;
	s2 =	simm.s32 $0x17  }
.LBB2_3:
0x5e: {  	p0 =	sne.s32 s2, $0x3E7;
	v11 =	vmov s7  }
0x5f: {  	v11 =	vshrl.u32 v11, $0x3  }
0x60: {  	v11 =	vshll.u32 v11, v1;
	[tilespmem:s22+$0x20] =	vst v9  }
0x61: {  	v9 =	vbroadcast v11, $0x0;
	v10 =	vld.idx.msk [tilespmem:v10+s24+$0x0], $0xffff;
	_ =	sdelay $0x1  }
0x62: {  	v9 =	vadd.s32 v0, v9  }
0x63: {  	s7 =	sadd.s32 $0xFFFFFFFA, s23  }
0x64: {  	v11 =	vmov s7  }
0x65: {  	v11 =	vshrl.u32 v11, $0x3  }
0x66: {  	v11 =	vshll.u32 v11, v1;
	[tilespmem:s22+$0x30] =	vst v10  }
0x67: {  	v10 =	vbroadcast v11, $0x0;
	v9 =	vld.idx.msk [tilespmem:v9+s24+$0x0], $0xffff;
	_ =	sdelay $0x1  }
0x68: {  	v10 =	vadd.s32 v2, v10  }
0x69: {  	s7 =	sadd.s32 $0xFFFFFFFB, s23  }
0x6a: {  	v11 =	vmov s7  }
0x6b: {  	s22 =	sadd.s32 $0x80, s22;
	v11 =	vshrl.u32 v11, $0x3  }
0x6c: {  	[tilespmem:s22+$0xFFFFFFC0] =	vst v9;
	v9 =	vshll.u32 v11, v1  }
0x6d: {  	v10 =	vld.idx.msk [tilespmem:v10+s24+$0x0], $0xffff;
	v9 =	vbroadcast v9, $0x0;
	_ =	sdelay $0x1  }
0x6e: {  	v9 =	vadd.s32 v3, v9  }
0x6f: {  	s7 =	sadd.s32 $0xFFFFFFFC, s23  }
0x70: {  	v11 =	vmov s7  }
0x71: {  	v11 =	vshrl.u32 v11, $0x3  }
0x72: {  	[tilespmem:s22+$0xFFFFFFD0] =	vst v10;
	v10 =	vshll.u32 v11, v1  }
0x73: {  	v9 =	vld.idx.msk [tilespmem:v9+s24+$0x0], $0xffff;
	v10 =	vbroadcast v10, $0x0;
	_ =	sdelay $0x1  }
0x74: {  	v10 =	vadd.s32 v4, v10  }
0x75: {  	s7 =	sadd.s32 $0xFFFFFFFD, s23  }
0x76: {  	v11 =	vmov s7  }
0x77: {  	v11 =	vshrl.u32 v11, $0x3  }
0x78: {  	[tilespmem:s22+$0xFFFFFFE0] =	vst v9;
	v9 =	vshll.u32 v11, v1  }
0x79: {  	v10 =	vld.idx.msk [tilespmem:v10+s24+$0x0], $0xffff;
	v9 =	vbroadcast v9, $0x0;
	_ =	sdelay $0x1  }
0x7a: {  	v9 =	vadd.s32 v5, v9  }
0x7b: {  	s7 =	sadd.s32 $0xFFFFFFFE, s23  }
0x7c: {  	v11 =	vmov s7  }
0x7d: {  	v11 =	vshrl.u32 v11, $0x3  }
0x7e: {  	[tilespmem:s22+$0xFFFFFFF0] =	vst v10;
	v10 =	vshll.u32 v11, v1  }
0x7f: {  	v9 =	vld.idx.msk [tilespmem:v9+s24+$0x0], $0xffff;
	v10 =	vbroadcast v10, $0x0;
	_ =	sdelay $0x1  }
0x80: {  	v10 =	vadd.s32 v6, v10  }
0x81: {  	s7 =	sadd.s32 $0xFFFFFFFF, s23  }
0x82: {  	v11 =	vmov s7  }
0x83: {  	v11 =	vshrl.u32 v11, $0x3  }
0x84: {  	[tilespmem:s22+$0x0] =	vst v9;
	v9 =	vshll.u32 v11, v1  }
0x85: {  	v10 =	vld.idx.msk [tilespmem:v10+s24+$0x0], $0xffff;
	v9 =	vbroadcast v9, $0x0;
	_ =	sdelay $0x1  }
0x86: {  	v9 =	vadd.s32 v7, v9;
	_ =	sdelay $0x1  }
0x87: {  	v11 =	vmov s23;
	s23 =	smov.u32 s2  }
0x88: {  	v11 =	vshrl.u32 v11, $0x3  }
.Ltmp0:
0x89: {  	[tilespmem:s22+$0x10] =	vst v10;
	v10 =	vshll.u32 v11, v1;
	(pc) =	sbr.rel @p0 .LBB2_3-.Ltmp0, $3  }
0x8a: {  	v9 =	vld.idx.msk [tilespmem:v9+s24+$0x0], $0xffff;
	v10 =	vbroadcast v10, $0x0;
	_ =	sdelay $0x1  }
0x8b: {  	v10 =	vadd.s32 v8, v10  }
0x8c: {  	s2 =	sadd.s32 $0x8, s2;
	s7 =	sadd.s32 $0xFFFFFFF9, s23  }
0x8d: {  	v11 =	vmov s7  }
0x8e: {  	v11 =	vshrl.u32 v11, $0x3  }
0x8f: {  	v11 =	vshll.u32 v11, v1  }
0x90: {  	[tilespmem:s22+$0x20] =	vst v9;
	v9 =	vbroadcast v11, $0x0  }
0x91: {  	v10 =	vld.idx.msk [tilespmem:v10+s24+$0x0], $0xffff  }
0x92: {  	s2 =	sadd.s32 $0xFFFFFFFA, s23;
	v9 =	vadd.s32 v0, v9  }
0x93: {  	v11 =	vmov s2  }
0x94: {  	v11 =	vshrl.u32 v11, $0x3  }
0x95: {  	v11 =	vshll.u32 v11, v1  }
0x96: {  	[tilespmem:s22+$0x30] =	vst v10;
	v10 =	vbroadcast v11, $0x0  }
0x97: {  	v9 =	vld.idx.msk [tilespmem:v9+s24+$0x0], $0xffff  }
0x98: {  	s7 =	sadd.s32 $0xFFFFFFFB, s23;
	v10 =	vadd.s32 v2, v10  }
0x99: {  	v11 =	vmov s7  }
0x9a: {  	v11 =	vshrl.u32 v11, $0x3  }
0x9b: {  	s2 =	sadd.s32 $0x80, s22;
	v11 =	vshll.u32 v11, v1  }
0x9c: {  	[tilespmem:s2+$0xFFFFFFC0] =	vst v9;
	v9 =	vbroadcast v11, $0x0  }
0x9d: {  	v10 =	vld.idx.msk [tilespmem:v10+s24+$0x0], $0xffff  }
0x9e: {  	s22 =	sadd.s32 $0xFFFFFFFC, s23;
	v9 =	vadd.s32 v3, v9  }
0x9f: {  	v11 =	vmov s22  }
0xa0: {  	v11 =	vshrl.u32 v11, $0x3  }
0xa1: {  	v11 =	vshll.u32 v11, v1  }
0xa2: {  	[tilespmem:s2+$0xFFFFFFD0] =	vst v10;
	v10 =	vbroadcast v11, $0x0  }
0xa3: {  	v9 =	vld.idx.msk [tilespmem:v9+s24+$0x0], $0xffff  }
0xa4: {  	s22 =	sadd.s32 $0xFFFFFFFD, s23;
	v10 =	vadd.s32 v4, v10  }
0xa5: {  	v11 =	vmov s22  }
0xa6: {  	v11 =	vshrl.u32 v11, $0x3  }
0xa7: {  	v11 =	vshll.u32 v11, v1  }
0xa8: {  	[tilespmem:s2+$0xFFFFFFE0] =	vst v9;
	v9 =	vbroadcast v11, $0x0  }
0xa9: {  	v10 =	vld.idx.msk [tilespmem:v10+s24+$0x0], $0xffff  }
0xaa: {  	s22 =	sadd.s32 $0xFFFFFFFE, s23;
	v9 =	vadd.s32 v5, v9  }
0xab: {  	v11 =	vmov s22  }
0xac: {  	v11 =	vshrl.u32 v11, $0x3  }
0xad: {  	v11 =	vshll.u32 v11, v1  }
0xae: {  	[tilespmem:s2+$0xFFFFFFF0] =	vst v10;
	v10 =	vbroadcast v11, $0x0  }
0xaf: {  	v9 =	vld.idx.msk [tilespmem:v9+s24+$0x0], $0xffff  }
0xb0: {  	s22 =	sadd.s32 $0xFFFFFFFF, s23;
	v10 =	vadd.s32 v6, v10  }
0xb1: {  	v11 =	vmov s22  }
0xb2: {  	v11 =	vshrl.u32 v11, $0x3  }
0xb3: {  	v11 =	vshll.u32 v11, v1  }
0xb4: {  	[tilespmem:s2+$0x0] =	vst v9;
	v9 =	vbroadcast v11, $0x0  }
0xb5: {  	v10 =	vld.idx.msk [tilespmem:v10+s24+$0x0], $0xffff  }
0xb6: {  	v9 =	vadd.s32 v7, v9  }
0xb7: {  	v11 =	vmov s23  }
0xb8: {  	v11 =	vshrl.u32 v11, $0x3  }
0xb9: {  	v11 =	vshll.u32 v11, v1  }
0xba: {  	[tilespmem:s2+$0x10] =	vst v10;
	v10 =	vbroadcast v11, $0x0  }
0xbb: {  	v9 =	vld.idx.msk [tilespmem:v9+s24+$0x0], $0xffff  }
0xbc: {  	v10 =	vadd.s32 v8, v10;
	_ =	sdelay $0x3  }
0xbd: {  	[tilespmem:s2+$0x20] =	vst v9  }
0xbe: {  	v9 =	vld.idx.msk [tilespmem:v10+s24+$0x0], $0xffff;
	_ =	sdelay $0x2  }
0xbf: {  	s22 =	sadd.s32 s16, s21  }
0xc0: {  	s7 =	sshll.u32 s22, $0x1  }
0xc1: {  	s23 =	sadd.s32 s11, s7;
	[tilespmem:s2+$0x30] =	vst v9  }
0xc2: {  	[hbm4b:s23+s3] =	stream.linear.scatter [tilespmem:s31], [sflag:$0x7], $0x3E80, $0x38;
	[tilespmem:$0x1C520] =	vst v63  }
0xc3: {  	_ =	swait.ge [sflag:s18], $0x3E80  }
0xc4: {  	[sflag:s18] =	ssyncset.done $0x0  }
0xc5: {  	[sflag:s18] =	ssyncadd.s32 $0xFFFFC180  }
0xc6: {  	_ =	swait.ge [sflag:s0], $0x3E80  }
0xc7: {  	[sflag:s0] =	ssyncset.done $0x0  }
0xc8: {  	s22 =	sadd.s32 s9, s7;
	s23 =	simm.s32 $0xFA0;
	[sflag:s0] =	ssyncadd.s32 $0xFFFFC180  }
0xc9: {  	[hbm4b:s22+s3] =	stream.linear.scatter [tilespmem:s23], [sflag:$0x7], $0x3E80, $0x38;
	[tilespmem:$0x1C520] =	vst v63  }
0xca: {  	_ =	swait.ge [sflag:s18], $0x3E80  }
0xcb: {  	[sflag:s18] =	ssyncset.done $0x0  }
0xcc: {  	[sflag:s18] =	ssyncadd.s32 $0xFFFFC180  }
0xcd: {  	_ =	swait.ge [sflag:s1], $0x3E80  }
0xce: {  	[sflag:s1] =	ssyncset.done $0x0  }
0xcf: {  	s22 =	sadd.s32 s10, s7;
	s23 =	simm.s32 $0x8CA0;
	[sflag:s1] =	ssyncadd.s32 $0xFFFFC180  }
0xd0: {  	[hbm4b:s22+s3] =	stream.linear.scatter [tilespmem:s23], [sflag:$0x7], $0x3E80, $0x38;
	[tilespmem:$0x1C520] =	vst v63  }
0xd1: {  	_ =	swait.ge [sflag:s18], $0x3E80  }
0xd2: {  	p0 =	seq.s32 s17, $0x4;
	s2 =	rddreg [dreg:$0x7]  }
0xd3: {  	s2 =	sadd.s32 @!p0 s21, s2  }
0xd4: {  	[sflag:s18] =	ssyncset.done $0x0;
	s2 =	sshrl.u32 @!p0 s2, $0x3  }
0xd5: {  	[sflag:s18] =	ssyncadd.s32 $0xFFFFC180;
	s21 =	simm.s32 @!p0 $0x0;
	s7 =	sadd.s32 @!p0 s15, s2  }
0xd6: {  	[tilespmem:s21], [sflag:$0x7] =	stream.linear.gather @!p0 [hbm4b:s7+s21], $0x3E8, $0x38;
	[tilespmem:$0x1C520] =	vst v63  }
0xd7: {  	s7 =	simm.s32 @!p0 $0x7  }
0xd8: {  	_ =	swait.ge @!p0 [sflag:s7], $0x3E8  }
0xd9: {  	[sflag:s7] =	ssyncset.done @!p0 $0x0  }
0xda: {  	s23 =	simm.s32 @!p0 $0x7D0;
	s22 =	sadd.s32 @!p0 s6, s2;
	[sflag:s7] =	ssyncadd.s32 @!p0 $0xFFFFFC18  }
0xdb: {  	[tilespmem:s23], [sflag:$0x7] =	stream.linear.gather @!p0 [hbm4b:s22+s21], $0x3E8, $0x38;
	[tilespmem:$0x1C520] =	vst v63  }
0xdc: {  	s22 =	simm.s32 $0x0;
	_ =	swait.ge @!p0 [sflag:s7], $0x3E8  }
0xdd: {  	v9 =	vmov s22;
	[sflag:s7] =	ssyncset.done @!p0 $0x0  }
0xde: {  	s22 =	simm.s32 @!p0 $0xFA0;
	v9 =	vshrl.u32 v9, $0x3;
	[sflag:s7] =	ssyncadd.s32 @!p0 $0xFFFFFC18;
	s7 =	simm.s32 @!p0 $0x3E8  }
0xdf: {  	v9 =	vshll.u32 v9, v1;
	[tilespmem:s22], [sflag:$0x1] =	stream.indirect.gather @!p0 [hbm4b:s4+s7], $0x10, s21, s7, $0xb8;
	[tilespmem:$0x1C520] =	vst v63  }
0xe0: {  	s2 =	sadd.s32 @!p0 s8, s2;
	s21 =	simm.s32 @!p0 $0x8CA0;
	v9 =	vbroadcast v9, $0x0  }
0xe1: {  	[tilespmem:s21], [sflag:$0x3] =	stream.indirect.gather @!p0 [hbm4b:s5+s7], $0x10, s23, s7, $0xb8;
	[tilespmem:$0x1C520] =	vst v63  }
0xe2: {  	s22 =	simm.s32 @!p0 $0x109A0;
	s21 =	simm.s32 @!p0 $0x4E200;
	v9 =	vadd.s32 v0, v9;
	s23 =	simm.s32 $0x1  }
0xe3: {  	v10 =	vmov s23;
	[tilespmem:s22], [sflag:$0x5] =	stream.strided.gather @!p0 [hbm4b:s2+s7], $0x3E80, s21, s7, $0x38;
	[tilespmem:$0x1C520] =	vst v63  }
0xe4: {  	v10 =	vshrl.u32 v10, $0x3;
	_ =	swait.ge [sflag:s19], $0x3E80  }
0xe5: {  	v10 =	vshll.u32 v10, v1;
	[sflag:s19] =	ssyncset.done $0x0  }
0xe6: {  	v10 =	vbroadcast v10, $0x0;
	[sflag:s19] =	ssyncadd.s32 $0xFFFFC180  }
0xe7: {  	v9 =	vld.idx.msk [tilespmem:v9+s29+$0x0], $0xffff  }
0xe8: {  	s21 =	simm.s32 $0x2;
	v10 =	vadd.s32 v2, v10  }
0xe9: {  	v11 =	vmov s21  }
0xea: {  	v11 =	vshrl.u32 v11, $0x3  }
0xeb: {  	s21 =	simm.s32 $0x186E0;
	v11 =	vshll.u32 v11, v1  }
0xec: {  	[tilespmem:s21+$0xFFFFFFC0] =	vst v9;
	v9 =	vbroadcast v11, $0x0  }
0xed: {  	v10 =	vld.idx.msk [tilespmem:v10+s29+$0x0], $0xffff  }
0xee: {  	s22 =	simm.s32 $0x3;
	v9 =	vadd.s32 v3, v9  }
0xef: {  	v11 =	vmov s22  }
0xf0: {  	v11 =	vshrl.u32 v11, $0x3  }
0xf1: {  	v11 =	vshll.u32 v11, v1  }
0xf2: {  	[tilespmem:s21+$0xFFFFFFD0] =	vst v10;
	v10 =	vbroadcast v11, $0x0  }
0xf3: {  	v9 =	vld.idx.msk [tilespmem:v9+s29+$0x0], $0xffff  }
0xf4: {  	s23 =	simm.s32 $0x4;
	v10 =	vadd.s32 v4, v10  }
0xf5: {  	v11 =	vmov s23  }
0xf6: {  	v11 =	vshrl.u32 v11, $0x3  }
0xf7: {  	v11 =	vshll.u32 v11, v1  }
0xf8: {  	[tilespmem:s21+$0xFFFFFFE0] =	vst v9;
	v9 =	vbroadcast v11, $0x0  }
0xf9: {  	v10 =	vld.idx.msk [tilespmem:v10+s29+$0x0], $0xffff  }
0xfa: {  	s7 =	simm.s32 $0x5;
	v9 =	vadd.s32 v5, v9  }
0xfb: {  	v11 =	vmov s7  }
0xfc: {  	v11 =	vshrl.u32 v11, $0x3  }
0xfd: {  	v11 =	vshll.u32 v11, v1  }
0xfe: {  	[tilespmem:s21+$0xFFFFFFF0] =	vst v10;
	v10 =	vbroadcast v11, $0x0  }
0xff: {  	v9 =	vld.idx.msk [tilespmem:v9+s29+$0x0], $0xffff  }
0x100: {  	s22 =	simm.s32 $0x6;
	v10 =	vadd.s32 v6, v10  }
0x101: {  	v11 =	vmov s22  }
0x102: {  	v11 =	vshrl.u32 v11, $0x3  }
0x103: {  	v11 =	vshll.u32 v11, v1  }
0x104: {  	[tilespmem:s21+$0x0] =	vst v9;
	v9 =	vbroadcast v11, $0x0  }
0x105: {  	v10 =	vld.idx.msk [tilespmem:v10+s29+$0x0], $0xffff  }
0x106: {  	s23 =	simm.s32 $0x7;
	v9 =	vadd.s32 v7, v9  }
0x107: {  	v11 =	vmov s23  }
0x108: {  	v11 =	vshrl.u32 v11, $0x3  }
0x109: {  	v11 =	vshll.u32 v11, v1  }
0x10a: {  	v11 =	vbroadcast v11, $0x0;
	[tilespmem:s21+$0x10] =	vst v10  }
0x10b: {  	v9 =	vld.idx.msk [tilespmem:v9+s29+$0x0], $0xffff  }
0x10c: {  	v10 =	vadd.s32 v8, v11  }
0x10d: {  	s2 =	simm.s32 $0x17;
	s7 =	simm.s32 $0x8;
	s22 =	simm.s32 $0xF  }
.LBB2_5:
0x10e: {  	p0 =	sne.s32 s2, $0x3E7;
	v11 =	vmov s7  }
0x10f: {  	v11 =	vshrl.u32 v11, $0x3  }
0x110: {  	v11 =	vshll.u32 v11, v1;
	[tilespmem:s21+$0x20] =	vst v9  }
0x111: {  	v9 =	vbroadcast v11, $0x0;
	v10 =	vld.idx.msk [tilespmem:v10+s29+$0x0], $0xffff;
	_ =	sdelay $0x1  }
0x112: {  	v9 =	vadd.s32 v0, v9  }
0x113: {  	s7 =	sadd.s32 $0xFFFFFFFA, s22  }
0x114: {  	v11 =	vmov s7  }
0x115: {  	v11 =	vshrl.u32 v11, $0x3  }
0x116: {  	v11 =	vshll.u32 v11, v1;
	[tilespmem:s21+$0x30] =	vst v10  }
0x117: {  	v10 =	vbroadcast v11, $0x0;
	v9 =	vld.idx.msk [tilespmem:v9+s29+$0x0], $0xffff;
	_ =	sdelay $0x1  }
0x118: {  	v10 =	vadd.s32 v2, v10  }
0x119: {  	s7 =	sadd.s32 $0xFFFFFFFB, s22  }
0x11a: {  	v11 =	vmov s7  }
0x11b: {  	s21 =	sadd.s32 $0x80, s21;
	v11 =	vshrl.u32 v11, $0x3  }
0x11c: {  	[tilespmem:s21+$0xFFFFFFC0] =	vst v9;
	v9 =	vshll.u32 v11, v1  }
0x11d: {  	v10 =	vld.idx.msk [tilespmem:v10+s29+$0x0], $0xffff;
	v9 =	vbroadcast v9, $0x0;
	_ =	sdelay $0x1  }
0x11e: {  	v9 =	vadd.s32 v3, v9  }
0x11f: {  	s7 =	sadd.s32 $0xFFFFFFFC, s22  }
0x120: {  	v11 =	vmov s7  }
0x121: {  	v11 =	vshrl.u32 v11, $0x3  }
0x122: {  	[tilespmem:s21+$0xFFFFFFD0] =	vst v10;
	v10 =	vshll.u32 v11, v1  }
0x123: {  	v9 =	vld.idx.msk [tilespmem:v9+s29+$0x0], $0xffff;
	v10 =	vbroadcast v10, $0x0;
	_ =	sdelay $0x1  }
0x124: {  	v10 =	vadd.s32 v4, v10  }
0x125: {  	s7 =	sadd.s32 $0xFFFFFFFD, s22  }
0x126: {  	v11 =	vmov s7  }
0x127: {  	v11 =	vshrl.u32 v11, $0x3  }
0x128: {  	[tilespmem:s21+$0xFFFFFFE0] =	vst v9;
	v9 =	vshll.u32 v11, v1  }
0x129: {  	v10 =	vld.idx.msk [tilespmem:v10+s29+$0x0], $0xffff;
	v9 =	vbroadcast v9, $0x0;
	_ =	sdelay $0x1  }
0x12a: {  	v9 =	vadd.s32 v5, v9  }
0x12b: {  	s7 =	sadd.s32 $0xFFFFFFFE, s22  }
0x12c: {  	v11 =	vmov s7  }
0x12d: {  	v11 =	vshrl.u32 v11, $0x3  }
0x12e: {  	[tilespmem:s21+$0xFFFFFFF0] =	vst v10;
	v10 =	vshll.u32 v11, v1  }
0x12f: {  	v9 =	vld.idx.msk [tilespmem:v9+s29+$0x0], $0xffff;
	v10 =	vbroadcast v10, $0x0;
	_ =	sdelay $0x1  }
0x130: {  	v10 =	vadd.s32 v6, v10  }
0x131: {  	s7 =	sadd.s32 $0xFFFFFFFF, s22  }
0x132: {  	v11 =	vmov s7  }
0x133: {  	v11 =	vshrl.u32 v11, $0x3  }
0x134: {  	[tilespmem:s21+$0x0] =	vst v9;
	v9 =	vshll.u32 v11, v1  }
0x135: {  	v10 =	vld.idx.msk [tilespmem:v10+s29+$0x0], $0xffff;
	v9 =	vbroadcast v9, $0x0;
	_ =	sdelay $0x1  }
0x136: {  	v9 =	vadd.s32 v7, v9;
	_ =	sdelay $0x1  }
0x137: {  	v11 =	vmov s22;
	s22 =	smov.u32 s2  }
0x138: {  	v11 =	vshrl.u32 v11, $0x3  }
.Ltmp1:
0x139: {  	[tilespmem:s21+$0x10] =	vst v10;
	v10 =	vshll.u32 v11, v1;
	(pc) =	sbr.rel @p0 .LBB2_5-.Ltmp1, $3  }
0x13a: {  	v9 =	vld.idx.msk [tilespmem:v9+s29+$0x0], $0xffff;
	v10 =	vbroadcast v10, $0x0;
	_ =	sdelay $0x1  }
0x13b: {  	v10 =	vadd.s32 v8, v10  }
0x13c: {  	s2 =	sadd.s32 $0x8, s2;
	s7 =	sadd.s32 $0xFFFFFFF9, s22  }
0x13d: {  	v11 =	vmov s7  }
0x13e: {  	v11 =	vshrl.u32 v11, $0x3  }
0x13f: {  	v11 =	vshll.u32 v11, v1  }
0x140: {  	[tilespmem:s21+$0x20] =	vst v9;
	v9 =	vbroadcast v11, $0x0  }
0x141: {  	v10 =	vld.idx.msk [tilespmem:v10+s29+$0x0], $0xffff  }
0x142: {  	s2 =	sadd.s32 $0xFFFFFFFA, s22;
	v9 =	vadd.s32 v0, v9  }
0x143: {  	v11 =	vmov s2  }
0x144: {  	v11 =	vshrl.u32 v11, $0x3  }
0x145: {  	v11 =	vshll.u32 v11, v1  }
0x146: {  	[tilespmem:s21+$0x30] =	vst v10;
	v10 =	vbroadcast v11, $0x0  }
0x147: {  	v9 =	vld.idx.msk [tilespmem:v9+s29+$0x0], $0xffff  }
0x148: {  	s7 =	sadd.s32 $0xFFFFFFFB, s22;
	v10 =	vadd.s32 v2, v10  }
0x149: {  	v11 =	vmov s7  }
0x14a: {  	v11 =	vshrl.u32 v11, $0x3  }
0x14b: {  	s2 =	sadd.s32 $0x80, s21;
	v11 =	vshll.u32 v11, v1  }
0x14c: {  	[tilespmem:s2+$0xFFFFFFC0] =	vst v9;
	v9 =	vbroadcast v11, $0x0  }
0x14d: {  	v10 =	vld.idx.msk [tilespmem:v10+s29+$0x0], $0xffff  }
0x14e: {  	s21 =	sadd.s32 $0xFFFFFFFC, s22;
	v9 =	vadd.s32 v3, v9  }
0x14f: {  	v11 =	vmov s21  }
0x150: {  	v11 =	vshrl.u32 v11, $0x3  }
0x151: {  	v11 =	vshll.u32 v11, v1  }
0x152: {  	[tilespmem:s2+$0xFFFFFFD0] =	vst v10;
	v10 =	vbroadcast v11, $0x0  }
0x153: {  	v9 =	vld.idx.msk [tilespmem:v9+s29+$0x0], $0xffff  }
0x154: {  	s23 =	sadd.s32 $0xFFFFFFFD, s22;
	v10 =	vadd.s32 v4, v10  }
0x155: {  	v11 =	vmov s23  }
0x156: {  	v11 =	vshrl.u32 v11, $0x3  }
0x157: {  	v11 =	vshll.u32 v11, v1  }
0x158: {  	[tilespmem:s2+$0xFFFFFFE0] =	vst v9;
	v9 =	vbroadcast v11, $0x0  }
0x159: {  	v10 =	vld.idx.msk [tilespmem:v10+s29+$0x0], $0xffff  }
0x15a: {  	s21 =	sadd.s32 $0xFFFFFFFE, s22;
	v9 =	vadd.s32 v5, v9  }
0x15b: {  	v11 =	vmov s21  }
0x15c: {  	v11 =	vshrl.u32 v11, $0x3  }
0x15d: {  	v11 =	vshll.u32 v11, v1  }
0x15e: {  	[tilespmem:s2+$0xFFFFFFF0] =	vst v10;
	v10 =	vbroadcast v11, $0x0  }
0x15f: {  	v9 =	vld.idx.msk [tilespmem:v9+s29+$0x0], $0xffff  }
0x160: {  	s23 =	sadd.s32 $0xFFFFFFFF, s22;
	v10 =	vadd.s32 v6, v10  }
0x161: {  	v11 =	vmov s23  }
0x162: {  	v11 =	vshrl.u32 v11, $0x3  }
0x163: {  	v11 =	vshll.u32 v11, v1  }
0x164: {  	[tilespmem:s2+$0x0] =	vst v9;
	v9 =	vbroadcast v11, $0x0  }
0x165: {  	v10 =	vld.idx.msk [tilespmem:v10+s29+$0x0], $0xffff  }
0x166: {  	v9 =	vadd.s32 v7, v9  }
0x167: {  	v11 =	vmov s22  }
0x168: {  	v11 =	vshrl.u32 v11, $0x3  }
0x169: {  	v11 =	vshll.u32 v11, v1  }
0x16a: {  	[tilespmem:s2+$0x10] =	vst v10;
	v10 =	vbroadcast v11, $0x0  }
0x16b: {  	v9 =	vld.idx.msk [tilespmem:v9+s29+$0x0], $0xffff  }
0x16c: {  	v10 =	vadd.s32 v8, v10;
	_ =	sdelay $0x3  }
0x16d: {  	[tilespmem:s2+$0x20] =	vst v9  }
0x16e: {  	v9 =	vld.idx.msk [tilespmem:v10+s29+$0x0], $0xffff;
	_ =	sdelay $0x2  }
0x16f: {  	s14 =	sshll.u32 s14, $0x1  }
0x170: {  	s7 =	sand.u32 $0x1FFFFFF0, s14  }
0x171: {  	s21 =	sadd.s32 s11, s7;
	[tilespmem:s2+$0x30] =	vst v9  }
0x172: {  	[hbm4b:s21+s3] =	stream.linear.scatter [tilespmem:s31], [sflag:$0x7], $0x3E80, $0x38;
	[tilespmem:$0x1C520] =	vst v63  }
0x173: {  	_ =	swait.ge [sflag:s18], $0x3E80  }
0x174: {  	[sflag:s18] =	ssyncset.done $0x0  }
0x175: {  	[sflag:s18] =	ssyncadd.s32 $0xFFFFC180  }
0x176: {  	_ =	swait.ge [sflag:s12], $0x3E80  }
0x177: {  	[sflag:s12] =	ssyncset.done $0x0  }
0x178: {  	s22 =	sadd.s32 s9, s7;
	[sflag:s12] =	ssyncadd.s32 $0xFFFFC180  }
0x179: {  	[hbm4b:s22+s3] =	stream.linear.scatter [tilespmem:s26], [sflag:$0x7], $0x3E80, $0x38;
	[tilespmem:$0x1C520] =	vst v63  }
0x17a: {  	_ =	swait.ge [sflag:s18], $0x3E80  }
0x17b: {  	[sflag:s18] =	ssyncset.done $0x0  }
0x17c: {  	[sflag:s18] =	ssyncadd.s32 $0xFFFFC180  }
0x17d: {  	s17 =	sadd.s32 $0x1, s17;
	_ =	swait.ge [sflag:s13], $0x3E80  }
0x17e: {  	p0 =	sne.s32 s17, $0x5;
	[sflag:s13] =	ssyncset.done $0x0  }
.Ltmp2:
0x17f: {  	s23 =	sadd.s32 s10, s7;
	[sflag:s13] =	ssyncadd.s32 $0xFFFFC180;
	(pc) =	sbr.rel @p0 .LBB2_2-.Ltmp2, $4  }
0x180: {  	[hbm4b:s23+s3] =	stream.linear.scatter [tilespmem:s28], [sflag:$0x7], $0x3E80, $0x38;
	[tilespmem:$0x1C520] =	vst v63  }
0x181: {  	_ =	swait.ge [sflag:s18], $0x3E80  }
0x182: {  	[sflag:s18] =	ssyncset.done $0x0  }
0x183: {  	[sflag:s18] =	ssyncadd.s32 $0xFFFFC180  }
0x184: {  	s7 =	rddreg [dreg:$0x9]  }
0x185: {  	s2 =	rddreg [dreg:$0x8];
	s7 =	sadd.s32 $0x1, s7  }
0x186: {  	p0 =	sne.s32 s7, s2  }
.Ltmp3:
0x187: {  	_ = 	snop;
	(pc) =	sbr.rel @p0 .LBB2_1-.Ltmp3, $1  }
0x188: {  	_ =	sdelay $0x3  }
0x189: {  	_ =	sfence.sel $0x180000  }
0x18a: {  	[bflag:$0x0] =	sbarrier.arrive $0xFFFF  }
0x18b: {  	_ =	strace $0x90000047  }
0x18c: {  	s0 =	stileid.u32;
	[bflag:$0x2] =	sbarrier.arrive $0xFFFF  }
0x18d: {  	p0 =	sne.s32 s0, $0x0;
	s0 =	rddreg [dreg:$0x2]  }
0x18e: {  	s0 =	sadd.s32 @!p0 $0x100000, s0  }
0x18f: {  	[sflag:s0] =	ssyncadd.tile.s32 @!p0 $0x1;
	_ =	shalt  }
.Lfunc_end2:
_tile_overlayer_lowered:
.L_overlay_start_2:
0x190: {  	(tag) =	ssettag $0x2  }
0x191: {  	s0 =	rddreg [dreg:$0x0];
	s2 =	stileid.u32  }
0x192: {  	s1 =	rddreg [dreg:$0x1];
	p0 =	sne.s32 s2, $0x0  }
0x193: {  	s3 =	rddreg [dreg:$0x2];
	[bflag:$0x3] =	sbarrier.arrive $0xFFFF;
	s2 =	simm.s32 @!p0 $0x1C07  }
0x194: {  	[timem:s3], [sflag:s2] =	dma.local @!p0 [hbm:s0], s1  }
0x195: {  	s0 =	simm.s32 @!p0 $0x7  }
0x196: {  	_ =	swait.ge @!p0 [sflag:s0], s1  }
0x197: {  	s1 =	ssub.s32 @!p0 $0x0, s1;
	[sflag:s0] =	ssyncset.done @!p0 $0x0  }
0x198: {  	[sflag:s0] =	ssyncadd.s32 @!p0 s1  }
0x199: {  	[bflag:$0x3] =	sbarrier.arrive $0xFFFF  }
0x19a: {  	_ =	shalt  }

</sc_bundles>
